<compile_context>
chip_gen: v7x
topology: tpu7x:2x2x1
jax: 0.10.2.dev20260603
libtpu: 0.0.44.dev20260713+nightly
codegen_flags: <defaults>
</compile_context>

<pallas_src>
import functools

import jax
import jax.numpy as jnp
from jax import lax
from jax.experimental import pallas as pl
from jax.experimental.pallas import tpu as pltpu
from jax.experimental.pallas import tpu_sc as plsc

N_NODES = 10000
N_EDGES = 320000
H = 128
G = 128
EBLK = 16384
S0P = 10112
NW = 32
CH = N_EDGES // NW
L = 16
NEG = -3.4e38

_SC_PARAMS = pltpu.CompilerParams(needs_layout_passes=False)


def _sc_mesh():
    return plsc.VectorSubcoreMesh(
        core_axis_name="c", subcore_axis_name="s", num_cores=2, num_subcores=16)




def _a_body(fts_ref, w_ref, b_ref, ei_ref, l0_ref, l1_ref, idx_ref):
    lg = lax.dot_general(w_ref[...], fts_ref[...],
                         (((1,), (1,)), ((), ())))
    lg = lg + b_ref[...]
    l0_ref[...] = lg[0]
    l1_ref[...] = lg[1]
    idx_ref[...] = ei_ref[0]


NE_A = 163840
NE_B = N_EDGES - NE_A
BOFF = NE_A // EBLK


def _edge_logits(edge_fts, W_edge, b_edge, edge_index, n_out, boff):
    return pl.pallas_call(
        _a_body,
        grid=((n_out + EBLK - 1) // EBLK,),
        in_specs=[
            pl.BlockSpec((EBLK, H), lambda i: (i + boff, 0)),
            pl.BlockSpec((2, H), lambda i: (0, 0)),
            pl.BlockSpec((2, 1), lambda i: (0, 0)),
            pl.BlockSpec((2, EBLK), lambda i: (0, i + boff)),
        ],
        out_specs=[
            pl.BlockSpec((EBLK,), lambda i: (i,)),
            pl.BlockSpec((EBLK,), lambda i: (i,)),
            pl.BlockSpec((EBLK,), lambda i: (i,)),
        ],
        out_shape=[
            jax.ShapeDtypeStruct((n_out,), jnp.float32),
            jax.ShapeDtypeStruct((n_out,), jnp.float32),
            jax.ShapeDtypeStruct((n_out,), jnp.int32),
        ],
    )(edge_fts, W_edge, b_edge.reshape(2, 1), edge_index)




def _scatter_max16_pair(acc_a, idx_a, val_a, acc_b, idx_b, val_b):

    def cond(st):
        aa, ab = st
        return jnp.any(jnp.logical_or(aa, ab))

    def body(st):
        aa, ab = st
        cura = plsc.load_gather(acc_a, [idx_a])
        needa = jnp.logical_and(aa, val_a > cura)
        plsc.store_scatter(acc_a, [idx_a], val_a, mask=needa)
        curb = plsc.load_gather(acc_b, [idx_b])
        needb = jnp.logical_and(ab, val_b > curb)
        plsc.store_scatter(acc_b, [idx_b], val_b, mask=needb)
        cura2 = plsc.load_gather(acc_a, [idx_a])
        curb2 = plsc.load_gather(acc_b, [idx_b])
        return (jnp.logical_and(needa, val_a > cura2),
                jnp.logical_and(needb, val_b > curb2))

    aa0 = val_a > plsc.load_gather(acc_a, [idx_a])
    ab0 = val_b > plsc.load_gather(acc_b, [idx_b])
    lax.while_loop(cond, body, (aa0, ab0))


def _vfill(ref, n, value, dtype):
    def body(i, _):
        ref[pl.ds(i * L, L)] = jnp.full((L,), value, dtype)
        return 0

    lax.fori_loop(0, n // L, body, 0)




def _k1_partials(e_idx, l0, l1, ch):
    @functools.partial(
        pl.kernel,
        out_type=(
            jax.ShapeDtypeStruct((NW, S0P), jnp.float32),
            jax.ShapeDtypeStruct((NW, S0P), jnp.float32),
        ),
        mesh=_sc_mesh(),
        compiler_params=_SC_PARAMS,
        scratch_types=[
            pltpu.VMEM((ch,), jnp.int32),
            pltpu.VMEM((ch,), jnp.float32),
            pltpu.VMEM((ch,), jnp.float32),
            pltpu.VMEM((S0P,), jnp.float32),
            pltpu.VMEM((S0P,), jnp.float32),
        ],
    )
    def k(idx_h, l0_h, l1_h, m0p_h, m1p_h,
          idx_v, l0_v, l1_v, m0a, m1a):
        wid = lax.axis_index("s") * 2 + lax.axis_index("c")
        base = wid * ch
        pltpu.sync_copy(idx_h.at[pl.ds(base, ch)], idx_v)
        pltpu.sync_copy(l0_h.at[pl.ds(base, ch)], l0_v)
        pltpu.sync_copy(l1_h.at[pl.ds(base, ch)], l1_v)
        _vfill(m0a, S0P, NEG, jnp.float32)
        _vfill(m1a, S0P, NEG, jnp.float32)

        def step(j, _):
            sl = pl.ds(j * L, L)
            idx = idx_v[sl]
            _scatter_max16_pair(m0a, idx, l0_v[sl], m1a, idx, l1_v[sl])
            return 0

        lax.fori_loop(0, ch // L, step, 0)
        pltpu.sync_copy(m0a, m0p_h.at[wid])
        pltpu.sync_copy(m1a, m1p_h.at[wid])

    return k(e_idx, l0, l1)




_CB = 2500


def _c1a_chunk(c, nf_ref, w_ref, b_ref, g0_ref, g1_ref, g2_ref, bv_ref):
    sl = pl.ds(c * _CB, _CB)
    x = nf_ref[sl, :]
    logits = lax.dot_general(x, w_ref[...],
                             (((1,), (1,)), ((), ())))
    logits = logits + b_ref[...]
    gt = jnp.concatenate([g0_ref[sl, :], g1_ref[sl, :], g2_ref[sl, :]],
                         axis=1)
    bv = bv_ref[sl, :]
    onehot = bv == lax.broadcasted_iota(jnp.int32, (_CB, G), 1)
    return logits, gt, onehot


def _c1a_body(tf_ref, nf_ref, w_ref, b_ref, g0_ref, g1_ref, g2_ref, bv_ref,
              states_ref, np_ref):
    def ph1(c, carry):
        m_n, gseg, dotn, bce1, bce2, n0c = carry
        logits, gt, onehot = _c1a_chunk(c, nf_ref, w_ref, b_ref, g0_ref,
                                        g1_ref, g2_ref, bv_ref)
        l0 = logits[:, 0:1]
        g0 = gt[:, 0:1]
        m_n = jnp.maximum(m_n, jnp.max(jnp.where(onehot, l0, NEG), axis=0,
                                       keepdims=True))
        gseg = gseg + jnp.sum(jnp.where(onehot, g0, 0.0), axis=0,
                              keepdims=True)
        dotn = dotn + jnp.sum(g0 * l0)
        l1 = logits[:, 1:2]
        g1 = gt[:, 1:2]
        bce1 = bce1 + jnp.sum(jnp.maximum(l1, 0.0) - l1 * g1 +
                              jnp.log1p(jnp.exp(-jnp.abs(l1))))
        l2 = logits[:, 2:3]
        g2 = gt[:, 2:3]
        bce2 = bce2 + jnp.sum(jnp.maximum(l2, 0.0) - l2 * g2 +
                              jnp.log1p(jnp.exp(-jnp.abs(l2))))
        n0c = n0c + jnp.sum(jnp.where(onehot[:, 0:1], 1.0, 0.0))
        return m_n, gseg, dotn, bce1, bce2, n0c

    init = (jnp.full((1, G), NEG, jnp.float32),
            jnp.zeros((1, G), jnp.float32),
            jnp.float32(0.0), jnp.float32(0.0), jnp.float32(0.0),
            jnp.float32(0.0))
    m_n, gseg, dotn, bce1, bce2, n0c = lax.fori_loop(
        0, N_NODES // _CB, ph1, init)

    def ph2(c, denom):
        logits, gt, onehot = _c1a_chunk(c, nf_ref, w_ref, b_ref, g0_ref,
                                        g1_ref, g2_ref, bv_ref)
        l0 = logits[:, 0:1]
        m_gath = jnp.sum(jnp.where(onehot, m_n, 0.0), axis=1, keepdims=True)
        denom = denom + jnp.sum(jnp.where(onehot, jnp.exp(l0 - m_gath), 0.0),
                                axis=0, keepdims=True)
        preds = jnp.concatenate(
            [(l0 >= m_gath).astype(jnp.float32),
             (logits[:, 1:2] > 0.0).astype(jnp.float32),
             (logits[:, 2:3] > 0.0).astype(jnp.float32)], axis=1)
        states_ref[pl.ds(c * _CB, _CB), :] = jnp.where(tf_ref[0] != 0, gt,
                                                       preds)
        return denom

    denom = lax.fori_loop(0, N_NODES // _CB, ph2,
                          jnp.zeros((1, G), jnp.float32))

    loss_n0 = (-dotn + jnp.sum(gseg * m_n) +
               jnp.sum(gseg * jnp.log(denom + 1e-20))) / G
    loss_node = loss_n0 + bce1 / N_NODES + bce2 / N_NODES
    ii = lax.broadcasted_iota(jnp.int32, (1, G), 1)
    np_ref[...] = jnp.where(ii == 0, loss_node,
                            jnp.where(ii == 1, n0c, 0.0))


def _c1a(node_fts, W_node, b_node, gtn0, gtn1, gtn2, batch_vec, tf_i):
    return pl.pallas_call(
        _c1a_body,
        grid=(1,),
        in_specs=[
            pl.BlockSpec(memory_space=pltpu.SMEM),
            pl.BlockSpec((N_NODES, H), lambda i: (0, 0)),
            pl.BlockSpec((3, H), lambda i: (0, 0)),
            pl.BlockSpec((1, 3), lambda i: (0, 0)),
            pl.BlockSpec((N_NODES, 1), lambda i: (0, 0)),
            pl.BlockSpec((N_NODES, 1), lambda i: (0, 0)),
            pl.BlockSpec((N_NODES, 1), lambda i: (0, 0)),
            pl.BlockSpec((N_NODES, 1), lambda i: (0, 0)),
        ],
        out_specs=[
            pl.BlockSpec((N_NODES, 3), lambda i: (0, 0)),
            pl.BlockSpec((1, G), lambda i: (0, 0)),
        ],
        out_shape=[
            jax.ShapeDtypeStruct((N_NODES, 3), jnp.float32),
            jax.ShapeDtypeStruct((1, G), jnp.float32),
        ],
    )(tf_i, node_fts, W_node, b_node.reshape(1, 3), gtn0, gtn1, gtn2,
      batch_vec.reshape(N_NODES, 1))




def _c1b_body(m0pa_ref, m0pb_ref, m1pa_ref, m1pb_ref, bv_ref,
              m0f_ref, m2f_ref):
    m0f_ref[...] = jnp.maximum(
        jnp.max(m0pa_ref[...], axis=0, keepdims=True),
        jnp.max(m0pb_ref[...], axis=0, keepdims=True))
    m1f = jnp.maximum(
        jnp.max(m1pa_ref[...], axis=0, keepdims=True),
        jnp.max(m1pb_ref[...], axis=0, keepdims=True))
    gmask = bv_ref[...] == lax.broadcasted_iota(jnp.int32, (G, S0P), 0)
    m2f_ref[...] = jnp.max(jnp.where(gmask, m1f, NEG), axis=1, keepdims=True)


def _c1b(m0pa, m0pb, m1pa, m1pb, bv_row):
    return pl.pallas_call(
        _c1b_body,
        grid=(1,),
        in_specs=[
            pl.BlockSpec((NW, S0P), lambda i: (0, 0)),
            pl.BlockSpec((NW, S0P), lambda i: (0, 0)),
            pl.BlockSpec((NW, S0P), lambda i: (0, 0)),
            pl.BlockSpec((NW, S0P), lambda i: (0, 0)),
            pl.BlockSpec((1, S0P), lambda i: (0, 0)),
        ],
        out_specs=[
            pl.BlockSpec((1, S0P), lambda i: (0, 0)),
            pl.BlockSpec((G, 1), lambda i: (0, 0)),
        ],
        out_shape=[
            jax.ShapeDtypeStruct((1, S0P), jnp.float32),
            jax.ShapeDtypeStruct((G, 1), jnp.float32),
        ],
    )(m0pa, m0pb, m1pa, m1pb, bv_row)




def _k3_denoms_states(e_idx, l0, l1, g0, g1, batch_vec, m0f, m2f, tf16):
    @functools.partial(
        pl.kernel,
        out_type=(
            jax.ShapeDtypeStruct((N_EDGES,), jnp.float32),
            jax.ShapeDtypeStruct((N_EDGES,), jnp.float32),
            jax.ShapeDtypeStruct((NW, S0P), jnp.float32),
            jax.ShapeDtypeStruct((NW, G), jnp.float32),
            jax.ShapeDtypeStruct((NW, S0P), jnp.float32),
            jax.ShapeDtypeStruct((NW, G), jnp.float32),
            jax.ShapeDtypeStruct((NW, L), jnp.float32),
            jax.ShapeDtypeStruct((NW, L), jnp.float32),
        ),
        mesh=_sc_mesh(),
        compiler_params=_SC_PARAMS,
        scratch_types=[
            pltpu.VMEM((CH,), jnp.int32),
            pltpu.VMEM((CH,), jnp.float32),
            pltpu.VMEM((CH,), jnp.float32),
            pltpu.VMEM((CH,), jnp.float32),
            pltpu.VMEM((CH,), jnp.float32),
            pltpu.VMEM((N_NODES,), jnp.int32),
            pltpu.VMEM((S0P,), jnp.float32),
            pltpu.VMEM((G,), jnp.float32),
            pltpu.VMEM((CH,), jnp.float32),
            pltpu.VMEM((CH,), jnp.float32),
            pltpu.VMEM((S0P,), jnp.float32),
            pltpu.VMEM((G,), jnp.float32),
            pltpu.VMEM((S0P,), jnp.float32),
            pltpu.VMEM((G,), jnp.float32),
            pltpu.VMEM((L,), jnp.int32),
            pltpu.VMEM((L,), jnp.float32),
        ],
    )
    def k(idx_h, l0_h, l1_h, g0_h, g1_h, bv_h, m0f_h, m2f_h, tf_h,
          s0_h, s1_h, d0p_h, d2p_h, g0p_h, g2p_h, dp0_h, dp1_h,
          idx_v, l0_v, l1_v, g0_v, g1_v, bv_v, m0f_v, m2f_v, s0_v, s1_v,
          d0a, d2a, g0a, g2a, tf_v, dt_v):
        wid = lax.axis_index("s") * 2 + lax.axis_index("c")
        base = wid * CH
        pltpu.sync_copy(idx_h.at[pl.ds(base, CH)], idx_v)
        pltpu.sync_copy(l0_h.at[pl.ds(base, CH)], l0_v)
        pltpu.sync_copy(l1_h.at[pl.ds(base, CH)], l1_v)
        pltpu.sync_copy(g0_h.at[pl.ds(base, CH)], g0_v)
        pltpu.sync_copy(g1_h.at[pl.ds(base, CH)], g1_v)
        pltpu.sync_copy(bv_h, bv_v)
        pltpu.sync_copy(m0f_h, m0f_v)
        pltpu.sync_copy(m2f_h, m2f_v)
        pltpu.sync_copy(tf_h, tf_v)
        _vfill(d0a, S0P, 0.0, jnp.float32)
        _vfill(d2a, G, 0.0, jnp.float32)
        _vfill(g0a, S0P, 0.0, jnp.float32)
        _vfill(g2a, G, 0.0, jnp.float32)
        tfv = tf_v[pl.ds(0, L)] != 0

        def step(j, carry):
            dv0, dv1 = carry
            sl = pl.ds(j * L, L)
            idx = idx_v[sl]
            v0 = l0_v[sl]
            gv0 = g0_v[sl]
            m0g = plsc.load_gather(m0f_v, [idx])
            s0_v[sl] = jnp.where(tfv, gv0, (v0 >= m0g).astype(jnp.float32))
            plsc.addupdate_scatter(d0a, [idx], jnp.exp(v0 - m0g))
            plsc.addupdate_scatter(g0a, [idx], gv0)
            idx2 = plsc.load_gather(bv_v, [idx])
            v1 = l1_v[sl]
            gv1 = g1_v[sl]
            m2g = plsc.load_gather(m2f_v, [idx2])
            s1_v[sl] = jnp.where(tfv, gv1, (v1 >= m2g).astype(jnp.float32))
            plsc.addupdate_scatter(d2a, [idx2], jnp.exp(v1 - m2g))
            plsc.addupdate_scatter(g2a, [idx2], gv1)
            return (dv0 + gv0 * v0, dv1 + gv1 * v1)

        zero = jnp.zeros((L,), jnp.float32)
        dv0, dv1 = lax.fori_loop(0, CH // L, step, (zero, zero))
        pltpu.sync_copy(s0_v, s0_h.at[pl.ds(base, CH)])
        pltpu.sync_copy(s1_v, s1_h.at[pl.ds(base, CH)])
        pltpu.sync_copy(d0a, d0p_h.at[wid])
        pltpu.sync_copy(d2a, d2p_h.at[wid])
        pltpu.sync_copy(g0a, g0p_h.at[wid])
        pltpu.sync_copy(g2a, g2p_h.at[wid])
        dt_v[pl.ds(0, L)] = dv0
        pltpu.sync_copy(dt_v, dp0_h.at[wid])
        dt_v[pl.ds(0, L)] = dv1
        pltpu.sync_copy(dt_v, dp1_h.at[wid])

    return k(e_idx, l0, l1, g0, g1, batch_vec, m0f, m2f, tf16)




def _c2_body(d0p_ref, d2p_ref, m0f_ref, g0p_ref, m2f_ref, g2p_ref,
             dp0_ref, dp1_ref, np_ref, out_ref):
    d0f = jnp.sum(d0p_ref[...], axis=0, keepdims=True)
    d2f = jnp.sum(d2p_ref[...], axis=0, keepdims=True)
    g0f = jnp.sum(g0p_ref[...], axis=0, keepdims=True)
    g2f = jnp.sum(g2p_ref[...], axis=0, keepdims=True)
    dot0 = jnp.sum(dp0_ref[...])
    dot1 = jnp.sum(dp1_ref[...])
    npv = np_ref[...]
    ii = lax.broadcasted_iota(jnp.int32, (1, G), 1)
    loss_node = jnp.sum(jnp.where(ii == 0, npv, 0.0))
    n0count = jnp.sum(jnp.where(ii == 1, npv, 0.0))
    m0f = m0f_ref[...]
    m2f = m2f_ref[...]
    loss_a = (-dot0 + jnp.sum(g0f * m0f) +
              jnp.sum(g0f * jnp.log(d0f + 1e-20))) / N_NODES
    loss_b = n0count * (-dot1 + jnp.sum(g2f * m2f) +
                        jnp.sum(g2f * jnp.log(d2f + 1e-20))) / G
    out_ref[...] = jnp.full((1, 1), loss_node + loss_a + loss_b, jnp.float32)


def _c2(d0p, d2p, m0f, g0p, m2f, g2p, dp0, dp1, npart):
    return pl.pallas_call(
        _c2_body,
        grid=(1,),
        in_specs=[
            pl.BlockSpec((NW, S0P), lambda i: (0, 0)),
            pl.BlockSpec((NW, G), lambda i: (0, 0)),
            pl.BlockSpec((1, S0P), lambda i: (0, 0)),
            pl.BlockSpec((NW, S0P), lambda i: (0, 0)),
            pl.BlockSpec((1, G), lambda i: (0, 0)),
            pl.BlockSpec((NW, G), lambda i: (0, 0)),
            pl.BlockSpec((NW, L), lambda i: (0, 0)),
            pl.BlockSpec((NW, L), lambda i: (0, 0)),
            pl.BlockSpec((1, G), lambda i: (0, 0)),
        ],
        out_specs=pl.BlockSpec((1, 1), lambda i: (0, 0)),
        out_shape=jax.ShapeDtypeStruct((1, 1), jnp.float32),
    )(d0p, d2p, m0f, g0p, m2f, g2p, dp0, dp1, npart)




def kernel(node_fts, edge_fts, node_hints, edge_hints, W_node, b_node, W_edge,
           b_edge, batch_vec, edge_index, processor_step, training_step,
           teacher_force):
    step = jnp.asarray(processor_step, jnp.int32)
    tf_i = jnp.asarray(teacher_force, jnp.int32).reshape(1)
    tf16 = jnp.broadcast_to(tf_i, (L,))
    batch_vec = batch_vec.astype(jnp.int32)

    g0 = lax.dynamic_slice(edge_hints, (0, step, 0),
                           (N_EDGES, 1, 1)).reshape(N_EDGES)
    g1 = lax.dynamic_slice(edge_hints, (0, step, 1),
                           (N_EDGES, 1, 1)).reshape(N_EDGES)
    gtn = [lax.dynamic_slice(node_hints, (0, step, k),
                             (N_NODES, 1, 1)).reshape(N_NODES, 1)
           for k in range(3)]

    ei32 = edge_index.astype(jnp.int32)
    l0a, l1a, idxa = _edge_logits(edge_fts, W_edge, b_edge, ei32, NE_A, 0)
    m0pa, m1pa = _k1_partials(idxa, l0a, l1a, NE_A // NW)
    l0b, l1b, idxb = _edge_logits(edge_fts, W_edge, b_edge, ei32, NE_B, BOFF)
    m0pb, m1pb = _k1_partials(idxb, l0b, l1b, NE_B // NW)
    l0 = jnp.concatenate([l0a, l0b])
    l1 = jnp.concatenate([l1a, l1b])
    e_idx = jnp.concatenate([idxa, idxb])
    states_n, npart = _c1a(node_fts, W_node, b_node, gtn[0], gtn[1], gtn[2],
                           batch_vec, tf_i)
    bv_row = jnp.pad(batch_vec, (0, S0P - N_NODES)).reshape(1, S0P)
    m0f, m2f = _c1b(m0pa, m0pb, m1pa, m1pb, bv_row)
    s0, s1, d0p, d2p, g0p, g2p, dp0, dp1 = _k3_denoms_states(
        e_idx, l0, l1, g0, g1, batch_vec, m0f.reshape(S0P), m2f.reshape(G),
        tf16)
    loss11 = _c2(d0p, d2p, m0f, g0p, m2f.reshape(1, G), g2p, dp0, dp1, npart)

    loss = loss11[0, 0]
    states_e = jnp.stack([s0, s1], axis=-1)
    return (states_n, states_e, loss)

# --- scband reference (transcript-rebuilt; emitter-appended) ---
"""Pipeline reference for scband-states-bottleneck-1924145349109 (READ-ONLY COPY).

The authoritative reference and input builder live on the scoring server;
editing this copy changes nothing except your own understanding.
"""

import jax, jax.numpy as jnp
import numpy as np

N_NODES = 10000
N_EDGES = 320000
H = 128
NUM_GRAPHS = 128
T = 16
NUM_NODE_STATES = 3
NUM_EDGE_STATES = 2
MASK = 0
POINTER = 1
EDGE_MASK_ONE = 2
SPEC = {"bfs": ([POINTER, MASK, MASK], [POINTER, EDGE_MASK_ONE])}


def _seg_log_softmax(logits, index, num_segments):
    m = jax.ops.segment_max(logits, index, num_segments=num_segments)
    m = jnp.where(jnp.isfinite(m), m, 0.0)
    shifted = logits - m[index]
    denom = jax.ops.segment_sum(jnp.exp(shifted), index, num_segments=num_segments)
    return shifted - jnp.log(denom + 1e-20)[index]


def _node_pointer_loss(logits, gt, index, num_segments):
    logp = _seg_log_softmax(logits, index, num_segments)
    return -jnp.sum(gt * logp) / num_segments


def _seg_argmax_onehot(logits, index, num_segments):
    # gumbel_softmax with tau=0.0, use_noise=False == hard segment-wise argmax one-hot
    m = jax.ops.segment_max(logits, index, num_segments=num_segments)
    m = jnp.where(jnp.isfinite(m), m, 0.0)
    return (logits >= m[index]).astype(jnp.float32)


def _bce_with_logits(logits, targets):
    return jnp.mean(jnp.maximum(logits, 0.0) - logits * targets + jnp.log1p(jnp.exp(-jnp.abs(logits))))


def _forward(node_fts, edge_fts, node_hints, edge_hints, W_node, b_node, W_edge, b_edge, batch_vec, edge_index, processor_step, teacher_force):
    spec = SPEC["bfs"]
    states = []
    loss = 0.0
    for group in range(2):
        fts = node_fts if group == 0 else edge_fts
        hints = node_hints[:, processor_step] if group == 0 else edge_hints[:, processor_step]
        W = W_node if group == 0 else W_edge
        b = b_node if group == 0 else b_edge
        stacked = []
        for idx in range(W.shape[0]):
            logits = fts @ W[idx] + b[idx]
            gt = hints[:, idx]
            s = spec[group][idx]
            if s != MASK:
                index = batch_vec if group == 0 else edge_index[0]
                num_segments = NUM_GRAPHS if group == 0 else N_NODES
                weight = 1.0
                if s == EDGE_MASK_ONE:
                    index = batch_vec[edge_index[0]]
                    num_segments = NUM_GRAPHS
                    weight = jnp.sum(batch_vec == 0).astype(jnp.float32)
                ce = weight * _node_pointer_loss(logits, gt, index, num_segments)
            else:
                ce = _bce_with_logits(logits, gt)
            loss = loss + ce
            if s != MASK:
                index = batch_vec if group == 0 else edge_index[0]
                num_segments = NUM_GRAPHS if group == 0 else N_NODES
                if s == EDGE_MASK_ONE:
                    index = batch_vec[edge_index[0]]
                    num_segments = NUM_GRAPHS
                pred_free = _seg_argmax_onehot(logits, index, num_segments)
            else:
                pred_free = (logits > 0.0).astype(jnp.float32)
            pred = jnp.where(teacher_force, gt, pred_free)
            stacked.append(pred[:, None])
        states.append(jnp.concatenate(stacked, -1))
    return (states[0], states[1], loss)


def setup_inputs(seed: int = 0):
    key = jax.random.key(seed)
    ks = jax.random.split(key, 8)
    node_fts = jax.random.normal(ks[0], (N_NODES, H), dtype=jnp.float32)
    edge_fts = jax.random.normal(ks[1], (N_EDGES, H), dtype=jnp.float32)
    node_hints = jax.random.uniform(ks[2], (N_NODES, T, NUM_NODE_STATES), dtype=jnp.float32)
    edge_hints = jax.random.uniform(ks[3], (N_EDGES, T, NUM_EDGE_STATES), dtype=jnp.float32)
    batch_vec = jnp.sort(jax.random.randint(ks[4], (N_NODES,), 0, NUM_GRAPHS))
    edge_index = jax.random.randint(ks[5], (2, N_EDGES), 0, N_NODES)
    W_node = jax.random.normal(ks[6], (NUM_NODE_STATES, H), dtype=jnp.float32) * (1.0 / np.sqrt(H))
    b_node = jnp.zeros((NUM_NODE_STATES,), dtype=jnp.float32)
    W_edge = jax.random.normal(ks[7], (NUM_EDGE_STATES, H), dtype=jnp.float32) * (1.0 / np.sqrt(H))
    b_edge = jnp.zeros((NUM_EDGE_STATES,), dtype=jnp.float32)
    return {"node_fts": node_fts, "edge_fts": edge_fts, "node_hints": node_hints, "edge_hints": edge_hints, "W_node": W_node, "b_node": b_node, "W_edge": W_edge, "b_edge": b_edge, "batch_vec": batch_vec, "edge_index": edge_index, "processor_step": 5, "training_step": 0, "teacher_force": False}


def reference(node_fts, edge_fts, node_hints, edge_hints, W_node, b_node, W_edge, b_edge, batch_vec, edge_index, processor_step, training_step, teacher_force):
    return _forward(node_fts, edge_fts, node_hints, edge_hints, W_node, b_node, W_edge, b_edge, batch_vec, edge_index, processor_step, teacher_force)

if __name__ == "__main__":
    import jax
    _d = setup_inputs()
    print(jax.jit(kernel)(*tuple(_d.values())))

</pallas_src>

<mosaic_0001>
#map = affine_map<(d0, d1) -> (0)>
#map1 = affine_map<(d0, d1) -> (0, 0)>
module attributes {stable_mosaic.version = 14 : i64} {
  func.func @k(%arg0: i32, %arg1: i32, %arg2: memref<163840xi32, #tpu.memory_space<hbm>>, %arg3: memref<163840xf32, #tpu.memory_space<hbm>>, %arg4: memref<163840xf32, #tpu.memory_space<hbm>>, %arg5: memref<32x10112xf32, #tpu.memory_space<hbm>>, %arg6: memref<32x10112xf32, #tpu.memory_space<hbm>>, %arg7: memref<5120xi32, #tpu.memory_space<vmem>>, %arg8: memref<5120xf32, #tpu.memory_space<vmem>>, %arg9: memref<5120xf32, #tpu.memory_space<vmem>>, %arg10: memref<10112xf32, #tpu.memory_space<vmem>>, %arg11: memref<10112xf32, #tpu.memory_space<vmem>>) attributes {dimension_semantics = [#tpu.dimension_semantics<core_parallel>, #tpu.dimension_semantics<subcore_parallel>], iteration_bounds = array<i64: 2, 16>, scalar_prefetch = 0 : i64, scratch_operands = 5 : i64, tpu.core_type = #tpu.core_type<sc_vector_subcore>, window_params = [{transform_indices = #map}, {transform_indices = #map}, {transform_indices = #map}, {transform_indices = #map1}, {transform_indices = #map1}]} {
    %mul3A = arith.constant 2 : i32
    %mul3A_0 = arith.muli %arg1, %mul3A : i32
    %add3A = arith.addi %mul3A_0, %arg0 : i32
    %mul3A_1 = arith.constant 5120 : i32
    %mul3A_2 = arith.muli %add3A, %mul3A_1 : i32
    "tpu.region"() ({
      %run_scoped3A = tpu.sem_alloc : memref<!tpu.dma_semaphore, #tpu.memory_space<semaphore_mem>>
      %dma_start3A = tpu.memref_slice %arg2[%mul3A_2] : memref<163840xi32, #tpu.memory_space<hbm>> -> memref<5120xi32, #tpu.memory_space<hbm>>
      %dma_start3A_23 = tpu.memref_slice %arg2[%mul3A_2] : memref<163840xi32, #tpu.memory_space<hbm>> -> memref<5120xi32, #tpu.memory_space<hbm>>
      tpu.enqueue_dma source(%dma_start3A_23 : memref<5120xi32, #tpu.memory_space<hbm>>) target(%arg7 : memref<5120xi32, #tpu.memory_space<vmem>>) target_semaphore(%run_scoped3A : memref<!tpu.dma_semaphore, #tpu.memory_space<semaphore_mem>>)
      %dma_wait3A = tpu.memref_slice %arg2[%mul3A_2] : memref<163840xi32, #tpu.memory_space<hbm>> -> memref<5120xi32, #tpu.memory_space<hbm>>
      %dma_wait3A_24 = tpu.memref_slice %arg2[%mul3A_2] : memref<163840xi32, #tpu.memory_space<hbm>> -> memref<5120xi32, #tpu.memory_space<hbm>>
      tpu.wait_dma2 semaphore(%run_scoped3A : memref<!tpu.dma_semaphore, #tpu.memory_space<semaphore_mem>>) src(%dma_wait3A_24 : memref<5120xi32, #tpu.memory_space<hbm>>) dst(%arg7 : memref<5120xi32, #tpu.memory_space<vmem>>)
      tpu.yield
    }) : () -> ()
    "tpu.region"() ({
      %run_scoped3A = tpu.sem_alloc : memref<!tpu.dma_semaphore, #tpu.memory_space<semaphore_mem>>
      %dma_start3A = tpu.memref_slice %arg3[%mul3A_2] : memref<163840xf32, #tpu.memory_space<hbm>> -> memref<5120xf32, #tpu.memory_space<hbm>>
      %dma_start3A_23 = tpu.memref_slice %arg3[%mul3A_2] : memref<163840xf32, #tpu.memory_space<hbm>> -> memref<5120xf32, #tpu.memory_space<hbm>>
      tpu.enqueue_dma source(%dma_start3A_23 : memref<5120xf32, #tpu.memory_space<hbm>>) target(%arg8 : memref<5120xf32, #tpu.memory_space<vmem>>) target_semaphore(%run_scoped3A : memref<!tpu.dma_semaphore, #tpu.memory_space<semaphore_mem>>)
      %dma_wait3A = tpu.memref_slice %arg3[%mul3A_2] : memref<163840xf32, #tpu.memory_space<hbm>> -> memref<5120xf32, #tpu.memory_space<hbm>>
      %dma_wait3A_24 = tpu.memref_slice %arg3[%mul3A_2] : memref<163840xf32, #tpu.memory_space<hbm>> -> memref<5120xf32, #tpu.memory_space<hbm>>
      tpu.wait_dma2 semaphore(%run_scoped3A : memref<!tpu.dma_semaphore, #tpu.memory_space<semaphore_mem>>) src(%dma_wait3A_24 : memref<5120xf32, #tpu.memory_space<hbm>>) dst(%arg8 : memref<5120xf32, #tpu.memory_space<vmem>>)
      tpu.yield
    }) : () -> ()
    "tpu.region"() ({
      %run_scoped3A = tpu.sem_alloc : memref<!tpu.dma_semaphore, #tpu.memory_space<semaphore_mem>>
      %dma_start3A = tpu.memref_slice %arg4[%mul3A_2] : memref<163840xf32, #tpu.memory_space<hbm>> -> memref<5120xf32, #tpu.memory_space<hbm>>
      %dma_start3A_23 = tpu.memref_slice %arg4[%mul3A_2] : memref<163840xf32, #tpu.memory_space<hbm>> -> memref<5120xf32, #tpu.memory_space<hbm>>
      tpu.enqueue_dma source(%dma_start3A_23 : memref<5120xf32, #tpu.memory_space<hbm>>) target(%arg9 : memref<5120xf32, #tpu.memory_space<vmem>>) target_semaphore(%run_scoped3A : memref<!tpu.dma_semaphore, #tpu.memory_space<semaphore_mem>>)
      %dma_wait3A = tpu.memref_slice %arg4[%mul3A_2] : memref<163840xf32, #tpu.memory_space<hbm>> -> memref<5120xf32, #tpu.memory_space<hbm>>
      %dma_wait3A_24 = tpu.memref_slice %arg4[%mul3A_2] : memref<163840xf32, #tpu.memory_space<hbm>> -> memref<5120xf32, #tpu.memory_space<hbm>>
      tpu.wait_dma2 semaphore(%run_scoped3A : memref<!tpu.dma_semaphore, #tpu.memory_space<semaphore_mem>>) src(%dma_wait3A_24 : memref<5120xf32, #tpu.memory_space<hbm>>) dst(%arg9 : memref<5120xf32, #tpu.memory_space<vmem>>)
      tpu.yield
    }) : () -> ()
    %scan3A = arith.constant 0 : i32
    %scan3A_3 = arith.constant 0 : i32
    %scan3A_4 = arith.constant 632 : i32
    %scan3A_5 = arith.addi %scan3A_3, %scan3A_4 : i32
    %scan3A_6 = arith.constant 1 : i32
    %scan3A_7 = scf.for %scan3A_23 = %scan3A_3 to %scan3A_5 step %scan3A_6 iter_args(%scan3A_24 = %scan3A) -> (i32)  : i32 {
      %broadcast_in_dim3A = arith.constant -3.400000e+38 : f32
      %broadcast_in_dim3A_25 = vector.broadcast %broadcast_in_dim3A : f32 to vector<16xf32>
      %mul3A_26 = arith.constant 16 : i32
      %mul3A_27 = arith.muli %scan3A_23, %mul3A_26 : i32
      %swap3A = arith.index_cast %mul3A_27 : i32 to index
      %swap3A_28 = tpu.vector_load %arg10[%swap3A] {strides = array<i32>} : memref<10112xf32, #tpu.memory_space<vmem>>, vector<16xf32>,
      tpu.vector_store %arg10[%swap3A], %broadcast_in_dim3A_25 {strides = array<i32>} : memref<10112xf32, #tpu.memory_space<vmem>>, vector<16xf32>,
      %scan3A_29 = arith.constant 0 : i32
      scf.yield %scan3A_29 : i32
    }
    %scan3A_8 = arith.constant 632 : i32
    %scan3A_9 = arith.constant 0 : i32
    %scan3A_10 = arith.constant 0 : i32
    %scan3A_11 = arith.constant 632 : i32
    %scan3A_12 = arith.addi %scan3A_10, %scan3A_11 : i32
    %scan3A_13 = arith.constant 1 : i32
    %scan3A_14 = scf.for %scan3A_23 = %scan3A_10 to %scan3A_12 step %scan3A_13 iter_args(%scan3A_24 = %scan3A_9) -> (i32)  : i32 {
      %broadcast_in_dim3A = arith.constant -3.400000e+38 : f32
      %broadcast_in_dim3A_25 = vector.broadcast %broadcast_in_dim3A : f32 to vector<16xf32>
      %mul3A_26 = arith.constant 16 : i32
      %mul3A_27 = arith.muli %scan3A_23, %mul3A_26 : i32
      %swap3A = arith.index_cast %mul3A_27 : i32 to index
      %swap3A_28 = tpu.vector_load %arg11[%swap3A] {strides = array<i32>} : memref<10112xf32, #tpu.memory_space<vmem>>, vector<16xf32>,
      tpu.vector_store %arg11[%swap3A], %broadcast_in_dim3A_25 {strides = array<i32>} : memref<10112xf32, #tpu.memory_space<vmem>>, vector<16xf32>,
      %scan3A_29 = arith.constant 0 : i32
      scf.yield %scan3A_29 : i32
    }
    %scan3A_15 = arith.constant 632 : i32
    %scan3A_16 = arith.constant 0 : i32
    %scan3A_17 = arith.constant 0 : i32
    %scan3A_18 = arith.constant 320 : i32
    %scan3A_19 = arith.addi %scan3A_17, %scan3A_18 : i32
    %scan3A_20 = arith.constant 1 : i32
    %scan3A_21 = scf.for %scan3A_23 = %scan3A_17 to %scan3A_19 step %scan3A_20 iter_args(%scan3A_24 = %scan3A_16) -> (i32)  : i32 {
      %mul3A_25 = arith.constant 16 : i32
      %mul3A_26 = arith.muli %scan3A_23, %mul3A_25 : i32
      %get3A = arith.index_cast %mul3A_26 : i32 to index
      %get3A_27 = tpu.vector_load %arg7[%get3A] {strides = array<i32>} : memref<5120xi32, #tpu.memory_space<vmem>>, vector<16xi32>,
      %get3A_28 = arith.index_cast %mul3A_26 : i32 to index
      %get3A_29 = tpu.vector_load %arg8[%get3A_28] {strides = array<i32>} : memref<5120xf32, #tpu.memory_space<vmem>>, vector<16xf32>,
      %get3A_30 = arith.index_cast %mul3A_26 : i32 to index
      %get3A_31 = tpu.vector_load %arg9[%get3A_30] {strides = array<i32>} : memref<5120xf32, #tpu.memory_space<vmem>>, vector<16xf32>,
      %gather3A = tpu.vector_load_idx %arg10[%get3A_27] : memref<10112xf32, #tpu.memory_space<vmem>>[vector<16xi32>], vector<16xf32>,
      %gt3A = arith.cmpf ogt, %get3A_29, %gather3A : vector<16xf32>
      %gather3A_32 = tpu.vector_load_idx %arg11[%get3A_27] : memref<10112xf32, #tpu.memory_space<vmem>>[vector<16xi32>], vector<16xf32>,
      %gt3A_33 = arith.cmpf ogt, %get3A_31, %gather3A_32 : vector<16xf32>
      %while3A:2 = scf.while (%while3A_35 = %gt3A, %while3A_36 = %gt3A_33) : (vector<16xi1>, vector<16xi1>) -> (vector<16xi1>, vector<16xi1>) {
        %or3A = arith.ori %while3A_35, %while3A_36 : vector<16xi1>
        %reduce_or3A = arith.constant 1.000000e+00 : f32
        %reduce_or3A_37 = arith.constant 0.000000e+00 : f32
        %reduce_or3A_38 = vector.broadcast %reduce_or3A : f32 to vector<16xf32>
        %reduce_or3A_39 = vector.broadcast %reduce_or3A_37 : f32 to vector<16xf32>
        %reduce_or3A_40 = arith.select %or3A, %reduce_or3A_38, %reduce_or3A_39 : vector<16xi1>, vector<16xf32>
        %reduce_or3A_41 = arith.constant true
        %reduce_or3A_42 = vector.broadcast %reduce_or3A_41 : i1 to vector<16xi1>
        %reduce_or3A_43 = tpu.scan <max>, %reduce_or3A_40 masked %reduce_or3A_42 : vector<16xf32>, vector<16xi1> -> vector<16xf32>
        %reduce_or3A_44 = vector.extract %reduce_or3A_43[15] : f32 from vector<16xf32>
        %reduce_or3A_45 = arith.constant 0.000000e+00 : f32
        %reduce_or3A_46 = arith.cmpf ogt, %reduce_or3A_44, %reduce_or3A_45 : f32
        scf.condition(%reduce_or3A_46) %while3A_35, %while3A_36 : vector<16xi1>, vector<16xi1>
      } do {
      ^bb0(%while3A_35: vector<16xi1>, %while3A_36: vector<16xi1>):
        %gather3A_37 = tpu.vector_load_idx %arg10[%get3A_27] : memref<10112xf32, #tpu.memory_space<vmem>>[vector<16xi32>], vector<16xf32>,
        %gt3A_38 = arith.cmpf ogt, %get3A_29, %gather3A_37 : vector<16xf32>
        %and3A = arith.andi %while3A_35, %gt3A_38 : vector<16xi1>
        tpu.vector_store_idx %arg10[%get3A_27], %get3A_29 masked %and3A : memref<10112xf32, #tpu.memory_space<vmem>>[vector<16xi32>], vector<16xf32>, vector<16xi1>
        %gather3A_39 = tpu.vector_load_idx %arg11[%get3A_27] : memref<10112xf32, #tpu.memory_space<vmem>>[vector<16xi32>], vector<16xf32>,
        %gt3A_40 = arith.cmpf ogt, %get3A_31, %gather3A_39 : vector<16xf32>
        %and3A_41 = arith.andi %while3A_36, %gt3A_40 : vector<16xi1>
        tpu.vector_store_idx %arg11[%get3A_27], %get3A_31 masked %and3A_41 : memref<10112xf32, #tpu.memory_space<vmem>>[vector<16xi32>], vector<16xf32>, vector<16xi1>
        %gather3A_42 = tpu.vector_load_idx %arg10[%get3A_27] : memref<10112xf32, #tpu.memory_space<vmem>>[vector<16xi32>], vector<16xf32>,
        %gather3A_43 = tpu.vector_load_idx %arg11[%get3A_27] : memref<10112xf32, #tpu.memory_space<vmem>>[vector<16xi32>], vector<16xf32>,
        %gt3A_44 = arith.cmpf ogt, %get3A_29, %gather3A_42 : vector<16xf32>
        %and3A_45 = arith.andi %and3A, %gt3A_44 : vector<16xi1>
        %gt3A_46 = arith.cmpf ogt, %get3A_31, %gather3A_43 : vector<16xf32>
        %and3A_47 = arith.andi %and3A_41, %gt3A_46 : vector<16xi1>
        scf.yield %and3A_45, %and3A_47 : vector<16xi1>, vector<16xi1>
      }
      %scan3A_34 = arith.constant 0 : i32
      scf.yield %scan3A_34 : i32
    }
    %scan3A_22 = arith.constant 320 : i32
    "tpu.region"() ({
      %run_scoped3A = tpu.sem_alloc : memref<!tpu.dma_semaphore, #tpu.memory_space<semaphore_mem>>
      %dma_start3A = arith.constant 0 : i32
      %dma_start3A_23 = tpu.memref_slice %arg5[%add3A, %dma_start3A] : memref<32x10112xf32, #tpu.memory_space<hbm>> -> memref<1x10112xf32, #tpu.memory_space<hbm>>
      %dma_start3A_24 = tpu.memref_squeeze %dma_start3A_23 : memref<1x10112xf32, #tpu.memory_space<hbm>> -> memref<10112xf32, #tpu.memory_space<hbm>>
      %dma_start3A_25 = arith.constant 0 : i32
      %dma_start3A_26 = tpu.memref_slice %arg5[%add3A, %dma_start3A_25] : memref<32x10112xf32, #tpu.memory_space<hbm>> -> memref<1x10112xf32, #tpu.memory_space<hbm>>
      %dma_start3A_27 = tpu.memref_squeeze %dma_start3A_26 : memref<1x10112xf32, #tpu.memory_space<hbm>> -> memref<10112xf32, #tpu.memory_space<hbm>>
      tpu.enqueue_dma source(%arg10 : memref<10112xf32, #tpu.memory_space<vmem>>) target(%dma_start3A_27 : memref<10112xf32, #tpu.memory_space<hbm>>) target_semaphore(%run_scoped3A : memref<!tpu.dma_semaphore, #tpu.memory_space<semaphore_mem>>)
      %dma_wait3A = arith.constant 0 : i32
      %dma_wait3A_28 = tpu.memref_slice %arg5[%add3A, %dma_wait3A] : memref<32x10112xf32, #tpu.memory_space<hbm>> -> memref<1x10112xf32, #tpu.memory_space<hbm>>
      %dma_wait3A_29 = tpu.memref_squeeze %dma_wait3A_28 : memref<1x10112xf32, #tpu.memory_space<hbm>> -> memref<10112xf32, #tpu.memory_space<hbm>>
      %dma_wait3A_30 = arith.constant 0 : i32
      %dma_wait3A_31 = tpu.memref_slice %arg5[%add3A, %dma_wait3A_30] : memref<32x10112xf32, #tpu.memory_space<hbm>> -> memref<1x10112xf32, #tpu.memory_space<hbm>>
      %dma_wait3A_32 = tpu.memref_squeeze %dma_wait3A_31 : memref<1x10112xf32, #tpu.memory_space<hbm>> -> memref<10112xf32, #tpu.memory_space<hbm>>
      tpu.wait_dma2 semaphore(%run_scoped3A : memref<!tpu.dma_semaphore, #tpu.memory_space<semaphore_mem>>) src(%arg10 : memref<10112xf32, #tpu.memory_space<vmem>>) dst(%dma_wait3A_32 : memref<10112xf32, #tpu.memory_space<hbm>>)
      tpu.yield
    }) : () -> ()
    "tpu.region"() ({
      %run_scoped3A = tpu.sem_alloc : memref<!tpu.dma_semaphore, #tpu.memory_space<semaphore_mem>>
      %dma_start3A = arith.constant 0 : i32
      %dma_start3A_23 = tpu.memref_slice %arg6[%add3A, %dma_start3A] : memref<32x10112xf32, #tpu.memory_space<hbm>> -> memref<1x10112xf32, #tpu.memory_space<hbm>>
      %dma_start3A_24 = tpu.memref_squeeze %dma_start3A_23 : memref<1x10112xf32, #tpu.memory_space<hbm>> -> memref<10112xf32, #tpu.memory_space<hbm>>
      %dma_start3A_25 = arith.constant 0 : i32
      %dma_start3A_26 = tpu.memref_slice %arg6[%add3A, %dma_start3A_25] : memref<32x10112xf32, #tpu.memory_space<hbm>> -> memref<1x10112xf32, #tpu.memory_space<hbm>>
      %dma_start3A_27 = tpu.memref_squeeze %dma_start3A_26 : memref<1x10112xf32, #tpu.memory_space<hbm>> -> memref<10112xf32, #tpu.memory_space<hbm>>
      tpu.enqueue_dma source(%arg11 : memref<10112xf32, #tpu.memory_space<vmem>>) target(%dma_start3A_27 : memref<10112xf32, #tpu.memory_space<hbm>>) target_semaphore(%run_scoped3A : memref<!tpu.dma_semaphore, #tpu.memory_space<semaphore_mem>>)
      %dma_wait3A = arith.constant 0 : i32
      %dma_wait3A_28 = tpu.memref_slice %arg6[%add3A, %dma_wait3A] : memref<32x10112xf32, #tpu.memory_space<hbm>> -> memref<1x10112xf32, #tpu.memory_space<hbm>>
      %dma_wait3A_29 = tpu.memref_squeeze %dma_wait3A_28 : memref<1x10112xf32, #tpu.memory_space<hbm>> -> memref<10112xf32, #tpu.memory_space<hbm>>
      %dma_wait3A_30 = arith.constant 0 : i32
      %dma_wait3A_31 = tpu.memref_slice %arg6[%add3A, %dma_wait3A_30] : memref<32x10112xf32, #tpu.memory_space<hbm>> -> memref<1x10112xf32, #tpu.memory_space<hbm>>
      %dma_wait3A_32 = tpu.memref_squeeze %dma_wait3A_31 : memref<1x10112xf32, #tpu.memory_space<hbm>> -> memref<10112xf32, #tpu.memory_space<hbm>>
      tpu.wait_dma2 semaphore(%run_scoped3A : memref<!tpu.dma_semaphore, #tpu.memory_space<semaphore_mem>>) src(%arg11 : memref<10112xf32, #tpu.memory_space<vmem>>) dst(%dma_wait3A_32 : memref<10112xf32, #tpu.memory_space<hbm>>)
      tpu.yield
    }) : () -> ()
    return
  }
}

#map = affine_map<(d0, d1) -> (0)>
#map1 = affine_map<(d0, d1) -> (0, 0)>
module attributes {stable_mosaic.version = 14 : i64} {
  func.func @k(%arg0: i32, %arg1: i32, %arg2: memref<320000xi32, #tpu.memory_space<hbm>>, %arg3: memref<320000xf32, #tpu.memory_space<hbm>>, %arg4: memref<320000xf32, #tpu.memory_space<hbm>>, %arg5: memref<320000xf32, #tpu.memory_space<hbm>>, %arg6: memref<320000xf32, #tpu.memory_space<hbm>>, %arg7: memref<10000xi32, #tpu.memory_space<hbm>>, %arg8: memref<10112xf32, #tpu.memory_space<hbm>>, %arg9: memref<128xf32, #tpu.memory_space<hbm>>, %arg10: memref<16xi32, #tpu.memory_space<hbm>>, %arg11: memref<320000xf32, #tpu.memory_space<hbm>>, %arg12: memref<320000xf32, #tpu.memory_space<hbm>>, %arg13: memref<32x10112xf32, #tpu.memory_space<hbm>>, %arg14: memref<32x128xf32, #tpu.memory_space<hbm>>, %arg15: memref<32x10112xf32, #tpu.memory_space<hbm>>, %arg16: memref<32x128xf32, #tpu.memory_space<hbm>>, %arg17: memref<32x16xf32, #tpu.memory_space<hbm>>, %arg18: memref<32x16xf32, #tpu.memory_space<hbm>>, %arg19: memref<10000xi32, #tpu.memory_space<vmem>>, %arg20: memref<10000xf32, #tpu.memory_space<vmem>>, %arg21: memref<10000xf32, #tpu.memory_space<vmem>>, %arg22: memref<10000xf32, #tpu.memory_space<vmem>>, %arg23: memref<10000xf32, #tpu.memory_space<vmem>>, %arg24: memref<10000xi32, #tpu.memory_space<vmem>>, %arg25: memref<10112xf32, #tpu.memory_space<vmem>>, %arg26: memref<128xf32, #tpu.memory_space<vmem>>, %arg27: memref<10000xf32, #tpu.memory_space<vmem>>, %arg28: memref<10000xf32, #tpu.memory_space<vmem>>, %arg29: memref<10112xf32, #tpu.memory_space<vmem>>, %arg30: memref<128xf32, #tpu.memory_space<vmem>>, %arg31: memref<10112xf32, #tpu.memory_space<vmem>>, %arg32: memref<128xf32, #tpu.memory_space<vmem>>, %arg33: memref<16xi32, #tpu.memory_space<vmem>>, %arg34: memref<16xf32, #tpu.memory_space<vmem>>) attributes {dimension_semantics = [#tpu.dimension_semantics<core_parallel>, #tpu.dimension_semantics<subcore_parallel>], iteration_bounds = array<i64: 2, 16>, scalar_prefetch = 0 : i64, scratch_operands = 16 : i64, tpu.core_type = #tpu.core_type<sc_vector_subcore>, window_params = [{transform_indices = #map}, {transform_indices = #map}, {transform_indices = #map}, {transform_indices = #map}, {transform_indices = #map}, {transform_indices = #map}, {transform_indices = #map}, {transform_indices = #map}, {transform_indices = #map}, {transform_indices = #map}, {transform_indices = #map}, {transform_indices = #map1}, {transform_indices = #map1}, {transform_indices = #map1}, {transform_indices = #map1}, {transform_indices = #map1}, {transform_indices = #map1}]} {
    %mul3A = arith.constant 2 : i32
    %mul3A_0 = arith.muli %arg1, %mul3A : i32
    %add3A = arith.addi %mul3A_0, %arg0 : i32
    %mul3A_1 = arith.constant 10000 : i32
    %mul3A_2 = arith.muli %add3A, %mul3A_1 : i32
    "tpu.region"() ({
      %run_scoped3A = tpu.sem_alloc : memref<!tpu.dma_semaphore, #tpu.memory_space<semaphore_mem>>
      %dma_start3A = tpu.memref_slice %arg2[%mul3A_2] : memref<320000xi32, #tpu.memory_space<hbm>> -> memref<10000xi32, #tpu.memory_space<hbm>>
      %dma_start3A_43 = tpu.memref_slice %arg2[%mul3A_2] : memref<320000xi32, #tpu.memory_space<hbm>> -> memref<10000xi32, #tpu.memory_space<hbm>>
      tpu.enqueue_dma source(%dma_start3A_43 : memref<10000xi32, #tpu.memory_space<hbm>>) target(%arg19 : memref<10000xi32, #tpu.memory_space<vmem>>) target_semaphore(%run_scoped3A : memref<!tpu.dma_semaphore, #tpu.memory_space<semaphore_mem>>)
      %dma_wait3A = tpu.memref_slice %arg2[%mul3A_2] : memref<320000xi32, #tpu.memory_space<hbm>> -> memref<10000xi32, #tpu.memory_space<hbm>>
      %dma_wait3A_44 = tpu.memref_slice %arg2[%mul3A_2] : memref<320000xi32, #tpu.memory_space<hbm>> -> memref<10000xi32, #tpu.memory_space<hbm>>
      tpu.wait_dma2 semaphore(%run_scoped3A : memref<!tpu.dma_semaphore, #tpu.memory_space<semaphore_mem>>) src(%dma_wait3A_44 : memref<10000xi32, #tpu.memory_space<hbm>>) dst(%arg19 : memref<10000xi32, #tpu.memory_space<vmem>>)
      tpu.yield
    }) : () -> ()
    "tpu.region"() ({
      %run_scoped3A = tpu.sem_alloc : memref<!tpu.dma_semaphore, #tpu.memory_space<semaphore_mem>>
      %dma_start3A = tpu.memref_slice %arg3[%mul3A_2] : memref<320000xf32, #tpu.memory_space<hbm>> -> memref<10000xf32, #tpu.memory_space<hbm>>
      %dma_start3A_43 = tpu.memref_slice %arg3[%mul3A_2] : memref<320000xf32, #tpu.memory_space<hbm>> -> memref<10000xf32, #tpu.memory_space<hbm>>
      tpu.enqueue_dma source(%dma_start3A_43 : memref<10000xf32, #tpu.memory_space<hbm>>) target(%arg20 : memref<10000xf32, #tpu.memory_space<vmem>>) target_semaphore(%run_scoped3A : memref<!tpu.dma_semaphore, #tpu.memory_space<semaphore_mem>>)
      %dma_wait3A = tpu.memref_slice %arg3[%mul3A_2] : memref<320000xf32, #tpu.memory_space<hbm>> -> memref<10000xf32, #tpu.memory_space<hbm>>
      %dma_wait3A_44 = tpu.memref_slice %arg3[%mul3A_2] : memref<320000xf32, #tpu.memory_space<hbm>> -> memref<10000xf32, #tpu.memory_space<hbm>>
      tpu.wait_dma2 semaphore(%run_scoped3A : memref<!tpu.dma_semaphore, #tpu.memory_space<semaphore_mem>>) src(%dma_wait3A_44 : memref<10000xf32, #tpu.memory_space<hbm>>) dst(%arg20 : memref<10000xf32, #tpu.memory_space<vmem>>)
      tpu.yield
    }) : () -> ()
    "tpu.region"() ({
      %run_scoped3A = tpu.sem_alloc : memref<!tpu.dma_semaphore, #tpu.memory_space<semaphore_mem>>
      %dma_start3A = tpu.memref_slice %arg4[%mul3A_2] : memref<320000xf32, #tpu.memory_space<hbm>> -> memref<10000xf32, #tpu.memory_space<hbm>>
      %dma_start3A_43 = tpu.memref_slice %arg4[%mul3A_2] : memref<320000xf32, #tpu.memory_space<hbm>> -> memref<10000xf32, #tpu.memory_space<hbm>>
      tpu.enqueue_dma source(%dma_start3A_43 : memref<10000xf32, #tpu.memory_space<hbm>>) target(%arg21 : memref<10000xf32, #tpu.memory_space<vmem>>) target_semaphore(%run_scoped3A : memref<!tpu.dma_semaphore, #tpu.memory_space<semaphore_mem>>)
      %dma_wait3A = tpu.memref_slice %arg4[%mul3A_2] : memref<320000xf32, #tpu.memory_space<hbm>> -> memref<10000xf32, #tpu.memory_space<hbm>>
      %dma_wait3A_44 = tpu.memref_slice %arg4[%mul3A_2] : memref<320000xf32, #tpu.memory_space<hbm>> -> memref<10000xf32, #tpu.memory_space<hbm>>
      tpu.wait_dma2 semaphore(%run_scoped3A : memref<!tpu.dma_semaphore, #tpu.memory_space<semaphore_mem>>) src(%dma_wait3A_44 : memref<10000xf32, #tpu.memory_space<hbm>>) dst(%arg21 : memref<10000xf32, #tpu.memory_space<vmem>>)
      tpu.yield
    }) : () -> ()
    "tpu.region"() ({
      %run_scoped3A = tpu.sem_alloc : memref<!tpu.dma_semaphore, #tpu.memory_space<semaphore_mem>>
      %dma_start3A = tpu.memref_slice %arg5[%mul3A_2] : memref<320000xf32, #tpu.memory_space<hbm>> -> memref<10000xf32, #tpu.memory_space<hbm>>
      %dma_start3A_43 = tpu.memref_slice %arg5[%mul3A_2] : memref<320000xf32, #tpu.memory_space<hbm>> -> memref<10000xf32, #tpu.memory_space<hbm>>
      tpu.enqueue_dma source(%dma_start3A_43 : memref<10000xf32, #tpu.memory_space<hbm>>) target(%arg22 : memref<10000xf32, #tpu.memory_space<vmem>>) target_semaphore(%run_scoped3A : memref<!tpu.dma_semaphore, #tpu.memory_space<semaphore_mem>>)
      %dma_wait3A = tpu.memref_slice %arg5[%mul3A_2] : memref<320000xf32, #tpu.memory_space<hbm>> -> memref<10000xf32, #tpu.memory_space<hbm>>
      %dma_wait3A_44 = tpu.memref_slice %arg5[%mul3A_2] : memref<320000xf32, #tpu.memory_space<hbm>> -> memref<10000xf32, #tpu.memory_space<hbm>>
      tpu.wait_dma2 semaphore(%run_scoped3A : memref<!tpu.dma_semaphore, #tpu.memory_space<semaphore_mem>>) src(%dma_wait3A_44 : memref<10000xf32, #tpu.memory_space<hbm>>) dst(%arg22 : memref<10000xf32, #tpu.memory_space<vmem>>)
      tpu.yield
    }) : () -> ()
    "tpu.region"() ({
      %run_scoped3A = tpu.sem_alloc : memref<!tpu.dma_semaphore, #tpu.memory_space<semaphore_mem>>
      %dma_start3A = tpu.memref_slice %arg6[%mul3A_2] : memref<320000xf32, #tpu.memory_space<hbm>> -> memref<10000xf32, #tpu.memory_space<hbm>>
      %dma_start3A_43 = tpu.memref_slice %arg6[%mul3A_2] : memref<320000xf32, #tpu.memory_space<hbm>> -> memref<10000xf32, #tpu.memory_space<hbm>>
      tpu.enqueue_dma source(%dma_start3A_43 : memref<10000xf32, #tpu.memory_space<hbm>>) target(%arg23 : memref<10000xf32, #tpu.memory_space<vmem>>) target_semaphore(%run_scoped3A : memref<!tpu.dma_semaphore, #tpu.memory_space<semaphore_mem>>)
      %dma_wait3A = tpu.memref_slice %arg6[%mul3A_2] : memref<320000xf32, #tpu.memory_space<hbm>> -> memref<10000xf32, #tpu.memory_space<hbm>>
      %dma_wait3A_44 = tpu.memref_slice %arg6[%mul3A_2] : memref<320000xf32, #tpu.memory_space<hbm>> -> memref<10000xf32, #tpu.memory_space<hbm>>
      tpu.wait_dma2 semaphore(%run_scoped3A : memref<!tpu.dma_semaphore, #tpu.memory_space<semaphore_mem>>) src(%dma_wait3A_44 : memref<10000xf32, #tpu.memory_space<hbm>>) dst(%arg23 : memref<10000xf32, #tpu.memory_space<vmem>>)
      tpu.yield
    }) : () -> ()
    "tpu.region"() ({
      %run_scoped3A = tpu.sem_alloc : memref<!tpu.dma_semaphore, #tpu.memory_space<semaphore_mem>>
      tpu.enqueue_dma source(%arg7 : memref<10000xi32, #tpu.memory_space<hbm>>) target(%arg24 : memref<10000xi32, #tpu.memory_space<vmem>>) target_semaphore(%run_scoped3A : memref<!tpu.dma_semaphore, #tpu.memory_space<semaphore_mem>>)
      tpu.wait_dma2 semaphore(%run_scoped3A : memref<!tpu.dma_semaphore, #tpu.memory_space<semaphore_mem>>) src(%arg7 : memref<10000xi32, #tpu.memory_space<hbm>>) dst(%arg24 : memref<10000xi32, #tpu.memory_space<vmem>>)
      tpu.yield
    }) : () -> ()
    "tpu.region"() ({
      %run_scoped3A = tpu.sem_alloc : memref<!tpu.dma_semaphore, #tpu.memory_space<semaphore_mem>>
      tpu.enqueue_dma source(%arg8 : memref<10112xf32, #tpu.memory_space<hbm>>) target(%arg25 : memref<10112xf32, #tpu.memory_space<vmem>>) target_semaphore(%run_scoped3A : memref<!tpu.dma_semaphore, #tpu.memory_space<semaphore_mem>>)
      tpu.wait_dma2 semaphore(%run_scoped3A : memref<!tpu.dma_semaphore, #tpu.memory_space<semaphore_mem>>) src(%arg8 : memref<10112xf32, #tpu.memory_space<hbm>>) dst(%arg25 : memref<10112xf32, #tpu.memory_space<vmem>>)
      tpu.yield
    }) : () -> ()
    "tpu.region"() ({
      %run_scoped3A = tpu.sem_alloc : memref<!tpu.dma_semaphore, #tpu.memory_space<semaphore_mem>>
      tpu.enqueue_dma source(%arg9 : memref<128xf32, #tpu.memory_space<hbm>>) target(%arg26 : memref<128xf32, #tpu.memory_space<vmem>>) target_semaphore(%run_scoped3A : memref<!tpu.dma_semaphore, #tpu.memory_space<semaphore_mem>>)
      tpu.wait_dma2 semaphore(%run_scoped3A : memref<!tpu.dma_semaphore, #tpu.memory_space<semaphore_mem>>) src(%arg9 : memref<128xf32, #tpu.memory_space<hbm>>) dst(%arg26 : memref<128xf32, #tpu.memory_space<vmem>>)
      tpu.yield
    }) : () -> ()
    "tpu.region"() ({
      %run_scoped3A = tpu.sem_alloc : memref<!tpu.dma_semaphore, #tpu.memory_space<semaphore_mem>>
      tpu.enqueue_dma source(%arg10 : memref<16xi32, #tpu.memory_space<hbm>>) target(%arg33 : memref<16xi32, #tpu.memory_space<vmem>>) target_semaphore(%run_scoped3A : memref<!tpu.dma_semaphore, #tpu.memory_space<semaphore_mem>>)
      tpu.wait_dma2 semaphore(%run_scoped3A : memref<!tpu.dma_semaphore, #tpu.memory_space<semaphore_mem>>) src(%arg10 : memref<16xi32, #tpu.memory_space<hbm>>) dst(%arg33 : memref<16xi32, #tpu.memory_space<vmem>>)
      tpu.yield
    }) : () -> ()
    %scan3A = arith.constant 0 : i32
    %scan3A_3 = arith.constant 0 : i32
    %scan3A_4 = arith.constant 632 : i32
    %scan3A_5 = arith.addi %scan3A_3, %scan3A_4 : i32
    %scan3A_6 = arith.constant 1 : i32
    %scan3A_7 = scf.for %scan3A_43 = %scan3A_3 to %scan3A_5 step %scan3A_6 iter_args(%scan3A_44 = %scan3A) -> (i32)  : i32 {
      %broadcast_in_dim3A_45 = arith.constant 0.000000e+00 : f32
      %broadcast_in_dim3A_46 = vector.broadcast %broadcast_in_dim3A_45 : f32 to vector<16xf32>
      %mul3A_47 = arith.constant 16 : i32
      %mul3A_48 = arith.muli %scan3A_43, %mul3A_47 : i32
      %swap3A_49 = arith.index_cast %mul3A_48 : i32 to index
      %swap3A_50 = tpu.vector_load %arg29[%swap3A_49] {strides = array<i32>} : memref<10112xf32, #tpu.memory_space<vmem>>, vector<16xf32>,
      tpu.vector_store %arg29[%swap3A_49], %broadcast_in_dim3A_46 {strides = array<i32>} : memref<10112xf32, #tpu.memory_space<vmem>>, vector<16xf32>,
      %scan3A_51 = arith.constant 0 : i32
      scf.yield %scan3A_51 : i32
    }
    %scan3A_8 = arith.constant 632 : i32
    %scan3A_9 = arith.constant 0 : i32
    %scan3A_10 = arith.constant 0 : i32
    %scan3A_11 = arith.constant 8 : i32
    %scan3A_12 = arith.addi %scan3A_10, %scan3A_11 : i32
    %scan3A_13 = arith.constant 1 : i32
    %scan3A_14 = scf.for %scan3A_43 = %scan3A_10 to %scan3A_12 step %scan3A_13 iter_args(%scan3A_44 = %scan3A_9) -> (i32)  : i32 {
      %broadcast_in_dim3A_45 = arith.constant 0.000000e+00 : f32
      %broadcast_in_dim3A_46 = vector.broadcast %broadcast_in_dim3A_45 : f32 to vector<16xf32>
      %mul3A_47 = arith.constant 16 : i32
      %mul3A_48 = arith.muli %scan3A_43, %mul3A_47 : i32
      %swap3A_49 = arith.index_cast %mul3A_48 : i32 to index
      %swap3A_50 = tpu.vector_load %arg30[%swap3A_49] {strides = array<i32>} : memref<128xf32, #tpu.memory_space<vmem>>, vector<16xf32>,
      tpu.vector_store %arg30[%swap3A_49], %broadcast_in_dim3A_46 {strides = array<i32>} : memref<128xf32, #tpu.memory_space<vmem>>, vector<16xf32>,
      %scan3A_51 = arith.constant 0 : i32
      scf.yield %scan3A_51 : i32
    }
    %scan3A_15 = arith.constant 8 : i32
    %scan3A_16 = arith.constant 0 : i32
    %scan3A_17 = arith.constant 0 : i32
    %scan3A_18 = arith.constant 632 : i32
    %scan3A_19 = arith.addi %scan3A_17, %scan3A_18 : i32
    %scan3A_20 = arith.constant 1 : i32
    %scan3A_21 = scf.for %scan3A_43 = %scan3A_17 to %scan3A_19 step %scan3A_20 iter_args(%scan3A_44 = %scan3A_16) -> (i32)  : i32 {
      %broadcast_in_dim3A_45 = arith.constant 0.000000e+00 : f32
      %broadcast_in_dim3A_46 = vector.broadcast %broadcast_in_dim3A_45 : f32 to vector<16xf32>
      %mul3A_47 = arith.constant 16 : i32
      %mul3A_48 = arith.muli %scan3A_43, %mul3A_47 : i32
      %swap3A_49 = arith.index_cast %mul3A_48 : i32 to index
      %swap3A_50 = tpu.vector_load %arg31[%swap3A_49] {strides = array<i32>} : memref<10112xf32, #tpu.memory_space<vmem>>, vector<16xf32>,
      tpu.vector_store %arg31[%swap3A_49], %broadcast_in_dim3A_46 {strides = array<i32>} : memref<10112xf32, #tpu.memory_space<vmem>>, vector<16xf32>,
      %scan3A_51 = arith.constant 0 : i32
      scf.yield %scan3A_51 : i32
    }
    %scan3A_22 = arith.constant 632 : i32
    %scan3A_23 = arith.constant 0 : i32
    %scan3A_24 = arith.constant 0 : i32
    %scan3A_25 = arith.constant 8 : i32
    %scan3A_26 = arith.addi %scan3A_24, %scan3A_25 : i32
    %scan3A_27 = arith.constant 1 : i32
    %scan3A_28 = scf.for %scan3A_43 = %scan3A_24 to %scan3A_26 step %scan3A_27 iter_args(%scan3A_44 = %scan3A_23) -> (i32)  : i32 {
      %broadcast_in_dim3A_45 = arith.constant 0.000000e+00 : f32
      %broadcast_in_dim3A_46 = vector.broadcast %broadcast_in_dim3A_45 : f32 to vector<16xf32>
      %mul3A_47 = arith.constant 16 : i32
      %mul3A_48 = arith.muli %scan3A_43, %mul3A_47 : i32
      %swap3A_49 = arith.index_cast %mul3A_48 : i32 to index
      %swap3A_50 = tpu.vector_load %arg32[%swap3A_49] {strides = array<i32>} : memref<128xf32, #tpu.memory_space<vmem>>, vector<16xf32>,
      tpu.vector_store %arg32[%swap3A_49], %broadcast_in_dim3A_46 {strides = array<i32>} : memref<128xf32, #tpu.memory_space<vmem>>, vector<16xf32>,
      %scan3A_51 = arith.constant 0 : i32
      scf.yield %scan3A_51 : i32
    }
    %scan3A_29 = arith.constant 8 : i32
    %get3A = arith.constant 0 : index
    %get3A_30 = tpu.vector_load %arg33[%get3A] {strides = array<i32>} : memref<16xi32, #tpu.memory_space<vmem>>, vector<16xi32>,
    %ne3A = arith.constant 0 : i32
    %ne3A_31 = vector.broadcast %ne3A : i32 to vector<16xi32>
    %ne3A_32 = arith.cmpi ne, %get3A_30, %ne3A_31 : vector<16xi32>
    %broadcast_in_dim3A = arith.constant 0.000000e+00 : f32
    %broadcast_in_dim3A_33 = vector.broadcast %broadcast_in_dim3A : f32 to vector<16xf32>
    %scan3A_34 = arith.constant 0 : i32
    %scan3A_35 = arith.constant 625 : i32
    %scan3A_36 = arith.addi %scan3A_34, %scan3A_35 : i32
    %scan3A_37 = arith.constant 1 : i32
    %scan3A_38:2 = scf.for %scan3A_43 = %scan3A_34 to %scan3A_36 step %scan3A_37 iter_args(%scan3A_44 = %broadcast_in_dim3A_33, %scan3A_45 = %broadcast_in_dim3A_33) -> (vector<16xf32>, vector<16xf32>)  : i32 {
      %mul3A_46 = arith.constant 16 : i32
      %mul3A_47 = arith.muli %scan3A_43, %mul3A_46 : i32
      %get3A_48 = arith.index_cast %mul3A_47 : i32 to index
      %get3A_49 = tpu.vector_load %arg19[%get3A_48] {strides = array<i32>} : memref<10000xi32, #tpu.memory_space<vmem>>, vector<16xi32>,
      %get3A_50 = arith.index_cast %mul3A_47 : i32 to index
      %get3A_51 = tpu.vector_load %arg20[%get3A_50] {strides = array<i32>} : memref<10000xf32, #tpu.memory_space<vmem>>, vector<16xf32>,
      %get3A_52 = arith.index_cast %mul3A_47 : i32 to index
      %get3A_53 = tpu.vector_load %arg22[%get3A_52] {strides = array<i32>} : memref<10000xf32, #tpu.memory_space<vmem>>, vector<16xf32>,
      %gather3A = tpu.vector_load_idx %arg25[%get3A_49] : memref<10112xf32, #tpu.memory_space<vmem>>[vector<16xi32>], vector<16xf32>,
      %ge3A = arith.cmpf oge, %get3A_51, %gather3A : vector<16xf32>
      %convert_element_type3A = arith.extui %ge3A : vector<16xi1> to vector<16xi32>
      %convert_element_type3A_54 = arith.sitofp %convert_element_type3A : vector<16xi32> to vector<16xf32>
      %select_n3A = arith.select %ne3A_32, %get3A_53, %convert_element_type3A_54 : vector<16xi1>, vector<16xf32>
      %swap3A_55 = arith.index_cast %mul3A_47 : i32 to index
      %swap3A_56 = tpu.vector_load %arg27[%swap3A_55] {strides = array<i32>} : memref<10000xf32, #tpu.memory_space<vmem>>, vector<16xf32>,
      tpu.vector_store %arg27[%swap3A_55], %select_n3A {strides = array<i32>} : memref<10000xf32, #tpu.memory_space<vmem>>, vector<16xf32>,
      %sub3A = arith.subf %get3A_51, %gather3A : vector<16xf32>
      %exp3A = math.exp %sub3A : vector<16xf32>
      tpu.vector_store_idx %arg29[%get3A_49], %exp3A {add = true} : memref<10112xf32, #tpu.memory_space<vmem>>[vector<16xi32>], vector<16xf32>,
      tpu.vector_store_idx %arg31[%get3A_49], %get3A_53 {add = true} : memref<10112xf32, #tpu.memory_space<vmem>>[vector<16xi32>], vector<16xf32>,
      %gather3A_57 = tpu.vector_load_idx %arg24[%get3A_49] : memref<10000xi32, #tpu.memory_space<vmem>>[vector<16xi32>], vector<16xi32>,
      %get3A_58 = arith.index_cast %mul3A_47 : i32 to index
      %get3A_59 = tpu.vector_load %arg21[%get3A_58] {strides = array<i32>} : memref<10000xf32, #tpu.memory_space<vmem>>, vector<16xf32>,
      %get3A_60 = arith.index_cast %mul3A_47 : i32 to index
      %get3A_61 = tpu.vector_load %arg23[%get3A_60] {strides = array<i32>} : memref<10000xf32, #tpu.memory_space<vmem>>, vector<16xf32>,
      %gather3A_62 = tpu.vector_load_idx %arg26[%gather3A_57] : memref<128xf32, #tpu.memory_space<vmem>>[vector<16xi32>], vector<16xf32>,
      %ge3A_63 = arith.cmpf oge, %get3A_59, %gather3A_62 : vector<16xf32>
      %convert_element_type3A_64 = arith.extui %ge3A_63 : vector<16xi1> to vector<16xi32>
      %convert_element_type3A_65 = arith.sitofp %convert_element_type3A_64 : vector<16xi32> to vector<16xf32>
      %select_n3A_66 = arith.select %ne3A_32, %get3A_61, %convert_element_type3A_65 : vector<16xi1>, vector<16xf32>
      %swap3A_67 = arith.index_cast %mul3A_47 : i32 to index
      %swap3A_68 = tpu.vector_load %arg28[%swap3A_67] {strides = array<i32>} : memref<10000xf32, #tpu.memory_space<vmem>>, vector<16xf32>,
      tpu.vector_store %arg28[%swap3A_67], %select_n3A_66 {strides = array<i32>} : memref<10000xf32, #tpu.memory_space<vmem>>, vector<16xf32>,
      %sub3A_69 = arith.subf %get3A_59, %gather3A_62 : vector<16xf32>
      %exp3A_70 = math.exp %sub3A_69 : vector<16xf32>
      tpu.vector_store_idx %arg30[%gather3A_57], %exp3A_70 {add = true} : memref<128xf32, #tpu.memory_space<vmem>>[vector<16xi32>], vector<16xf32>,
      tpu.vector_store_idx %arg32[%gather3A_57], %get3A_61 {add = true} : memref<128xf32, #tpu.memory_space<vmem>>[vector<16xi32>], vector<16xf32>,
      %mul3A_71 = arith.mulf %get3A_53, %get3A_51 : vector<16xf32>
      %add3A_72 = arith.addf %scan3A_44, %mul3A_71 : vector<16xf32>
      %mul3A_73 = arith.mulf %get3A_61, %get3A_59 : vector<16xf32>
      %add3A_74 = arith.addf %scan3A_45, %mul3A_73 : vector<16xf32>
      scf.yield %add3A_72, %add3A_74 : vector<16xf32>, vector<16xf32>
    }
    %scan3A_39 = arith.constant 625 : i32
    "tpu.region"() ({
      %run_scoped3A = tpu.sem_alloc : memref<!tpu.dma_semaphore, #tpu.memory_space<semaphore_mem>>
      %dma_start3A = tpu.memref_slice %arg11[%mul3A_2] : memref<320000xf32, #tpu.memory_space<hbm>> -> memref<10000xf32, #tpu.memory_space<hbm>>
      %dma_start3A_43 = tpu.memref_slice %arg11[%mul3A_2] : memref<320000xf32, #tpu.memory_space<hbm>> -> memref<10000xf32, #tpu.memory_space<hbm>>
      tpu.enqueue_dma source(%arg27 : memref<10000xf32, #tpu.memory_space<vmem>>) target(%dma_start3A_43 : memref<10000xf32, #tpu.memory_space<hbm>>) target_semaphore(%run_scoped3A : memref<!tpu.dma_semaphore, #tpu.memory_space<semaphore_mem>>)
      %dma_wait3A = tpu.memref_slice %arg11[%mul3A_2] : memref<320000xf32, #tpu.memory_space<hbm>> -> memref<10000xf32, #tpu.memory_space<hbm>>
      %dma_wait3A_44 = tpu.memref_slice %arg11[%mul3A_2] : memref<320000xf32, #tpu.memory_space<hbm>> -> memref<10000xf32, #tpu.memory_space<hbm>>
      tpu.wait_dma2 semaphore(%run_scoped3A : memref<!tpu.dma_semaphore, #tpu.memory_space<semaphore_mem>>) src(%arg27 : memref<10000xf32, #tpu.memory_space<vmem>>) dst(%dma_wait3A_44 : memref<10000xf32, #tpu.memory_space<hbm>>)
      tpu.yield
    }) : () -> ()
    "tpu.region"() ({
      %run_scoped3A = tpu.sem_alloc : memref<!tpu.dma_semaphore, #tpu.memory_space<semaphore_mem>>
      %dma_start3A = tpu.memref_slice %arg12[%mul3A_2] : memref<320000xf32, #tpu.memory_space<hbm>> -> memref<10000xf32, #tpu.memory_space<hbm>>
      %dma_start3A_43 = tpu.memref_slice %arg12[%mul3A_2] : memref<320000xf32, #tpu.memory_space<hbm>> -> memref<10000xf32, #tpu.memory_space<hbm>>
      tpu.enqueue_dma source(%arg28 : memref<10000xf32, #tpu.memory_space<vmem>>) target(%dma_start3A_43 : memref<10000xf32, #tpu.memory_space<hbm>>) target_semaphore(%run_scoped3A : memref<!tpu.dma_semaphore, #tpu.memory_space<semaphore_mem>>)
      %dma_wait3A = tpu.memref_slice %arg12[%mul3A_2] : memref<320000xf32, #tpu.memory_space<hbm>> -> memref<10000xf32, #tpu.memory_space<hbm>>
      %dma_wait3A_44 = tpu.memref_slice %arg12[%mul3A_2] : memref<320000xf32, #tpu.memory_space<hbm>> -> memref<10000xf32, #tpu.memory_space<hbm>>
      tpu.wait_dma2 semaphore(%run_scoped3A : memref<!tpu.dma_semaphore, #tpu.memory_space<semaphore_mem>>) src(%arg28 : memref<10000xf32, #tpu.memory_space<vmem>>) dst(%dma_wait3A_44 : memref<10000xf32, #tpu.memory_space<hbm>>)
      tpu.yield
    }) : () -> ()
    "tpu.region"() ({
      %run_scoped3A = tpu.sem_alloc : memref<!tpu.dma_semaphore, #tpu.memory_space<semaphore_mem>>
      %dma_start3A = arith.constant 0 : i32
      %dma_start3A_43 = tpu.memref_slice %arg13[%add3A, %dma_start3A] : memref<32x10112xf32, #tpu.memory_space<hbm>> -> memref<1x10112xf32, #tpu.memory_space<hbm>>
      %dma_start3A_44 = tpu.memref_squeeze %dma_start3A_43 : memref<1x10112xf32, #tpu.memory_space<hbm>> -> memref<10112xf32, #tpu.memory_space<hbm>>
      %dma_start3A_45 = arith.constant 0 : i32
      %dma_start3A_46 = tpu.memref_slice %arg13[%add3A, %dma_start3A_45] : memref<32x10112xf32, #tpu.memory_space<hbm>> -> memref<1x10112xf32, #tpu.memory_space<hbm>>
      %dma_start3A_47 = tpu.memref_squeeze %dma_start3A_46 : memref<1x10112xf32, #tpu.memory_space<hbm>> -> memref<10112xf32, #tpu.memory_space<hbm>>
      tpu.enqueue_dma source(%arg29 : memref<10112xf32, #tpu.memory_space<vmem>>) target(%dma_start3A_47 : memref<10112xf32, #tpu.memory_space<hbm>>) target_semaphore(%run_scoped3A : memref<!tpu.dma_semaphore, #tpu.memory_space<semaphore_mem>>)
      %dma_wait3A = arith.constant 0 : i32
      %dma_wait3A_48 = tpu.memref_slice %arg13[%add3A, %dma_wait3A] : memref<32x10112xf32, #tpu.memory_space<hbm>> -> memref<1x10112xf32, #tpu.memory_space<hbm>>
      %dma_wait3A_49 = tpu.memref_squeeze %dma_wait3A_48 : memref<1x10112xf32, #tpu.memory_space<hbm>> -> memref<10112xf32, #tpu.memory_space<hbm>>
      %dma_wait3A_50 = arith.constant 0 : i32
      %dma_wait3A_51 = tpu.memref_slice %arg13[%add3A, %dma_wait3A_50] : memref<32x10112xf32, #tpu.memory_space<hbm>> -> memref<1x10112xf32, #tpu.memory_space<hbm>>
      %dma_wait3A_52 = tpu.memref_squeeze %dma_wait3A_51 : memref<1x10112xf32, #tpu.memory_space<hbm>> -> memref<10112xf32, #tpu.memory_space<hbm>>
      tpu.wait_dma2 semaphore(%run_scoped3A : memref<!tpu.dma_semaphore, #tpu.memory_space<semaphore_mem>>) src(%arg29 : memref<10112xf32, #tpu.memory_space<vmem>>) dst(%dma_wait3A_52 : memref<10112xf32, #tpu.memory_space<hbm>>)
      tpu.yield
    }) : () -> ()
    "tpu.region"() ({
      %run_scoped3A = tpu.sem_alloc : memref<!tpu.dma_semaphore, #tpu.memory_space<semaphore_mem>>
      %dma_start3A = arith.constant 0 : i32
      %dma_start3A_43 = tpu.memref_slice %arg14[%add3A, %dma_start3A] : memref<32x128xf32, #tpu.memory_space<hbm>> -> memref<1x128xf32, #tpu.memory_space<hbm>>
      %dma_start3A_44 = tpu.memref_squeeze %dma_start3A_43 : memref<1x128xf32, #tpu.memory_space<hbm>> -> memref<128xf32, #tpu.memory_space<hbm>>
      %dma_start3A_45 = arith.constant 0 : i32
      %dma_start3A_46 = tpu.memref_slice %arg14[%add3A, %dma_start3A_45] : memref<32x128xf32, #tpu.memory_space<hbm>> -> memref<1x128xf32, #tpu.memory_space<hbm>>
      %dma_start3A_47 = tpu.memref_squeeze %dma_start3A_46 : memref<1x128xf32, #tpu.memory_space<hbm>> -> memref<128xf32, #tpu.memory_space<hbm>>
      tpu.enqueue_dma source(%arg30 : memref<128xf32, #tpu.memory_space<vmem>>) target(%dma_start3A_47 : memref<128xf32, #tpu.memory_space<hbm>>) target_semaphore(%run_scoped3A : memref<!tpu.dma_semaphore, #tpu.memory_space<semaphore_mem>>)
      %dma_wait3A = arith.constant 0 : i32
      %dma_wait3A_48 = tpu.memref_slice %arg14[%add3A, %dma_wait3A] : memref<32x128xf32, #tpu.memory_space<hbm>> -> memref<1x128xf32, #tpu.memory_space<hbm>>
      %dma_wait3A_49 = tpu.memref_squeeze %dma_wait3A_48 : memref<1x128xf32, #tpu.memory_space<hbm>> -> memref<128xf32, #tpu.memory_space<hbm>>
      %dma_wait3A_50 = arith.constant 0 : i32
      %dma_wait3A_51 = tpu.memref_slice %arg14[%add3A, %dma_wait3A_50] : memref<32x128xf32, #tpu.memory_space<hbm>> -> memref<1x128xf32, #tpu.memory_space<hbm>>
      %dma_wait3A_52 = tpu.memref_squeeze %dma_wait3A_51 : memref<1x128xf32, #tpu.memory_space<hbm>> -> memref<128xf32, #tpu.memory_space<hbm>>
      tpu.wait_dma2 semaphore(%run_scoped3A : memref<!tpu.dma_semaphore, #tpu.memory_space<semaphore_mem>>) src(%arg30 : memref<128xf32, #tpu.memory_space<vmem>>) dst(%dma_wait3A_52 : memref<128xf32, #tpu.memory_space<hbm>>)
      tpu.yield
    }) : () -> ()
    "tpu.region"() ({
      %run_scoped3A = tpu.sem_alloc : memref<!tpu.dma_semaphore, #tpu.memory_space<semaphore_mem>>
      %dma_start3A = arith.constant 0 : i32
      %dma_start3A_43 = tpu.memref_slice %arg15[%add3A, %dma_start3A] : memref<32x10112xf32, #tpu.memory_space<hbm>> -> memref<1x10112xf32, #tpu.memory_space<hbm>>
      %dma_start3A_44 = tpu.memref_squeeze %dma_start3A_43 : memref<1x10112xf32, #tpu.memory_space<hbm>> -> memref<10112xf32, #tpu.memory_space<hbm>>
      %dma_start3A_45 = arith.constant 0 : i32
      %dma_start3A_46 = tpu.memref_slice %arg15[%add3A, %dma_start3A_45] : memref<32x10112xf32, #tpu.memory_space<hbm>> -> memref<1x10112xf32, #tpu.memory_space<hbm>>
      %dma_start3A_47 = tpu.memref_squeeze %dma_start3A_46 : memref<1x10112xf32, #tpu.memory_space<hbm>> -> memref<10112xf32, #tpu.memory_space<hbm>>
      tpu.enqueue_dma source(%arg31 : memref<10112xf32, #tpu.memory_space<vmem>>) target(%dma_start3A_47 : memref<10112xf32, #tpu.memory_space<hbm>>) target_semaphore(%run_scoped3A : memref<!tpu.dma_semaphore, #tpu.memory_space<semaphore_mem>>)
      %dma_wait3A = arith.constant 0 : i32
      %dma_wait3A_48 = tpu.memref_slice %arg15[%add3A, %dma_wait3A] : memref<32x10112xf32, #tpu.memory_space<hbm>> -> memref<1x10112xf32, #tpu.memory_space<hbm>>
      %dma_wait3A_49 = tpu.memref_squeeze %dma_wait3A_48 : memref<1x10112xf32, #tpu.memory_space<hbm>> -> memref<10112xf32, #tpu.memory_space<hbm>>
      %dma_wait3A_50 = arith.constant 0 : i32
      %dma_wait3A_51 = tpu.memref_slice %arg15[%add3A, %dma_wait3A_50] : memref<32x10112xf32, #tpu.memory_space<hbm>> -> memref<1x10112xf32, #tpu.memory_space<hbm>>
      %dma_wait3A_52 = tpu.memref_squeeze %dma_wait3A_51 : memref<1x10112xf32, #tpu.memory_space<hbm>> -> memref<10112xf32, #tpu.memory_space<hbm>>
      tpu.wait_dma2 semaphore(%run_scoped3A : memref<!tpu.dma_semaphore, #tpu.memory_space<semaphore_mem>>) src(%arg31 : memref<10112xf32, #tpu.memory_space<vmem>>) dst(%dma_wait3A_52 : memref<10112xf32, #tpu.memory_space<hbm>>)
      tpu.yield
    }) : () -> ()
    "tpu.region"() ({
      %run_scoped3A = tpu.sem_alloc : memref<!tpu.dma_semaphore, #tpu.memory_space<semaphore_mem>>
      %dma_start3A = arith.constant 0 : i32
      %dma_start3A_43 = tpu.memref_slice %arg16[%add3A, %dma_start3A] : memref<32x128xf32, #tpu.memory_space<hbm>> -> memref<1x128xf32, #tpu.memory_space<hbm>>
      %dma_start3A_44 = tpu.memref_squeeze %dma_start3A_43 : memref<1x128xf32, #tpu.memory_space<hbm>> -> memref<128xf32, #tpu.memory_space<hbm>>
      %dma_start3A_45 = arith.constant 0 : i32
      %dma_start3A_46 = tpu.memref_slice %arg16[%add3A, %dma_start3A_45] : memref<32x128xf32, #tpu.memory_space<hbm>> -> memref<1x128xf32, #tpu.memory_space<hbm>>
      %dma_start3A_47 = tpu.memref_squeeze %dma_start3A_46 : memref<1x128xf32, #tpu.memory_space<hbm>> -> memref<128xf32, #tpu.memory_space<hbm>>
      tpu.enqueue_dma source(%arg32 : memref<128xf32, #tpu.memory_space<vmem>>) target(%dma_start3A_47 : memref<128xf32, #tpu.memory_space<hbm>>) target_semaphore(%run_scoped3A : memref<!tpu.dma_semaphore, #tpu.memory_space<semaphore_mem>>)
      %dma_wait3A = arith.constant 0 : i32
      %dma_wait3A_48 = tpu.memref_slice %arg16[%add3A, %dma_wait3A] : memref<32x128xf32, #tpu.memory_space<hbm>> -> memref<1x128xf32, #tpu.memory_space<hbm>>
      %dma_wait3A_49 = tpu.memref_squeeze %dma_wait3A_48 : memref<1x128xf32, #tpu.memory_space<hbm>> -> memref<128xf32, #tpu.memory_space<hbm>>
      %dma_wait3A_50 = arith.constant 0 : i32
      %dma_wait3A_51 = tpu.memref_slice %arg16[%add3A, %dma_wait3A_50] : memref<32x128xf32, #tpu.memory_space<hbm>> -> memref<1x128xf32, #tpu.memory_space<hbm>>
      %dma_wait3A_52 = tpu.memref_squeeze %dma_wait3A_51 : memref<1x128xf32, #tpu.memory_space<hbm>> -> memref<128xf32, #tpu.memory_space<hbm>>
      tpu.wait_dma2 semaphore(%run_scoped3A : memref<!tpu.dma_semaphore, #tpu.memory_space<semaphore_mem>>) src(%arg32 : memref<128xf32, #tpu.memory_space<vmem>>) dst(%dma_wait3A_52 : memref<128xf32, #tpu.memory_space<hbm>>)
      tpu.yield
    }) : () -> ()
    %swap3A = arith.constant 0 : index
    %swap3A_40 = tpu.vector_load %arg34[%swap3A] {strides = array<i32>} : memref<16xf32, #tpu.memory_space<vmem>>, vector<16xf32>,
    tpu.vector_store %arg34[%swap3A], %scan3A_38#0 {strides = array<i32>} : memref<16xf32, #tpu.memory_space<vmem>>, vector<16xf32>,
    "tpu.region"() ({
      %run_scoped3A = tpu.sem_alloc : memref<!tpu.dma_semaphore, #tpu.memory_space<semaphore_mem>>
      %dma_start3A = arith.constant 0 : i32
      %dma_start3A_43 = tpu.memref_slice %arg17[%add3A, %dma_start3A] : memref<32x16xf32, #tpu.memory_space<hbm>> -> memref<1x16xf32, #tpu.memory_space<hbm>>
      %dma_start3A_44 = tpu.memref_squeeze %dma_start3A_43 : memref<1x16xf32, #tpu.memory_space<hbm>> -> memref<16xf32, #tpu.memory_space<hbm>>
      %dma_start3A_45 = arith.constant 0 : i32
      %dma_start3A_46 = tpu.memref_slice %arg17[%add3A, %dma_start3A_45] : memref<32x16xf32, #tpu.memory_space<hbm>> -> memref<1x16xf32, #tpu.memory_space<hbm>>
      %dma_start3A_47 = tpu.memref_squeeze %dma_start3A_46 : memref<1x16xf32, #tpu.memory_space<hbm>> -> memref<16xf32, #tpu.memory_space<hbm>>
      tpu.enqueue_dma source(%arg34 : memref<16xf32, #tpu.memory_space<vmem>>) target(%dma_start3A_47 : memref<16xf32, #tpu.memory_space<hbm>>) target_semaphore(%run_scoped3A : memref<!tpu.dma_semaphore, #tpu.memory_space<semaphore_mem>>)
      %dma_wait3A = arith.constant 0 : i32
      %dma_wait3A_48 = tpu.memref_slice %arg17[%add3A, %dma_wait3A] : memref<32x16xf32, #tpu.memory_space<hbm>> -> memref<1x16xf32, #tpu.memory_space<hbm>>
      %dma_wait3A_49 = tpu.memref_squeeze %dma_wait3A_48 : memref<1x16xf32, #tpu.memory_space<hbm>> -> memref<16xf32, #tpu.memory_space<hbm>>
      %dma_wait3A_50 = arith.constant 0 : i32
      %dma_wait3A_51 = tpu.memref_slice %arg17[%add3A, %dma_wait3A_50] : memref<32x16xf32, #tpu.memory_space<hbm>> -> memref<1x16xf32, #tpu.memory_space<hbm>>
      %dma_wait3A_52 = tpu.memref_squeeze %dma_wait3A_51 : memref<1x16xf32, #tpu.memory_space<hbm>> -> memref<16xf32, #tpu.memory_space<hbm>>
      tpu.wait_dma2 semaphore(%run_scoped3A : memref<!tpu.dma_semaphore, #tpu.memory_space<semaphore_mem>>) src(%arg34 : memref<16xf32, #tpu.memory_space<vmem>>) dst(%dma_wait3A_52 : memref<16xf32, #tpu.memory_space<hbm>>)
      tpu.yield
    }) : () -> ()
    %swap3A_41 = arith.constant 0 : index
    %swap3A_42 = tpu.vector_load %arg34[%swap3A_41] {strides = array<i32>} : memref<16xf32, #tpu.memory_space<vmem>>, vector<16xf32>,
    tpu.vector_store %arg34[%swap3A_41], %scan3A_38#1 {strides = array<i32>} : memref<16xf32, #tpu.memory_space<vmem>>, vector<16xf32>,
    "tpu.region"() ({
      %run_scoped3A = tpu.sem_alloc : memref<!tpu.dma_semaphore, #tpu.memory_space<semaphore_mem>>
      %dma_start3A = arith.constant 0 : i32
      %dma_start3A_43 = tpu.memref_slice %arg18[%add3A, %dma_start3A] : memref<32x16xf32, #tpu.memory_space<hbm>> -> memref<1x16xf32, #tpu.memory_space<hbm>>
      %dma_start3A_44 = tpu.memref_squeeze %dma_start3A_43 : memref<1x16xf32, #tpu.memory_space<hbm>> -> memref<16xf32, #tpu.memory_space<hbm>>
      %dma_start3A_45 = arith.constant 0 : i32
      %dma_start3A_46 = tpu.memref_slice %arg18[%add3A, %dma_start3A_45] : memref<32x16xf32, #tpu.memory_space<hbm>> -> memref<1x16xf32, #tpu.memory_space<hbm>>
      %dma_start3A_47 = tpu.memref_squeeze %dma_start3A_46 : memref<1x16xf32, #tpu.memory_space<hbm>> -> memref<16xf32, #tpu.memory_space<hbm>>
      tpu.enqueue_dma source(%arg34 : memref<16xf32, #tpu.memory_space<vmem>>) target(%dma_start3A_47 : memref<16xf32, #tpu.memory_space<hbm>>) target_semaphore(%run_scoped3A : memref<!tpu.dma_semaphore, #tpu.memory_space<semaphore_mem>>)
      %dma_wait3A = arith.constant 0 : i32
      %dma_wait3A_48 = tpu.memref_slice %arg18[%add3A, %dma_wait3A] : memref<32x16xf32, #tpu.memory_space<hbm>> -> memref<1x16xf32, #tpu.memory_space<hbm>>
      %dma_wait3A_49 = tpu.memref_squeeze %dma_wait3A_48 : memref<1x16xf32, #tpu.memory_space<hbm>> -> memref<16xf32, #tpu.memory_space<hbm>>
      %dma_wait3A_50 = arith.constant 0 : i32
      %dma_wait3A_51 = tpu.memref_slice %arg18[%add3A, %dma_wait3A_50] : memref<32x16xf32, #tpu.memory_space<hbm>> -> memref<1x16xf32, #tpu.memory_space<hbm>>
      %dma_wait3A_52 = tpu.memref_squeeze %dma_wait3A_51 : memref<1x16xf32, #tpu.memory_space<hbm>> -> memref<16xf32, #tpu.memory_space<hbm>>
      tpu.wait_dma2 semaphore(%run_scoped3A : memref<!tpu.dma_semaphore, #tpu.memory_space<semaphore_mem>>) src(%arg34 : memref<16xf32, #tpu.memory_space<vmem>>) dst(%dma_wait3A_52 : memref<16xf32, #tpu.memory_space<hbm>>)
      tpu.yield
    }) : () -> ()
    return
  }
}

#map = affine_map<(d0, d1) -> (0)>
#map1 = affine_map<(d0, d1) -> (0, 0)>
module attributes {stable_mosaic.version = 14 : i64} {
  func.func @k(%arg0: i32, %arg1: i32, %arg2: memref<156160xi32, #tpu.memory_space<hbm>>, %arg3: memref<156160xf32, #tpu.memory_space<hbm>>, %arg4: memref<156160xf32, #tpu.memory_space<hbm>>, %arg5: memref<32x10112xf32, #tpu.memory_space<hbm>>, %arg6: memref<32x10112xf32, #tpu.memory_space<hbm>>, %arg7: memref<4880xi32, #tpu.memory_space<vmem>>, %arg8: memref<4880xf32, #tpu.memory_space<vmem>>, %arg9: memref<4880xf32, #tpu.memory_space<vmem>>, %arg10: memref<10112xf32, #tpu.memory_space<vmem>>, %arg11: memref<10112xf32, #tpu.memory_space<vmem>>) attributes {dimension_semantics = [#tpu.dimension_semantics<core_parallel>, #tpu.dimension_semantics<subcore_parallel>], iteration_bounds = array<i64: 2, 16>, scalar_prefetch = 0 : i64, scratch_operands = 5 : i64, tpu.core_type = #tpu.core_type<sc_vector_subcore>, window_params = [{transform_indices = #map}, {transform_indices = #map}, {transform_indices = #map}, {transform_indices = #map1}, {transform_indices = #map1}]} {
    %mul3A = arith.constant 2 : i32
    %mul3A_0 = arith.muli %arg1, %mul3A : i32
    %add3A = arith.addi %mul3A_0, %arg0 : i32
    %mul3A_1 = arith.constant 4880 : i32
    %mul3A_2 = arith.muli %add3A, %mul3A_1 : i32
    "tpu.region"() ({
      %run_scoped3A = tpu.sem_alloc : memref<!tpu.dma_semaphore, #tpu.memory_space<semaphore_mem>>
      %dma_start3A = tpu.memref_slice %arg2[%mul3A_2] : memref<156160xi32, #tpu.memory_space<hbm>> -> memref<4880xi32, #tpu.memory_space<hbm>>
      %dma_start3A_23 = tpu.memref_slice %arg2[%mul3A_2] : memref<156160xi32, #tpu.memory_space<hbm>> -> memref<4880xi32, #tpu.memory_space<hbm>>
      tpu.enqueue_dma source(%dma_start3A_23 : memref<4880xi32, #tpu.memory_space<hbm>>) target(%arg7 : memref<4880xi32, #tpu.memory_space<vmem>>) target_semaphore(%run_scoped3A : memref<!tpu.dma_semaphore, #tpu.memory_space<semaphore_mem>>)
      %dma_wait3A = tpu.memref_slice %arg2[%mul3A_2] : memref<156160xi32, #tpu.memory_space<hbm>> -> memref<4880xi32, #tpu.memory_space<hbm>>
      %dma_wait3A_24 = tpu.memref_slice %arg2[%mul3A_2] : memref<156160xi32, #tpu.memory_space<hbm>> -> memref<4880xi32, #tpu.memory_space<hbm>>
      tpu.wait_dma2 semaphore(%run_scoped3A : memref<!tpu.dma_semaphore, #tpu.memory_space<semaphore_mem>>) src(%dma_wait3A_24 : memref<4880xi32, #tpu.memory_space<hbm>>) dst(%arg7 : memref<4880xi32, #tpu.memory_space<vmem>>)
      tpu.yield
    }) : () -> ()
    "tpu.region"() ({
      %run_scoped3A = tpu.sem_alloc : memref<!tpu.dma_semaphore, #tpu.memory_space<semaphore_mem>>
      %dma_start3A = tpu.memref_slice %arg3[%mul3A_2] : memref<156160xf32, #tpu.memory_space<hbm>> -> memref<4880xf32, #tpu.memory_space<hbm>>
      %dma_start3A_23 = tpu.memref_slice %arg3[%mul3A_2] : memref<156160xf32, #tpu.memory_space<hbm>> -> memref<4880xf32, #tpu.memory_space<hbm>>
      tpu.enqueue_dma source(%dma_start3A_23 : memref<4880xf32, #tpu.memory_space<hbm>>) target(%arg8 : memref<4880xf32, #tpu.memory_space<vmem>>) target_semaphore(%run_scoped3A : memref<!tpu.dma_semaphore, #tpu.memory_space<semaphore_mem>>)
      %dma_wait3A = tpu.memref_slice %arg3[%mul3A_2] : memref<156160xf32, #tpu.memory_space<hbm>> -> memref<4880xf32, #tpu.memory_space<hbm>>
      %dma_wait3A_24 = tpu.memref_slice %arg3[%mul3A_2] : memref<156160xf32, #tpu.memory_space<hbm>> -> memref<4880xf32, #tpu.memory_space<hbm>>
      tpu.wait_dma2 semaphore(%run_scoped3A : memref<!tpu.dma_semaphore, #tpu.memory_space<semaphore_mem>>) src(%dma_wait3A_24 : memref<4880xf32, #tpu.memory_space<hbm>>) dst(%arg8 : memref<4880xf32, #tpu.memory_space<vmem>>)
      tpu.yield
    }) : () -> ()
    "tpu.region"() ({
      %run_scoped3A = tpu.sem_alloc : memref<!tpu.dma_semaphore, #tpu.memory_space<semaphore_mem>>
      %dma_start3A = tpu.memref_slice %arg4[%mul3A_2] : memref<156160xf32, #tpu.memory_space<hbm>> -> memref<4880xf32, #tpu.memory_space<hbm>>
      %dma_start3A_23 = tpu.memref_slice %arg4[%mul3A_2] : memref<156160xf32, #tpu.memory_space<hbm>> -> memref<4880xf32, #tpu.memory_space<hbm>>
      tpu.enqueue_dma source(%dma_start3A_23 : memref<4880xf32, #tpu.memory_space<hbm>>) target(%arg9 : memref<4880xf32, #tpu.memory_space<vmem>>) target_semaphore(%run_scoped3A : memref<!tpu.dma_semaphore, #tpu.memory_space<semaphore_mem>>)
      %dma_wait3A = tpu.memref_slice %arg4[%mul3A_2] : memref<156160xf32, #tpu.memory_space<hbm>> -> memref<4880xf32, #tpu.memory_space<hbm>>
      %dma_wait3A_24 = tpu.memref_slice %arg4[%mul3A_2] : memref<156160xf32, #tpu.memory_space<hbm>> -> memref<4880xf32, #tpu.memory_space<hbm>>
      tpu.wait_dma2 semaphore(%run_scoped3A : memref<!tpu.dma_semaphore, #tpu.memory_space<semaphore_mem>>) src(%dma_wait3A_24 : memref<4880xf32, #tpu.memory_space<hbm>>) dst(%arg9 : memref<4880xf32, #tpu.memory_space<vmem>>)
      tpu.yield
    }) : () -> ()
    %scan3A = arith.constant 0 : i32
    %scan3A_3 = arith.constant 0 : i32
    %scan3A_4 = arith.constant 632 : i32
    %scan3A_5 = arith.addi %scan3A_3, %scan3A_4 : i32
    %scan3A_6 = arith.constant 1 : i32
    %scan3A_7 = scf.for %scan3A_23 = %scan3A_3 to %scan3A_5 step %scan3A_6 iter_args(%scan3A_24 = %scan3A) -> (i32)  : i32 {
      %broadcast_in_dim3A = arith.constant -3.400000e+38 : f32
      %broadcast_in_dim3A_25 = vector.broadcast %broadcast_in_dim3A : f32 to vector<16xf32>
      %mul3A_26 = arith.constant 16 : i32
      %mul3A_27 = arith.muli %scan3A_23, %mul3A_26 : i32
      %swap3A = arith.index_cast %mul3A_27 : i32 to index
      %swap3A_28 = tpu.vector_load %arg10[%swap3A] {strides = array<i32>} : memref<10112xf32, #tpu.memory_space<vmem>>, vector<16xf32>,
      tpu.vector_store %arg10[%swap3A], %broadcast_in_dim3A_25 {strides = array<i32>} : memref<10112xf32, #tpu.memory_space<vmem>>, vector<16xf32>,
      %scan3A_29 = arith.constant 0 : i32
      scf.yield %scan3A_29 : i32
    }
    %scan3A_8 = arith.constant 632 : i32
    %scan3A_9 = arith.constant 0 : i32
    %scan3A_10 = arith.constant 0 : i32
    %scan3A_11 = arith.constant 632 : i32
    %scan3A_12 = arith.addi %scan3A_10, %scan3A_11 : i32
    %scan3A_13 = arith.constant 1 : i32
    %scan3A_14 = scf.for %scan3A_23 = %scan3A_10 to %scan3A_12 step %scan3A_13 iter_args(%scan3A_24 = %scan3A_9) -> (i32)  : i32 {
      %broadcast_in_dim3A = arith.constant -3.400000e+38 : f32
      %broadcast_in_dim3A_25 = vector.broadcast %broadcast_in_dim3A : f32 to vector<16xf32>
      %mul3A_26 = arith.constant 16 : i32
      %mul3A_27 = arith.muli %scan3A_23, %mul3A_26 : i32
      %swap3A = arith.index_cast %mul3A_27 : i32 to index
      %swap3A_28 = tpu.vector_load %arg11[%swap3A] {strides = array<i32>} : memref<10112xf32, #tpu.memory_space<vmem>>, vector<16xf32>,
      tpu.vector_store %arg11[%swap3A], %broadcast_in_dim3A_25 {strides = array<i32>} : memref<10112xf32, #tpu.memory_space<vmem>>, vector<16xf32>,
      %scan3A_29 = arith.constant 0 : i32
      scf.yield %scan3A_29 : i32
    }
    %scan3A_15 = arith.constant 632 : i32
    %scan3A_16 = arith.constant 0 : i32
    %scan3A_17 = arith.constant 0 : i32
    %scan3A_18 = arith.constant 305 : i32
    %scan3A_19 = arith.addi %scan3A_17, %scan3A_18 : i32
    %scan3A_20 = arith.constant 1 : i32
    %scan3A_21 = scf.for %scan3A_23 = %scan3A_17 to %scan3A_19 step %scan3A_20 iter_args(%scan3A_24 = %scan3A_16) -> (i32)  : i32 {
      %mul3A_25 = arith.constant 16 : i32
      %mul3A_26 = arith.muli %scan3A_23, %mul3A_25 : i32
      %get3A = arith.index_cast %mul3A_26 : i32 to index
      %get3A_27 = tpu.vector_load %arg7[%get3A] {strides = array<i32>} : memref<4880xi32, #tpu.memory_space<vmem>>, vector<16xi32>,
      %get3A_28 = arith.index_cast %mul3A_26 : i32 to index
      %get3A_29 = tpu.vector_load %arg8[%get3A_28] {strides = array<i32>} : memref<4880xf32, #tpu.memory_space<vmem>>, vector<16xf32>,
      %get3A_30 = arith.index_cast %mul3A_26 : i32 to index
      %get3A_31 = tpu.vector_load %arg9[%get3A_30] {strides = array<i32>} : memref<4880xf32, #tpu.memory_space<vmem>>, vector<16xf32>,
      %gather3A = tpu.vector_load_idx %arg10[%get3A_27] : memref<10112xf32, #tpu.memory_space<vmem>>[vector<16xi32>], vector<16xf32>,
      %gt3A = arith.cmpf ogt, %get3A_29, %gather3A : vector<16xf32>
      %gather3A_32 = tpu.vector_load_idx %arg11[%get3A_27] : memref<10112xf32, #tpu.memory_space<vmem>>[vector<16xi32>], vector<16xf32>,
      %gt3A_33 = arith.cmpf ogt, %get3A_31, %gather3A_32 : vector<16xf32>
      %while3A:2 = scf.while (%while3A_35 = %gt3A, %while3A_36 = %gt3A_33) : (vector<16xi1>, vector<16xi1>) -> (vector<16xi1>, vector<16xi1>) {
        %or3A = arith.ori %while3A_35, %while3A_36 : vector<16xi1>
        %reduce_or3A = arith.constant 1.000000e+00 : f32
        %reduce_or3A_37 = arith.constant 0.000000e+00 : f32
        %reduce_or3A_38 = vector.broadcast %reduce_or3A : f32 to vector<16xf32>
        %reduce_or3A_39 = vector.broadcast %reduce_or3A_37 : f32 to vector<16xf32>
        %reduce_or3A_40 = arith.select %or3A, %reduce_or3A_38, %reduce_or3A_39 : vector<16xi1>, vector<16xf32>
        %reduce_or3A_41 = arith.constant true
        %reduce_or3A_42 = vector.broadcast %reduce_or3A_41 : i1 to vector<16xi1>
        %reduce_or3A_43 = tpu.scan <max>, %reduce_or3A_40 masked %reduce_or3A_42 : vector<16xf32>, vector<16xi1> -> vector<16xf32>
        %reduce_or3A_44 = vector.extract %reduce_or3A_43[15] : f32 from vector<16xf32>
        %reduce_or3A_45 = arith.constant 0.000000e+00 : f32
        %reduce_or3A_46 = arith.cmpf ogt, %reduce_or3A_44, %reduce_or3A_45 : f32
        scf.condition(%reduce_or3A_46) %while3A_35, %while3A_36 : vector<16xi1>, vector<16xi1>
      } do {
      ^bb0(%while3A_35: vector<16xi1>, %while3A_36: vector<16xi1>):
        %gather3A_37 = tpu.vector_load_idx %arg10[%get3A_27] : memref<10112xf32, #tpu.memory_space<vmem>>[vector<16xi32>], vector<16xf32>,
        %gt3A_38 = arith.cmpf ogt, %get3A_29, %gather3A_37 : vector<16xf32>
        %and3A = arith.andi %while3A_35, %gt3A_38 : vector<16xi1>
        tpu.vector_store_idx %arg10[%get3A_27], %get3A_29 masked %and3A : memref<10112xf32, #tpu.memory_space<vmem>>[vector<16xi32>], vector<16xf32>, vector<16xi1>
        %gather3A_39 = tpu.vector_load_idx %arg11[%get3A_27] : memref<10112xf32, #tpu.memory_space<vmem>>[vector<16xi32>], vector<16xf32>,
        %gt3A_40 = arith.cmpf ogt, %get3A_31, %gather3A_39 : vector<16xf32>
        %and3A_41 = arith.andi %while3A_36, %gt3A_40 : vector<16xi1>
        tpu.vector_store_idx %arg11[%get3A_27], %get3A_31 masked %and3A_41 : memref<10112xf32, #tpu.memory_space<vmem>>[vector<16xi32>], vector<16xf32>, vector<16xi1>
        %gather3A_42 = tpu.vector_load_idx %arg10[%get3A_27] : memref<10112xf32, #tpu.memory_space<vmem>>[vector<16xi32>], vector<16xf32>,
        %gather3A_43 = tpu.vector_load_idx %arg11[%get3A_27] : memref<10112xf32, #tpu.memory_space<vmem>>[vector<16xi32>], vector<16xf32>,
        %gt3A_44 = arith.cmpf ogt, %get3A_29, %gather3A_42 : vector<16xf32>
        %and3A_45 = arith.andi %and3A, %gt3A_44 : vector<16xi1>
        %gt3A_46 = arith.cmpf ogt, %get3A_31, %gather3A_43 : vector<16xf32>
        %and3A_47 = arith.andi %and3A_41, %gt3A_46 : vector<16xi1>
        scf.yield %and3A_45, %and3A_47 : vector<16xi1>, vector<16xi1>
      }
      %scan3A_34 = arith.constant 0 : i32
      scf.yield %scan3A_34 : i32
    }
    %scan3A_22 = arith.constant 305 : i32
    "tpu.region"() ({
      %run_scoped3A = tpu.sem_alloc : memref<!tpu.dma_semaphore, #tpu.memory_space<semaphore_mem>>
      %dma_start3A = arith.constant 0 : i32
      %dma_start3A_23 = tpu.memref_slice %arg5[%add3A, %dma_start3A] : memref<32x10112xf32, #tpu.memory_space<hbm>> -> memref<1x10112xf32, #tpu.memory_space<hbm>>
      %dma_start3A_24 = tpu.memref_squeeze %dma_start3A_23 : memref<1x10112xf32, #tpu.memory_space<hbm>> -> memref<10112xf32, #tpu.memory_space<hbm>>
      %dma_start3A_25 = arith.constant 0 : i32
      %dma_start3A_26 = tpu.memref_slice %arg5[%add3A, %dma_start3A_25] : memref<32x10112xf32, #tpu.memory_space<hbm>> -> memref<1x10112xf32, #tpu.memory_space<hbm>>
      %dma_start3A_27 = tpu.memref_squeeze %dma_start3A_26 : memref<1x10112xf32, #tpu.memory_space<hbm>> -> memref<10112xf32, #tpu.memory_space<hbm>>
      tpu.enqueue_dma source(%arg10 : memref<10112xf32, #tpu.memory_space<vmem>>) target(%dma_start3A_27 : memref<10112xf32, #tpu.memory_space<hbm>>) target_semaphore(%run_scoped3A : memref<!tpu.dma_semaphore, #tpu.memory_space<semaphore_mem>>)
      %dma_wait3A = arith.constant 0 : i32
      %dma_wait3A_28 = tpu.memref_slice %arg5[%add3A, %dma_wait3A] : memref<32x10112xf32, #tpu.memory_space<hbm>> -> memref<1x10112xf32, #tpu.memory_space<hbm>>
      %dma_wait3A_29 = tpu.memref_squeeze %dma_wait3A_28 : memref<1x10112xf32, #tpu.memory_space<hbm>> -> memref<10112xf32, #tpu.memory_space<hbm>>
      %dma_wait3A_30 = arith.constant 0 : i32
      %dma_wait3A_31 = tpu.memref_slice %arg5[%add3A, %dma_wait3A_30] : memref<32x10112xf32, #tpu.memory_space<hbm>> -> memref<1x10112xf32, #tpu.memory_space<hbm>>
      %dma_wait3A_32 = tpu.memref_squeeze %dma_wait3A_31 : memref<1x10112xf32, #tpu.memory_space<hbm>> -> memref<10112xf32, #tpu.memory_space<hbm>>
      tpu.wait_dma2 semaphore(%run_scoped3A : memref<!tpu.dma_semaphore, #tpu.memory_space<semaphore_mem>>) src(%arg10 : memref<10112xf32, #tpu.memory_space<vmem>>) dst(%dma_wait3A_32 : memref<10112xf32, #tpu.memory_space<hbm>>)
      tpu.yield
    }) : () -> ()
    "tpu.region"() ({
      %run_scoped3A = tpu.sem_alloc : memref<!tpu.dma_semaphore, #tpu.memory_space<semaphore_mem>>
      %dma_start3A = arith.constant 0 : i32
      %dma_start3A_23 = tpu.memref_slice %arg6[%add3A, %dma_start3A] : memref<32x10112xf32, #tpu.memory_space<hbm>> -> memref<1x10112xf32, #tpu.memory_space<hbm>>
      %dma_start3A_24 = tpu.memref_squeeze %dma_start3A_23 : memref<1x10112xf32, #tpu.memory_space<hbm>> -> memref<10112xf32, #tpu.memory_space<hbm>>
      %dma_start3A_25 = arith.constant 0 : i32
      %dma_start3A_26 = tpu.memref_slice %arg6[%add3A, %dma_start3A_25] : memref<32x10112xf32, #tpu.memory_space<hbm>> -> memref<1x10112xf32, #tpu.memory_space<hbm>>
      %dma_start3A_27 = tpu.memref_squeeze %dma_start3A_26 : memref<1x10112xf32, #tpu.memory_space<hbm>> -> memref<10112xf32, #tpu.memory_space<hbm>>
      tpu.enqueue_dma source(%arg11 : memref<10112xf32, #tpu.memory_space<vmem>>) target(%dma_start3A_27 : memref<10112xf32, #tpu.memory_space<hbm>>) target_semaphore(%run_scoped3A : memref<!tpu.dma_semaphore, #tpu.memory_space<semaphore_mem>>)
      %dma_wait3A = arith.constant 0 : i32
      %dma_wait3A_28 = tpu.memref_slice %arg6[%add3A, %dma_wait3A] : memref<32x10112xf32, #tpu.memory_space<hbm>> -> memref<1x10112xf32, #tpu.memory_space<hbm>>
      %dma_wait3A_29 = tpu.memref_squeeze %dma_wait3A_28 : memref<1x10112xf32, #tpu.memory_space<hbm>> -> memref<10112xf32, #tpu.memory_space<hbm>>
      %dma_wait3A_30 = arith.constant 0 : i32
      %dma_wait3A_31 = tpu.memref_slice %arg6[%add3A, %dma_wait3A_30] : memref<32x10112xf32, #tpu.memory_space<hbm>> -> memref<1x10112xf32, #tpu.memory_space<hbm>>
      %dma_wait3A_32 = tpu.memref_squeeze %dma_wait3A_31 : memref<1x10112xf32, #tpu.memory_space<hbm>> -> memref<10112xf32, #tpu.memory_space<hbm>>
      tpu.wait_dma2 semaphore(%run_scoped3A : memref<!tpu.dma_semaphore, #tpu.memory_space<semaphore_mem>>) src(%arg11 : memref<10112xf32, #tpu.memory_space<vmem>>) dst(%dma_wait3A_32 : memref<10112xf32, #tpu.memory_space<hbm>>)
      tpu.yield
    }) : () -> ()
    return
  }
}

module attributes {stable_mosaic.version = 14 : i64} {
  func.func @_a_body(%arg0: i32, %arg1: memref<16384x128xf32, #tpu.memory_space<vmem>>, %arg2: memref<2x128xf32, #tpu.memory_space<vmem>>, %arg3: memref<2x1xf32, #tpu.memory_space<vmem>>, %arg4: memref<2x16384xi32, #tpu.memory_space<vmem>>, %arg5: memref<16384xf32, #tpu.memory_space<vmem>>, %arg6: memref<16384xf32, #tpu.memory_space<vmem>>, %arg7: memref<16384xi32, #tpu.memory_space<vmem>>) attributes {dimension_semantics = [#tpu.dimension_semantics<arbitrary>], iteration_bounds = array<i64: 10>, scalar_prefetch = 0 : i64, scratch_operands = 0 : i64, tpu.core_type = #tpu.core_type<tc>, window_params = [{transform_indices = @transform_0, window_bounds = array<i64: 16384, 128>}, {pipeline_mode = #tpu.pipeline_mode<synchronous>, transform_indices = @transform_1, window_bounds = array<i64: 2, 128>}, {pipeline_mode = #tpu.pipeline_mode<synchronous>, transform_indices = @transform_2, window_bounds = array<i64: 2, 1>}, {transform_indices = @transform_3, window_bounds = array<i64: 2, 16384>}, {transform_indices = @transform_4, window_bounds = array<i64: 16384>}, {transform_indices = @transform_5, window_bounds = array<i64: 16384>}, {transform_indices = @transform_6, window_bounds = array<i64: 16384>}]} {
    %get3A = arith.constant 0 : index
    %get3A_0 = arith.constant 0 : index
    %get3A_1 = vector.load %arg2[%get3A, %get3A_0] : memref<2x128xf32, #tpu.memory_space<vmem>>, vector<2x128xf32>
    %get3A_2 = arith.constant 0 : index
    %get3A_3 = arith.constant 0 : index
    %get3A_4 = vector.load %arg1[%get3A_2, %get3A_3] : memref<16384x128xf32, #tpu.memory_space<vmem>>, vector<16384x128xf32>
    %dot_general3A = arith.constant dense<0.000000e+00> : vector<2x16384xf32>
    %dot_general3A_5 = tpu.matmul %get3A_1, %get3A_4, %dot_general3A {dimension_numbers = #tpu.dot_dimension_numbers<[1], [1], [0], [0], [0, 0, 1, 0], [], []>, transpose_lhs_hint = false} : vector<2x128xf32>, vector<16384x128xf32>, vector<2x16384xf32> -> vector<2x16384xf32>
    %get3A_6 = arith.constant 0 : index
    %get3A_7 = arith.constant 0 : index
    %get3A_8 = vector.load %arg3[%get3A_6, %get3A_7] : memref<2x1xf32, #tpu.memory_space<vmem>>, vector<2x1xf32>
    %add3A = vector.broadcast %get3A_8 : vector<2x1xf32> to vector<2x16384xf32>
    %add3A_9 = arith.addf %dot_general3A_5, %add3A : vector<2x16384xf32>
    %slice3A = vector.extract_strided_slice %add3A_9 {offsets = [0, 0], sizes = [1, 16384], strides = [1, 1]} : vector<2x16384xf32> to vector<1x16384xf32>
    %squeeze3A = vector.shape_cast %slice3A : vector<1x16384xf32> to vector<16384xf32>
    %swap3A = arith.constant 0 : index
    %swap3A_10 = vector.load %arg5[%swap3A] : memref<16384xf32, #tpu.memory_space<vmem>>, vector<16384xf32>
    tpu.vector_store %arg5[%swap3A], %squeeze3A {strides = array<i32>} : memref<16384xf32, #tpu.memory_space<vmem>>, vector<16384xf32>,
    %slice3A_11 = vector.extract_strided_slice %add3A_9 {offsets = [1, 0], sizes = [1, 16384], strides = [1, 1]} : vector<2x16384xf32> to vector<1x16384xf32>
    %squeeze3A_12 = vector.shape_cast %slice3A_11 : vector<1x16384xf32> to vector<16384xf32>
    %swap3A_13 = arith.constant 0 : index
    %swap3A_14 = vector.load %arg6[%swap3A_13] : memref<16384xf32, #tpu.memory_space<vmem>>, vector<16384xf32>
    tpu.vector_store %arg6[%swap3A_13], %squeeze3A_12 {strides = array<i32>} : memref<16384xf32, #tpu.memory_space<vmem>>, vector<16384xf32>,
    %get3A_15 = arith.constant 0 : index
    %get3A_16 = arith.constant 0 : index
    %get3A_17 = vector.load %arg4[%get3A_15, %get3A_16] : memref<2x16384xi32, #tpu.memory_space<vmem>>, vector<1x16384xi32>
    %get3A_18 = vector.shape_cast %get3A_17 : vector<1x16384xi32> to vector<16384xi32>
    %swap3A_19 = arith.constant 0 : index
    %swap3A_20 = vector.load %arg7[%swap3A_19] : memref<16384xi32, #tpu.memory_space<vmem>>, vector<16384xi32>
    tpu.vector_store %arg7[%swap3A_19], %get3A_18 {strides = array<i32>} : memref<16384xi32, #tpu.memory_space<vmem>>, vector<16384xi32>,
    return
  }
  func.func @transform_0(%arg0: i32) -> (i32, i32) {
    %add3A = arith.constant 10 : i32
    %add3A_0 = arith.addi %arg0, %add3A : i32
    %c0_i32 = arith.constant 0 : i32
    %c0_i32_1 = arith.constant 0 : i32
    return %add3A_0, %c0_i32 : i32, i32
  }
  func.func @transform_1(%arg0: i32) -> (i32, i32) {
    %c0_i32 = arith.constant 0 : i32
    %c0_i32_0 = arith.constant 0 : i32
    %c0_i32_1 = arith.constant 0 : i32
    return %c0_i32, %c0_i32_0 : i32, i32
  }
  func.func @transform_2(%arg0: i32) -> (i32, i32) {
    %c0_i32 = arith.constant 0 : i32
    %c0_i32_0 = arith.constant 0 : i32
    %c0_i32_1 = arith.constant 0 : i32
    return %c0_i32, %c0_i32_0 : i32, i32
  }
  func.func @transform_3(%arg0: i32) -> (i32, i32) {
    %add3A = arith.constant 10 : i32
    %add3A_0 = arith.addi %arg0, %add3A : i32
    %c0_i32 = arith.constant 0 : i32
    %c0_i32_1 = arith.constant 0 : i32
    return %c0_i32, %add3A_0 : i32, i32
  }
  func.func @transform_4(%arg0: i32) -> i32 {
    %c0_i32 = arith.constant 0 : i32
    return %arg0 : i32
  }
  func.func @transform_5(%arg0: i32) -> i32 {
    %c0_i32 = arith.constant 0 : i32
    return %arg0 : i32
  }
  func.func @transform_6(%arg0: i32) -> i32 {
    %c0_i32 = arith.constant 0 : i32
    return %arg0 : i32
  }
}

module attributes {stable_mosaic.version = 14 : i64} {
  func.func @_a_body(%arg0: i32, %arg1: memref<16384x128xf32, #tpu.memory_space<vmem>>, %arg2: memref<2x128xf32, #tpu.memory_space<vmem>>, %arg3: memref<2x1xf32, #tpu.memory_space<vmem>>, %arg4: memref<2x16384xi32, #tpu.memory_space<vmem>>, %arg5: memref<16384xf32, #tpu.memory_space<vmem>>, %arg6: memref<16384xf32, #tpu.memory_space<vmem>>, %arg7: memref<16384xi32, #tpu.memory_space<vmem>>) attributes {dimension_semantics = [#tpu.dimension_semantics<arbitrary>], iteration_bounds = array<i64: 10>, scalar_prefetch = 0 : i64, scratch_operands = 0 : i64, tpu.core_type = #tpu.core_type<tc>, window_params = [{transform_indices = @transform_0, window_bounds = array<i64: 16384, 128>}, {pipeline_mode = #tpu.pipeline_mode<synchronous>, transform_indices = @transform_1, window_bounds = array<i64: 2, 128>}, {pipeline_mode = #tpu.pipeline_mode<synchronous>, transform_indices = @transform_2, window_bounds = array<i64: 2, 1>}, {transform_indices = @transform_3, window_bounds = array<i64: 2, 16384>}, {transform_indices = @transform_4, window_bounds = array<i64: 16384>}, {transform_indices = @transform_5, window_bounds = array<i64: 16384>}, {transform_indices = @transform_6, window_bounds = array<i64: 16384>}]} {
    %get3A = arith.constant 0 : index
    %get3A_0 = arith.constant 0 : index
    %get3A_1 = vector.load %arg2[%get3A, %get3A_0] : memref<2x128xf32, #tpu.memory_space<vmem>>, vector<2x128xf32>
    %get3A_2 = arith.constant 0 : index
    %get3A_3 = arith.constant 0 : index
    %get3A_4 = vector.load %arg1[%get3A_2, %get3A_3] : memref<16384x128xf32, #tpu.memory_space<vmem>>, vector<16384x128xf32>
    %dot_general3A = arith.constant dense<0.000000e+00> : vector<2x16384xf32>
    %dot_general3A_5 = tpu.matmul %get3A_1, %get3A_4, %dot_general3A {dimension_numbers = #tpu.dot_dimension_numbers<[1], [1], [0], [0], [0, 0, 1, 0], [], []>, transpose_lhs_hint = false} : vector<2x128xf32>, vector<16384x128xf32>, vector<2x16384xf32> -> vector<2x16384xf32>
    %get3A_6 = arith.constant 0 : index
    %get3A_7 = arith.constant 0 : index
    %get3A_8 = vector.load %arg3[%get3A_6, %get3A_7] : memref<2x1xf32, #tpu.memory_space<vmem>>, vector<2x1xf32>
    %add3A = vector.broadcast %get3A_8 : vector<2x1xf32> to vector<2x16384xf32>
    %add3A_9 = arith.addf %dot_general3A_5, %add3A : vector<2x16384xf32>
    %slice3A = vector.extract_strided_slice %add3A_9 {offsets = [0, 0], sizes = [1, 16384], strides = [1, 1]} : vector<2x16384xf32> to vector<1x16384xf32>
    %squeeze3A = vector.shape_cast %slice3A : vector<1x16384xf32> to vector<16384xf32>
    %swap3A = arith.constant 0 : index
    %swap3A_10 = vector.load %arg5[%swap3A] : memref<16384xf32, #tpu.memory_space<vmem>>, vector<16384xf32>
    tpu.vector_store %arg5[%swap3A], %squeeze3A {strides = array<i32>} : memref<16384xf32, #tpu.memory_space<vmem>>, vector<16384xf32>,
    %slice3A_11 = vector.extract_strided_slice %add3A_9 {offsets = [1, 0], sizes = [1, 16384], strides = [1, 1]} : vector<2x16384xf32> to vector<1x16384xf32>
    %squeeze3A_12 = vector.shape_cast %slice3A_11 : vector<1x16384xf32> to vector<16384xf32>
    %swap3A_13 = arith.constant 0 : index
    %swap3A_14 = vector.load %arg6[%swap3A_13] : memref<16384xf32, #tpu.memory_space<vmem>>, vector<16384xf32>
    tpu.vector_store %arg6[%swap3A_13], %squeeze3A_12 {strides = array<i32>} : memref<16384xf32, #tpu.memory_space<vmem>>, vector<16384xf32>,
    %get3A_15 = arith.constant 0 : index
    %get3A_16 = arith.constant 0 : index
    %get3A_17 = vector.load %arg4[%get3A_15, %get3A_16] : memref<2x16384xi32, #tpu.memory_space<vmem>>, vector<1x16384xi32>
    %get3A_18 = vector.shape_cast %get3A_17 : vector<1x16384xi32> to vector<16384xi32>
    %swap3A_19 = arith.constant 0 : index
    %swap3A_20 = vector.load %arg7[%swap3A_19] : memref<16384xi32, #tpu.memory_space<vmem>>, vector<16384xi32>
    tpu.vector_store %arg7[%swap3A_19], %get3A_18 {strides = array<i32>} : memref<16384xi32, #tpu.memory_space<vmem>>, vector<16384xi32>,
    return
  }
  func.func @transform_0(%arg0: i32) -> (i32, i32) {
    %add3A = arith.constant 0 : i32
    %add3A_0 = arith.addi %arg0, %add3A : i32
    %c0_i32 = arith.constant 0 : i32
    %c0_i32_1 = arith.constant 0 : i32
    return %add3A_0, %c0_i32 : i32, i32
  }
  func.func @transform_1(%arg0: i32) -> (i32, i32) {
    %c0_i32 = arith.constant 0 : i32
    %c0_i32_0 = arith.constant 0 : i32
    %c0_i32_1 = arith.constant 0 : i32
    return %c0_i32, %c0_i32_0 : i32, i32
  }
  func.func @transform_2(%arg0: i32) -> (i32, i32) {
    %c0_i32 = arith.constant 0 : i32
    %c0_i32_0 = arith.constant 0 : i32
    %c0_i32_1 = arith.constant 0 : i32
    return %c0_i32, %c0_i32_0 : i32, i32
  }
  func.func @transform_3(%arg0: i32) -> (i32, i32) {
    %add3A = arith.constant 0 : i32
    %add3A_0 = arith.addi %arg0, %add3A : i32
    %c0_i32 = arith.constant 0 : i32
    %c0_i32_1 = arith.constant 0 : i32
    return %c0_i32, %add3A_0 : i32, i32
  }
  func.func @transform_4(%arg0: i32) -> i32 {
    %c0_i32 = arith.constant 0 : i32
    return %arg0 : i32
  }
  func.func @transform_5(%arg0: i32) -> i32 {
    %c0_i32 = arith.constant 0 : i32
    return %arg0 : i32
  }
  func.func @transform_6(%arg0: i32) -> i32 {
    %c0_i32 = arith.constant 0 : i32
    return %arg0 : i32
  }
}

module attributes {stable_mosaic.version = 14 : i64} {
  func.func @_c1b_body(%arg0: i32, %arg1: memref<32x10112xf32, #tpu.memory_space<vmem>>, %arg2: memref<32x10112xf32, #tpu.memory_space<vmem>>, %arg3: memref<32x10112xf32, #tpu.memory_space<vmem>>, %arg4: memref<32x10112xf32, #tpu.memory_space<vmem>>, %arg5: memref<1x10112xi32, #tpu.memory_space<vmem>>, %arg6: memref<1x10112xf32, #tpu.memory_space<vmem>>, %arg7: memref<128x1xf32, #tpu.memory_space<vmem>>) attributes {dimension_semantics = [#tpu.dimension_semantics<arbitrary>], iteration_bounds = array<i64: 1>, scalar_prefetch = 0 : i64, scratch_operands = 0 : i64, tpu.core_type = #tpu.core_type<tc>, window_params = [{pipeline_mode = #tpu.pipeline_mode<synchronous>, transform_indices = @transform_0, window_bounds = array<i64: 32, 10112>}, {pipeline_mode = #tpu.pipeline_mode<synchronous>, transform_indices = @transform_1, window_bounds = array<i64: 32, 10112>}, {pipeline_mode = #tpu.pipeline_mode<synchronous>, transform_indices = @transform_2, window_bounds = array<i64: 32, 10112>}, {pipeline_mode = #tpu.pipeline_mode<synchronous>, transform_indices = @transform_3, window_bounds = array<i64: 32, 10112>}, {pipeline_mode = #tpu.pipeline_mode<synchronous>, transform_indices = @transform_4, window_bounds = array<i64: 1, 10112>}, {pipeline_mode = #tpu.pipeline_mode<synchronous>, transform_indices = @transform_5, window_bounds = array<i64: 1, 10112>}, {pipeline_mode = #tpu.pipeline_mode<synchronous>, transform_indices = @transform_6, window_bounds = array<i64: 128, 1>}]} {
    %get3A = arith.constant 0 : index
    %get3A_0 = arith.constant 0 : index
    %get3A_1 = vector.load %arg1[%get3A, %get3A_0] : memref<32x10112xf32, #tpu.memory_space<vmem>>, vector<32x10112xf32>
    %reduce_max3A = arith.constant dense<0xFF800000> : vector<10112xf32>
    %reduce_max3A_2 = vector.multi_reduction <maximumf>, %get3A_1, %reduce_max3A [0] : vector<32x10112xf32> to vector<10112xf32>
    %broadcast_in_dim3A = vector.shape_cast %reduce_max3A_2 : vector<10112xf32> to vector<1x10112xf32>
    %get3A_3 = arith.constant 0 : index
    %get3A_4 = arith.constant 0 : index
    %get3A_5 = vector.load %arg2[%get3A_3, %get3A_4] : memref<32x10112xf32, #tpu.memory_space<vmem>>, vector<32x10112xf32>
    %reduce_max3A_6 = arith.constant dense<0xFF800000> : vector<10112xf32>
    %reduce_max3A_7 = vector.multi_reduction <maximumf>, %get3A_5, %reduce_max3A_6 [0] : vector<32x10112xf32> to vector<10112xf32>
    %broadcast_in_dim3A_8 = vector.shape_cast %reduce_max3A_7 : vector<10112xf32> to vector<1x10112xf32>
    %max3A = arith.maximumf %broadcast_in_dim3A, %broadcast_in_dim3A_8 : vector<1x10112xf32>
    %swap3A = arith.constant 0 : index
    %swap3A_9 = arith.constant 0 : index
    %swap3A_10 = vector.load %arg6[%swap3A, %swap3A_9] : memref<1x10112xf32, #tpu.memory_space<vmem>>, vector<1x10112xf32>
    tpu.vector_store %arg6[%swap3A, %swap3A_9], %max3A {strides = array<i32>} : memref<1x10112xf32, #tpu.memory_space<vmem>>, vector<1x10112xf32>,
    %get3A_11 = arith.constant 0 : index
    %get3A_12 = arith.constant 0 : index
    %get3A_13 = vector.load %arg3[%get3A_11, %get3A_12] : memref<32x10112xf32, #tpu.memory_space<vmem>>, vector<32x10112xf32>
    %reduce_max3A_14 = arith.constant dense<0xFF800000> : vector<10112xf32>
    %reduce_max3A_15 = vector.multi_reduction <maximumf>, %get3A_13, %reduce_max3A_14 [0] : vector<32x10112xf32> to vector<10112xf32>
    %broadcast_in_dim3A_16 = vector.shape_cast %reduce_max3A_15 : vector<10112xf32> to vector<1x10112xf32>
    %get3A_17 = arith.constant 0 : index
    %get3A_18 = arith.constant 0 : index
    %get3A_19 = vector.load %arg4[%get3A_17, %get3A_18] : memref<32x10112xf32, #tpu.memory_space<vmem>>, vector<32x10112xf32>
    %reduce_max3A_20 = arith.constant dense<0xFF800000> : vector<10112xf32>
    %reduce_max3A_21 = vector.multi_reduction <maximumf>, %get3A_19, %reduce_max3A_20 [0] : vector<32x10112xf32> to vector<10112xf32>
    %broadcast_in_dim3A_22 = vector.shape_cast %reduce_max3A_21 : vector<10112xf32> to vector<1x10112xf32>
    %max3A_23 = arith.maximumf %broadcast_in_dim3A_16, %broadcast_in_dim3A_22 : vector<1x10112xf32>
    %get3A_24 = arith.constant 0 : index
    %get3A_25 = arith.constant 0 : index
    %get3A_26 = vector.load %arg5[%get3A_24, %get3A_25] : memref<1x10112xi32, #tpu.memory_space<vmem>>, vector<1x10112xi32>
    %iota3A = tpu.iota {dimensions = array<i32: 0>} : vector<128x10112xi32>
    %eq3A = vector.broadcast %get3A_26 : vector<1x10112xi32> to vector<128x10112xi32>
    %eq3A_27 = arith.cmpi eq, %eq3A, %iota3A : vector<128x10112xi32>
    %jit3A = arith.constant -3.400000e+38 : f32
    %broadcast_in_dim3A_28 = vector.shape_cast %max3A_23 : vector<1x10112xf32> to vector<1x10112xf32>
    %broadcast_in_dim3A_29 = vector.broadcast %broadcast_in_dim3A_28 : vector<1x10112xf32> to vector<128x10112xf32>
    %broadcast_in_dim3A_30 = vector.broadcast %jit3A : f32 to vector<128x10112xf32>
    %select_n3A = arith.select %eq3A_27, %broadcast_in_dim3A_29, %broadcast_in_dim3A_30 : vector<128x10112xi1>, vector<128x10112xf32>
    %reduce_max3A_31 = arith.constant dense<0xFF800000> : vector<128xf32>
    %reduce_max3A_32 = vector.multi_reduction <maximumf>, %select_n3A, %reduce_max3A_31 [1] : vector<128x10112xf32> to vector<128xf32>
    %broadcast_in_dim3A_33 = vector.shape_cast %reduce_max3A_32 : vector<128xf32> to vector<128x1xf32>
    %swap3A_34 = arith.constant 0 : index
    %swap3A_35 = arith.constant 0 : index
    %swap3A_36 = vector.load %arg7[%swap3A_34, %swap3A_35] : memref<128x1xf32, #tpu.memory_space<vmem>>, vector<128x1xf32>
    tpu.vector_store %arg7[%swap3A_34, %swap3A_35], %broadcast_in_dim3A_33 {strides = array<i32>} : memref<128x1xf32, #tpu.memory_space<vmem>>, vector<128x1xf32>,
    return
  }
  func.func @transform_0(%arg0: i32) -> (i32, i32) {
    %c0_i32 = arith.constant 0 : i32
    %c0_i32_0 = arith.constant 0 : i32
    %c0_i32_1 = arith.constant 0 : i32
    return %c0_i32, %c0_i32_0 : i32, i32
  }
  func.func @transform_1(%arg0: i32) -> (i32, i32) {
    %c0_i32 = arith.constant 0 : i32
    %c0_i32_0 = arith.constant 0 : i32
    %c0_i32_1 = arith.constant 0 : i32
    return %c0_i32, %c0_i32_0 : i32, i32
  }
  func.func @transform_2(%arg0: i32) -> (i32, i32) {
    %c0_i32 = arith.constant 0 : i32
    %c0_i32_0 = arith.constant 0 : i32
    %c0_i32_1 = arith.constant 0 : i32
    return %c0_i32, %c0_i32_0 : i32, i32
  }
  func.func @transform_3(%arg0: i32) -> (i32, i32) {
    %c0_i32 = arith.constant 0 : i32
    %c0_i32_0 = arith.constant 0 : i32
    %c0_i32_1 = arith.constant 0 : i32
    return %c0_i32, %c0_i32_0 : i32, i32
  }
  func.func @transform_4(%arg0: i32) -> (i32, i32) {
    %c0_i32 = arith.constant 0 : i32
    %c0_i32_0 = arith.constant 0 : i32
    %c0_i32_1 = arith.constant 0 : i32
    return %c0_i32, %c0_i32_0 : i32, i32
  }
  func.func @transform_5(%arg0: i32) -> (i32, i32) {
    %c0_i32 = arith.constant 0 : i32
    %c0_i32_0 = arith.constant 0 : i32
    %c0_i32_1 = arith.constant 0 : i32
    return %c0_i32, %c0_i32_0 : i32, i32
  }
  func.func @transform_6(%arg0: i32) -> (i32, i32) {
    %c0_i32 = arith.constant 0 : i32
    %c0_i32_0 = arith.constant 0 : i32
    %c0_i32_1 = arith.constant 0 : i32
    return %c0_i32, %c0_i32_0 : i32, i32
  }
}

module attributes {stable_mosaic.version = 14 : i64} {
  func.func @_c1a_body(%arg0: i32, %arg1: memref<1xi32, #tpu.memory_space<smem>>, %arg2: memref<10000x128xf32, #tpu.memory_space<vmem>>, %arg3: memref<3x128xf32, #tpu.memory_space<vmem>>, %arg4: memref<1x3xf32, #tpu.memory_space<vmem>>, %arg5: memref<10000x1xf32, #tpu.memory_space<vmem>>, %arg6: memref<10000x1xf32, #tpu.memory_space<vmem>>, %arg7: memref<10000x1xf32, #tpu.memory_space<vmem>>, %arg8: memref<10000x1xi32, #tpu.memory_space<vmem>>, %arg9: memref<10000x3xf32, #tpu.memory_space<vmem>>, %arg10: memref<1x128xf32, #tpu.memory_space<vmem>>) attributes {dimension_semantics = [#tpu.dimension_semantics<arbitrary>], iteration_bounds = array<i64: 1>, scalar_prefetch = 0 : i64, scratch_operands = 0 : i64, tpu.core_type = #tpu.core_type<tc>, window_params = [{transform_indices = @transform_0, window_bounds = array<i64: 1>}, {pipeline_mode = #tpu.pipeline_mode<synchronous>, transform_indices = @transform_1, window_bounds = array<i64: 10000, 128>}, {pipeline_mode = #tpu.pipeline_mode<synchronous>, transform_indices = @transform_2, window_bounds = array<i64: 3, 128>}, {pipeline_mode = #tpu.pipeline_mode<synchronous>, transform_indices = @transform_3, window_bounds = array<i64: 1, 3>}, {pipeline_mode = #tpu.pipeline_mode<synchronous>, transform_indices = @transform_4, window_bounds = array<i64: 10000, 1>}, {pipeline_mode = #tpu.pipeline_mode<synchronous>, transform_indices = @transform_5, window_bounds = array<i64: 10000, 1>}, {pipeline_mode = #tpu.pipeline_mode<synchronous>, transform_indices = @transform_6, window_bounds = array<i64: 10000, 1>}, {pipeline_mode = #tpu.pipeline_mode<synchronous>, transform_indices = @transform_7, window_bounds = array<i64: 10000, 1>}, {pipeline_mode = #tpu.pipeline_mode<synchronous>, transform_indices = @transform_8, window_bounds = array<i64: 10000, 3>}, {pipeline_mode = #tpu.pipeline_mode<synchronous>, transform_indices = @transform_9, window_bounds = array<i64: 1, 128>}]} {
    %broadcast_in_dim3A = arith.constant -3.400000e+38 : f32
    %broadcast_in_dim3A_0 = vector.broadcast %broadcast_in_dim3A : f32 to vector<1x128xf32>
    %broadcast_in_dim3A_1 = arith.constant 0.000000e+00 : f32
    %broadcast_in_dim3A_2 = vector.broadcast %broadcast_in_dim3A_1 : f32 to vector<1x128xf32>
    %scan3A = arith.constant 0.000000e+00 : f32
    %scan3A_3 = arith.constant 0.000000e+00 : f32
    %scan3A_4 = arith.constant 0.000000e+00 : f32
    %scan3A_5 = arith.constant 0.000000e+00 : f32
    %scan3A_6 = arith.constant 0 : i32
    %scan3A_7 = arith.constant 4 : i32
    %scan3A_8 = arith.addi %scan3A_6, %scan3A_7 : i32
    %scan3A_9 = arith.constant 1 : i32
    %scan3A_10:6 = scf.for %scan3A_53 = %scan3A_6 to %scan3A_8 step %scan3A_9 iter_args(%scan3A_54 = %broadcast_in_dim3A_0, %scan3A_55 = %broadcast_in_dim3A_2, %scan3A_56 = %scan3A, %scan3A_57 = %scan3A_3, %scan3A_58 = %scan3A_4, %scan3A_59 = %scan3A_5) -> (vector<1x128xf32>, vector<1x128xf32>, f32, f32, f32, f32)  : i32 {
      %mul3A_60 = arith.constant 2500 : i32
      %mul3A_61 = arith.muli %scan3A_53, %mul3A_60 : i32
      %get3A = arith.index_cast %mul3A_61 : i32 to index
      %get3A_62 = arith.constant 0 : index
      %get3A_63 = vector.load %arg2[%get3A, %get3A_62] : memref<10000x128xf32, #tpu.memory_space<vmem>>, vector<2500x128xf32>
      %get3A_64 = arith.constant 0 : index
      %get3A_65 = arith.constant 0 : index
      %get3A_66 = vector.load %arg3[%get3A_64, %get3A_65] : memref<3x128xf32, #tpu.memory_space<vmem>>, vector<3x128xf32>
      %dot_general3A = arith.constant dense<0.000000e+00> : vector<2500x3xf32>
      %dot_general3A_67 = tpu.matmul %get3A_63, %get3A_66, %dot_general3A {dimension_numbers = #tpu.dot_dimension_numbers<[1], [1], [0], [0], [0, 0, 1, 0], [], []>, transpose_lhs_hint = false} : vector<2500x128xf32>, vector<3x128xf32>, vector<2500x3xf32> -> vector<2500x3xf32>
      %get3A_68 = arith.constant 0 : index
      %get3A_69 = arith.constant 0 : index
      %get3A_70 = vector.load %arg4[%get3A_68, %get3A_69] : memref<1x3xf32, #tpu.memory_space<vmem>>, vector<1x3xf32>
      %add3A_71 = vector.broadcast %get3A_70 : vector<1x3xf32> to vector<2500x3xf32>
      %add3A_72 = arith.addf %dot_general3A_67, %add3A_71 : vector<2500x3xf32>
      %get3A_73 = arith.index_cast %mul3A_61 : i32 to index
      %get3A_74 = arith.constant 0 : index
      %get3A_75 = vector.load %arg5[%get3A_73, %get3A_74] : memref<10000x1xf32, #tpu.memory_space<vmem>>, vector<2500x1xf32>
      %get3A_76 = arith.index_cast %mul3A_61 : i32 to index
      %get3A_77 = arith.constant 0 : index
      %get3A_78 = vector.load %arg6[%get3A_76, %get3A_77] : memref<10000x1xf32, #tpu.memory_space<vmem>>, vector<2500x1xf32>
      %get3A_79 = arith.index_cast %mul3A_61 : i32 to index
      %get3A_80 = arith.constant 0 : index
      %get3A_81 = vector.load %arg7[%get3A_79, %get3A_80] : memref<10000x1xf32, #tpu.memory_space<vmem>>, vector<2500x1xf32>
      %concatenate3A = tpu.concatenate %get3A_75, %get3A_78, %get3A_81 in 1 : vector<2500x1xf32>, vector<2500x1xf32>, vector<2500x1xf32> -> vector<2500x3xf32>
      %get3A_82 = arith.index_cast %mul3A_61 : i32 to index
      %get3A_83 = arith.constant 0 : index
      %get3A_84 = vector.load %arg8[%get3A_82, %get3A_83] : memref<10000x1xi32, #tpu.memory_space<vmem>>, vector<2500x1xi32>
      %iota3A_85 = tpu.iota {dimensions = array<i32: 1>} : vector<2500x128xi32>
      %eq3A_86 = vector.broadcast %get3A_84 : vector<2500x1xi32> to vector<2500x128xi32>
      %eq3A_87 = arith.cmpi eq, %eq3A_86, %iota3A_85 : vector<2500x128xi32>
      %slice3A = vector.extract_strided_slice %add3A_72 {offsets = [0, 0], sizes = [2500, 1], strides = [1, 1]} : vector<2500x3xf32> to vector<2500x1xf32>
      %slice3A_88 = vector.extract_strided_slice %concatenate3A {offsets = [0, 0], sizes = [2500, 1], strides = [1, 1]} : vector<2500x3xf32> to vector<2500x1xf32>
      %jit3A_89 = arith.constant -3.400000e+38 : f32
      %broadcast_in_dim3A_90 = vector.shape_cast %slice3A : vector<2500x1xf32> to vector<2500x1xf32>
      %broadcast_in_dim3A_91 = vector.broadcast %broadcast_in_dim3A_90 : vector<2500x1xf32> to vector<2500x128xf32>
      %broadcast_in_dim3A_92 = vector.broadcast %jit3A_89 : f32 to vector<2500x128xf32>
      %select_n3A_93 = arith.select %eq3A_87, %broadcast_in_dim3A_91, %broadcast_in_dim3A_92 : vector<2500x128xi1>, vector<2500x128xf32>
      %reduce_max3A = arith.constant dense<0xFF800000> : vector<128xf32>
      %reduce_max3A_94 = vector.multi_reduction <maximumf>, %select_n3A_93, %reduce_max3A [0] : vector<2500x128xf32> to vector<128xf32>
      %broadcast_in_dim3A_95 = vector.shape_cast %reduce_max3A_94 : vector<128xf32> to vector<1x128xf32>
      %max3A = arith.maximumf %scan3A_54, %broadcast_in_dim3A_95 : vector<1x128xf32>
      %jit3A_96 = arith.constant 0.000000e+00 : f32
      %broadcast_in_dim3A_97 = vector.shape_cast %slice3A_88 : vector<2500x1xf32> to vector<2500x1xf32>
      %broadcast_in_dim3A_98 = vector.broadcast %broadcast_in_dim3A_97 : vector<2500x1xf32> to vector<2500x128xf32>
      %broadcast_in_dim3A_99 = vector.broadcast %jit3A_96 : f32 to vector<2500x128xf32>
      %select_n3A_100 = arith.select %eq3A_87, %broadcast_in_dim3A_98, %broadcast_in_dim3A_99 : vector<2500x128xi1>, vector<2500x128xf32>
      %reduce_sum3A_101 = arith.constant dense<0.000000e+00> : vector<128xf32>
      %reduce_sum3A_102 = vector.multi_reduction <add>, %select_n3A_100, %reduce_sum3A_101 [0] : vector<2500x128xf32> to vector<128xf32>
      %broadcast_in_dim3A_103 = vector.shape_cast %reduce_sum3A_102 : vector<128xf32> to vector<1x128xf32>
      %add3A_104 = arith.addf %scan3A_55, %broadcast_in_dim3A_103 : vector<1x128xf32>
      %mul3A_105 = arith.mulf %slice3A_88, %slice3A : vector<2500x1xf32>
      %reduce_sum3A_106 = vector.shape_cast %mul3A_105 : vector<2500x1xf32> to vector<1x2500x1xf32>
      %reduce_sum3A_107 = arith.constant dense<0.000000e+00> : vector<1xf32>
      %reduce_sum3A_108 = vector.multi_reduction <add>, %reduce_sum3A_106, %reduce_sum3A_107 [1, 2] : vector<1x2500x1xf32> to vector<1xf32>
      %reduce_sum3A_109 = vector.shape_cast %reduce_sum3A_108 : vector<1xf32> to vector<1x1x1xf32>
      %reduce_sum3A_110 = vector.extract %reduce_sum3A_109[0, 0, 0] : f32 from vector<1x1x1xf32>
      %add3A_111 = arith.addf %scan3A_56, %reduce_sum3A_110 : f32
      %slice3A_112 = vector.extract_strided_slice %add3A_72 {offsets = [0, 1], sizes = [2500, 1], strides = [1, 1]} : vector<2500x3xf32> to vector<2500x1xf32>
      %slice3A_113 = vector.extract_strided_slice %concatenate3A {offsets = [0, 1], sizes = [2500, 1], strides = [1, 1]} : vector<2500x3xf32> to vector<2500x1xf32>
      %max3A_114 = arith.constant 0.000000e+00 : f32
      %max3A_115 = vector.broadcast %max3A_114 : f32 to vector<2500x1xf32>
      %max3A_116 = arith.maximumf %slice3A_112, %max3A_115 : vector<2500x1xf32>
      %mul3A_117 = arith.mulf %slice3A_112, %slice3A_113 : vector<2500x1xf32>
      %sub3A = arith.subf %max3A_116, %mul3A_117 : vector<2500x1xf32>
      %abs3A = math.absf %slice3A_112 : vector<2500x1xf32>
      %neg3A_118 = arith.constant 0.000000e+00 : f32
      %neg3A_119 = vector.broadcast %neg3A_118 : f32 to vector<2500x1xf32>
      %neg3A_120 = arith.subf %neg3A_119, %abs3A : vector<2500x1xf32>
      %exp3A = math.exp %neg3A_120 : vector<2500x1xf32>
      %log1p3A = math.log1p %exp3A : vector<2500x1xf32>
      %add3A_121 = arith.addf %sub3A, %log1p3A : vector<2500x1xf32>
      %reduce_sum3A_122 = vector.shape_cast %add3A_121 : vector<2500x1xf32> to vector<1x2500x1xf32>
      %reduce_sum3A_123 = arith.constant dense<0.000000e+00> : vector<1xf32>
      %reduce_sum3A_124 = vector.multi_reduction <add>, %reduce_sum3A_122, %reduce_sum3A_123 [1, 2] : vector<1x2500x1xf32> to vector<1xf32>
      %reduce_sum3A_125 = vector.shape_cast %reduce_sum3A_124 : vector<1xf32> to vector<1x1x1xf32>
      %reduce_sum3A_126 = vector.extract %reduce_sum3A_125[0, 0, 0] : f32 from vector<1x1x1xf32>
      %add3A_127 = arith.addf %scan3A_57, %reduce_sum3A_126 : f32
      %slice3A_128 = vector.extract_strided_slice %add3A_72 {offsets = [0, 2], sizes = [2500, 1], strides = [1, 1]} : vector<2500x3xf32> to vector<2500x1xf32>
      %slice3A_129 = vector.extract_strided_slice %concatenate3A {offsets = [0, 2], sizes = [2500, 1], strides = [1, 1]} : vector<2500x3xf32> to vector<2500x1xf32>
      %max3A_130 = arith.constant 0.000000e+00 : f32
      %max3A_131 = vector.broadcast %max3A_130 : f32 to vector<2500x1xf32>
      %max3A_132 = arith.maximumf %slice3A_128, %max3A_131 : vector<2500x1xf32>
      %mul3A_133 = arith.mulf %slice3A_128, %slice3A_129 : vector<2500x1xf32>
      %sub3A_134 = arith.subf %max3A_132, %mul3A_133 : vector<2500x1xf32>
      %abs3A_135 = math.absf %slice3A_128 : vector<2500x1xf32>
      %neg3A_136 = arith.constant 0.000000e+00 : f32
      %neg3A_137 = vector.broadcast %neg3A_136 : f32 to vector<2500x1xf32>
      %neg3A_138 = arith.subf %neg3A_137, %abs3A_135 : vector<2500x1xf32>
      %exp3A_139 = math.exp %neg3A_138 : vector<2500x1xf32>
      %log1p3A_140 = math.log1p %exp3A_139 : vector<2500x1xf32>
      %add3A_141 = arith.addf %sub3A_134, %log1p3A_140 : vector<2500x1xf32>
      %reduce_sum3A_142 = vector.shape_cast %add3A_141 : vector<2500x1xf32> to vector<1x2500x1xf32>
      %reduce_sum3A_143 = arith.constant dense<0.000000e+00> : vector<1xf32>
      %reduce_sum3A_144 = vector.multi_reduction <add>, %reduce_sum3A_142, %reduce_sum3A_143 [1, 2] : vector<1x2500x1xf32> to vector<1xf32>
      %reduce_sum3A_145 = vector.shape_cast %reduce_sum3A_144 : vector<1xf32> to vector<1x1x1xf32>
      %reduce_sum3A_146 = vector.extract %reduce_sum3A_145[0, 0, 0] : f32 from vector<1x1x1xf32>
      %add3A_147 = arith.addf %scan3A_58, %reduce_sum3A_146 : f32
      %slice3A_148 = vector.extract_strided_slice %eq3A_87 {offsets = [0, 0], sizes = [2500, 1], strides = [1, 1]} : vector<2500x128xi1> to vector<2500x1xi1>
      %jit3A_149 = arith.constant 1.000000e+00 : f32
      %jit3A_150 = arith.constant 0.000000e+00 : f32
      %broadcast_in_dim3A_151 = vector.broadcast %jit3A_149 : f32 to vector<2500x1xf32>
      %broadcast_in_dim3A_152 = vector.broadcast %jit3A_150 : f32 to vector<2500x1xf32>
      %select_n3A_153 = arith.select %slice3A_148, %broadcast_in_dim3A_151, %broadcast_in_dim3A_152 : vector<2500x1xi1>, vector<2500x1xf32>
      %reduce_sum3A_154 = vector.shape_cast %select_n3A_153 : vector<2500x1xf32> to vector<1x2500x1xf32>
      %reduce_sum3A_155 = arith.constant dense<0.000000e+00> : vector<1xf32>
      %reduce_sum3A_156 = vector.multi_reduction <add>, %reduce_sum3A_154, %reduce_sum3A_155 [1, 2] : vector<1x2500x1xf32> to vector<1xf32>
      %reduce_sum3A_157 = vector.shape_cast %reduce_sum3A_156 : vector<1xf32> to vector<1x1x1xf32>
      %reduce_sum3A_158 = vector.extract %reduce_sum3A_157[0, 0, 0] : f32 from vector<1x1x1xf32>
      %add3A_159 = arith.addf %scan3A_59, %reduce_sum3A_158 : f32
      scf.yield %max3A, %add3A_104, %add3A_111, %add3A_127, %add3A_147, %add3A_159 : vector<1x128xf32>, vector<1x128xf32>, f32, f32, f32, f32
    }
    %scan3A_11 = arith.constant 4 : i32
    %broadcast_in_dim3A_12 = arith.constant 0.000000e+00 : f32
    %broadcast_in_dim3A_13 = vector.broadcast %broadcast_in_dim3A_12 : f32 to vector<1x128xf32>
    %scan3A_14 = arith.constant 0 : i32
    %scan3A_15 = arith.constant 4 : i32
    %scan3A_16 = arith.addi %scan3A_14, %scan3A_15 : i32
    %scan3A_17 = arith.constant 1 : i32
    %scan3A_18 = scf.for %scan3A_53 = %scan3A_14 to %scan3A_16 step %scan3A_17 iter_args(%scan3A_54 = %broadcast_in_dim3A_13) -> (vector<1x128xf32>)  : i32 {
      %mul3A_55 = arith.constant 2500 : i32
      %mul3A_56 = arith.muli %scan3A_53, %mul3A_55 : i32
      %get3A = arith.index_cast %mul3A_56 : i32 to index
      %get3A_57 = arith.constant 0 : index
      %get3A_58 = vector.load %arg2[%get3A, %get3A_57] : memref<10000x128xf32, #tpu.memory_space<vmem>>, vector<2500x128xf32>
      %get3A_59 = arith.constant 0 : index
      %get3A_60 = arith.constant 0 : index
      %get3A_61 = vector.load %arg3[%get3A_59, %get3A_60] : memref<3x128xf32, #tpu.memory_space<vmem>>, vector<3x128xf32>
      %dot_general3A = arith.constant dense<0.000000e+00> : vector<2500x3xf32>
      %dot_general3A_62 = tpu.matmul %get3A_58, %get3A_61, %dot_general3A {dimension_numbers = #tpu.dot_dimension_numbers<[1], [1], [0], [0], [0, 0, 1, 0], [], []>, transpose_lhs_hint = false} : vector<2500x128xf32>, vector<3x128xf32>, vector<2500x3xf32> -> vector<2500x3xf32>
      %get3A_63 = arith.constant 0 : index
      %get3A_64 = arith.constant 0 : index
      %get3A_65 = vector.load %arg4[%get3A_63, %get3A_64] : memref<1x3xf32, #tpu.memory_space<vmem>>, vector<1x3xf32>
      %add3A_66 = vector.broadcast %get3A_65 : vector<1x3xf32> to vector<2500x3xf32>
      %add3A_67 = arith.addf %dot_general3A_62, %add3A_66 : vector<2500x3xf32>
      %get3A_68 = arith.index_cast %mul3A_56 : i32 to index
      %get3A_69 = arith.constant 0 : index
      %get3A_70 = vector.load %arg5[%get3A_68, %get3A_69] : memref<10000x1xf32, #tpu.memory_space<vmem>>, vector<2500x1xf32>
      %get3A_71 = arith.index_cast %mul3A_56 : i32 to index
      %get3A_72 = arith.constant 0 : index
      %get3A_73 = vector.load %arg6[%get3A_71, %get3A_72] : memref<10000x1xf32, #tpu.memory_space<vmem>>, vector<2500x1xf32>
      %get3A_74 = arith.index_cast %mul3A_56 : i32 to index
      %get3A_75 = arith.constant 0 : index
      %get3A_76 = vector.load %arg7[%get3A_74, %get3A_75] : memref<10000x1xf32, #tpu.memory_space<vmem>>, vector<2500x1xf32>
      %concatenate3A = tpu.concatenate %get3A_70, %get3A_73, %get3A_76 in 1 : vector<2500x1xf32>, vector<2500x1xf32>, vector<2500x1xf32> -> vector<2500x3xf32>
      %get3A_77 = arith.index_cast %mul3A_56 : i32 to index
      %get3A_78 = arith.constant 0 : index
      %get3A_79 = vector.load %arg8[%get3A_77, %get3A_78] : memref<10000x1xi32, #tpu.memory_space<vmem>>, vector<2500x1xi32>
      %iota3A_80 = tpu.iota {dimensions = array<i32: 1>} : vector<2500x128xi32>
      %eq3A_81 = vector.broadcast %get3A_79 : vector<2500x1xi32> to vector<2500x128xi32>
      %eq3A_82 = arith.cmpi eq, %eq3A_81, %iota3A_80 : vector<2500x128xi32>
      %slice3A = vector.extract_strided_slice %add3A_67 {offsets = [0, 0], sizes = [2500, 1], strides = [1, 1]} : vector<2500x3xf32> to vector<2500x1xf32>
      %jit3A_83 = arith.constant 0.000000e+00 : f32
      %broadcast_in_dim3A_84 = vector.shape_cast %scan3A_10#0 : vector<1x128xf32> to vector<1x128xf32>
      %broadcast_in_dim3A_85 = vector.broadcast %broadcast_in_dim3A_84 : vector<1x128xf32> to vector<2500x128xf32>
      %broadcast_in_dim3A_86 = vector.broadcast %jit3A_83 : f32 to vector<2500x128xf32>
      %select_n3A_87 = arith.select %eq3A_82, %broadcast_in_dim3A_85, %broadcast_in_dim3A_86 : vector<2500x128xi1>, vector<2500x128xf32>
      %reduce_sum3A_88 = arith.constant dense<0.000000e+00> : vector<2500xf32>
      %reduce_sum3A_89 = vector.multi_reduction <add>, %select_n3A_87, %reduce_sum3A_88 [1] : vector<2500x128xf32> to vector<2500xf32>
      %broadcast_in_dim3A_90 = vector.shape_cast %reduce_sum3A_89 : vector<2500xf32> to vector<2500x1xf32>
      %sub3A = arith.subf %slice3A, %broadcast_in_dim3A_90 : vector<2500x1xf32>
      %exp3A = math.exp %sub3A : vector<2500x1xf32>
      %jit3A_91 = arith.constant 0.000000e+00 : f32
      %broadcast_in_dim3A_92 = vector.shape_cast %exp3A : vector<2500x1xf32> to vector<2500x1xf32>
      %broadcast_in_dim3A_93 = vector.broadcast %broadcast_in_dim3A_92 : vector<2500x1xf32> to vector<2500x128xf32>
      %broadcast_in_dim3A_94 = vector.broadcast %jit3A_91 : f32 to vector<2500x128xf32>
      %select_n3A_95 = arith.select %eq3A_82, %broadcast_in_dim3A_93, %broadcast_in_dim3A_94 : vector<2500x128xi1>, vector<2500x128xf32>
      %reduce_sum3A_96 = arith.constant dense<0.000000e+00> : vector<128xf32>
      %reduce_sum3A_97 = vector.multi_reduction <add>, %select_n3A_95, %reduce_sum3A_96 [0] : vector<2500x128xf32> to vector<128xf32>
      %broadcast_in_dim3A_98 = vector.shape_cast %reduce_sum3A_97 : vector<128xf32> to vector<1x128xf32>
      %add3A_99 = arith.addf %scan3A_54, %broadcast_in_dim3A_98 : vector<1x128xf32>
      %ge3A = arith.cmpf oge, %slice3A, %broadcast_in_dim3A_90 : vector<2500x1xf32>
      %convert_element_type3A = arith.extui %ge3A : vector<2500x1xi1> to vector<2500x1xi32>
      %convert_element_type3A_100 = arith.sitofp %convert_element_type3A : vector<2500x1xi32> to vector<2500x1xf32>
      %slice3A_101 = vector.extract_strided_slice %add3A_67 {offsets = [0, 1], sizes = [2500, 1], strides = [1, 1]} : vector<2500x3xf32> to vector<2500x1xf32>
      %gt3A = arith.constant 0.000000e+00 : f32
      %gt3A_102 = vector.broadcast %gt3A : f32 to vector<2500x1xf32>
      %gt3A_103 = arith.cmpf ogt, %slice3A_101, %gt3A_102 : vector<2500x1xf32>
      %convert_element_type3A_104 = arith.extui %gt3A_103 : vector<2500x1xi1> to vector<2500x1xi32>
      %convert_element_type3A_105 = arith.sitofp %convert_element_type3A_104 : vector<2500x1xi32> to vector<2500x1xf32>
      %slice3A_106 = vector.extract_strided_slice %add3A_67 {offsets = [0, 2], sizes = [2500, 1], strides = [1, 1]} : vector<2500x3xf32> to vector<2500x1xf32>
      %gt3A_107 = arith.constant 0.000000e+00 : f32
      %gt3A_108 = vector.broadcast %gt3A_107 : f32 to vector<2500x1xf32>
      %gt3A_109 = arith.cmpf ogt, %slice3A_106, %gt3A_108 : vector<2500x1xf32>
      %convert_element_type3A_110 = arith.extui %gt3A_109 : vector<2500x1xi1> to vector<2500x1xi32>
      %convert_element_type3A_111 = arith.sitofp %convert_element_type3A_110 : vector<2500x1xi32> to vector<2500x1xf32>
      %concatenate3A_112 = tpu.concatenate %convert_element_type3A_100, %convert_element_type3A_105, %convert_element_type3A_111 in 1 : vector<2500x1xf32>, vector<2500x1xf32>, vector<2500x1xf32> -> vector<2500x3xf32>
      %get3A_113 = arith.constant 0 : index
      %get3A_114 = memref.load %arg1[%get3A_113] : memref<1xi32, #tpu.memory_space<smem>>
      %ne3A = arith.constant 0 : i32
      %ne3A_115 = arith.cmpi ne, %get3A_114, %ne3A : i32
      %select_n3A_116 = arith.select %ne3A_115, %concatenate3A, %concatenate3A_112 : vector<2500x3xf32>
      %mul3A_117 = arith.constant 2500 : i32
      %mul3A_118 = arith.muli %scan3A_53, %mul3A_117 : i32
      %swap3A_119 = arith.index_cast %mul3A_118 : i32 to index
      %swap3A_120 = arith.constant 0 : index
      %swap3A_121 = vector.load %arg9[%swap3A_119, %swap3A_120] : memref<10000x3xf32, #tpu.memory_space<vmem>>, vector<2500x3xf32>
      tpu.vector_store %arg9[%swap3A_119, %swap3A_120], %select_n3A_116 {strides = array<i32>} : memref<10000x3xf32, #tpu.memory_space<vmem>>, vector<2500x3xf32>,
      scf.yield %add3A_99 : vector<1x128xf32>
    }
    %scan3A_19 = arith.constant 4 : i32
    %neg3A = arith.constant 0.000000e+00 : f32
    %neg3A_20 = arith.subf %neg3A, %scan3A_10#2 : f32
    %mul3A = arith.mulf %scan3A_10#1, %scan3A_10#0 : vector<1x128xf32>
    %reduce_sum3A = vector.shape_cast %mul3A : vector<1x128xf32> to vector<1x1x128xf32>
    %reduce_sum3A_21 = arith.constant dense<0.000000e+00> : vector<1xf32>
    %reduce_sum3A_22 = vector.multi_reduction <add>, %reduce_sum3A, %reduce_sum3A_21 [1, 2] : vector<1x1x128xf32> to vector<1xf32>
    %reduce_sum3A_23 = vector.shape_cast %reduce_sum3A_22 : vector<1xf32> to vector<1x1x1xf32>
    %reduce_sum3A_24 = vector.extract %reduce_sum3A_23[0, 0, 0] : f32 from vector<1x1x1xf32>
    %add3A = arith.addf %neg3A_20, %reduce_sum3A_24 : f32
    %add3A_25 = arith.constant 9.99999968E-21 : f32
    %add3A_26 = vector.broadcast %add3A_25 : f32 to vector<1x128xf32>
    %add3A_27 = arith.addf %scan3A_18, %add3A_26 : vector<1x128xf32>
    %log3A = math.log %add3A_27 : vector<1x128xf32>
    %mul3A_28 = arith.mulf %scan3A_10#1, %log3A : vector<1x128xf32>
    %reduce_sum3A_29 = vector.shape_cast %mul3A_28 : vector<1x128xf32> to vector<1x1x128xf32>
    %reduce_sum3A_30 = arith.constant dense<0.000000e+00> : vector<1xf32>
    %reduce_sum3A_31 = vector.multi_reduction <add>, %reduce_sum3A_29, %reduce_sum3A_30 [1, 2] : vector<1x1x128xf32> to vector<1xf32>
    %reduce_sum3A_32 = vector.shape_cast %reduce_sum3A_31 : vector<1xf32> to vector<1x1x1xf32>
    %reduce_sum3A_33 = vector.extract %reduce_sum3A_32[0, 0, 0] : f32 from vector<1x1x1xf32>
    %add3A_34 = arith.addf %add3A, %reduce_sum3A_33 : f32
    %div3A = arith.constant 1.280000e+02 : f32
    %div3A_35 = arith.divf %add3A_34, %div3A : f32
    %div3A_36 = arith.constant 1.000000e+04 : f32
    %div3A_37 = arith.divf %scan3A_10#3, %div3A_36 : f32
    %add3A_38 = arith.addf %div3A_35, %div3A_37 : f32
    %div3A_39 = arith.constant 1.000000e+04 : f32
    %div3A_40 = arith.divf %scan3A_10#4, %div3A_39 : f32
    %add3A_41 = arith.addf %add3A_38, %div3A_40 : f32
    %iota3A = tpu.iota {dimensions = array<i32: 1>} : vector<1x128xi32>
    %eq3A = arith.constant 0 : i32
    %eq3A_42 = vector.broadcast %eq3A : i32 to vector<1x128xi32>
    %eq3A_43 = arith.cmpi eq, %iota3A, %eq3A_42 : vector<1x128xi32>
    %eq3A_44 = arith.constant 1 : i32
    %eq3A_45 = vector.broadcast %eq3A_44 : i32 to vector<1x128xi32>
    %eq3A_46 = arith.cmpi eq, %iota3A, %eq3A_45 : vector<1x128xi32>
    %jit3A = arith.constant 0.000000e+00 : f32
    %broadcast_in_dim3A_47 = vector.broadcast %scan3A_10#5 : f32 to vector<1x128xf32>
    %broadcast_in_dim3A_48 = vector.broadcast %jit3A : f32 to vector<1x128xf32>
    %select_n3A = arith.select %eq3A_46, %broadcast_in_dim3A_47, %broadcast_in_dim3A_48 : vector<1x128xi1>, vector<1x128xf32>
    %broadcast_in_dim3A_49 = vector.broadcast %add3A_41 : f32 to vector<1x128xf32>
    %select_n3A_50 = arith.select %eq3A_43, %broadcast_in_dim3A_49, %select_n3A : vector<1x128xi1>, vector<1x128xf32>
    %swap3A = arith.constant 0 : index
    %swap3A_51 = arith.constant 0 : index
    %swap3A_52 = vector.load %arg10[%swap3A, %swap3A_51] : memref<1x128xf32, #tpu.memory_space<vmem>>, vector<1x128xf32>
    tpu.vector_store %arg10[%swap3A, %swap3A_51], %select_n3A_50 {strides = array<i32>} : memref<1x128xf32, #tpu.memory_space<vmem>>, vector<1x128xf32>,
    return
  }
  func.func @transform_0(%arg0: i32) -> i32 {
    %c0_i32 = arith.constant 0 : i32
    %c0_i32_0 = arith.constant 0 : i32
    return %c0_i32 : i32
  }
  func.func @transform_1(%arg0: i32) -> (i32, i32) {
    %c0_i32 = arith.constant 0 : i32
    %c0_i32_0 = arith.constant 0 : i32
    %c0_i32_1 = arith.constant 0 : i32
    return %c0_i32, %c0_i32_0 : i32, i32
  }
  func.func @transform_2(%arg0: i32) -> (i32, i32) {
    %c0_i32 = arith.constant 0 : i32
    %c0_i32_0 = arith.constant 0 : i32
    %c0_i32_1 = arith.constant 0 : i32
    return %c0_i32, %c0_i32_0 : i32, i32
  }
  func.func @transform_3(%arg0: i32) -> (i32, i32) {
    %c0_i32 = arith.constant 0 : i32
    %c0_i32_0 = arith.constant 0 : i32
    %c0_i32_1 = arith.constant 0 : i32
    return %c0_i32, %c0_i32_0 : i32, i32
  }
  func.func @transform_4(%arg0: i32) -> (i32, i32) {
    %c0_i32 = arith.constant 0 : i32
    %c0_i32_0 = arith.constant 0 : i32
    %c0_i32_1 = arith.constant 0 : i32
    return %c0_i32, %c0_i32_0 : i32, i32
  }
  func.func @transform_5(%arg0: i32) -> (i32, i32) {
    %c0_i32 = arith.constant 0 : i32
    %c0_i32_0 = arith.constant 0 : i32
    %c0_i32_1 = arith.constant 0 : i32
    return %c0_i32, %c0_i32_0 : i32, i32
  }
  func.func @transform_6(%arg0: i32) -> (i32, i32) {
    %c0_i32 = arith.constant 0 : i32
    %c0_i32_0 = arith.constant 0 : i32
    %c0_i32_1 = arith.constant 0 : i32
    return %c0_i32, %c0_i32_0 : i32, i32
  }
  func.func @transform_7(%arg0: i32) -> (i32, i32) {
    %c0_i32 = arith.constant 0 : i32
    %c0_i32_0 = arith.constant 0 : i32
    %c0_i32_1 = arith.constant 0 : i32
    return %c0_i32, %c0_i32_0 : i32, i32
  }
  func.func @transform_8(%arg0: i32) -> (i32, i32) {
    %c0_i32 = arith.constant 0 : i32
    %c0_i32_0 = arith.constant 0 : i32
    %c0_i32_1 = arith.constant 0 : i32
    return %c0_i32, %c0_i32_0 : i32, i32
  }
  func.func @transform_9(%arg0: i32) -> (i32, i32) {
    %c0_i32 = arith.constant 0 : i32
    %c0_i32_0 = arith.constant 0 : i32
    %c0_i32_1 = arith.constant 0 : i32
    return %c0_i32, %c0_i32_0 : i32, i32
  }
}

module attributes {stable_mosaic.version = 14 : i64} {
  func.func @_c2_body(%arg0: i32, %arg1: memref<32x10112xf32, #tpu.memory_space<vmem>>, %arg2: memref<32x128xf32, #tpu.memory_space<vmem>>, %arg3: memref<1x10112xf32, #tpu.memory_space<vmem>>, %arg4: memref<32x10112xf32, #tpu.memory_space<vmem>>, %arg5: memref<1x128xf32, #tpu.memory_space<vmem>>, %arg6: memref<32x128xf32, #tpu.memory_space<vmem>>, %arg7: memref<32x16xf32, #tpu.memory_space<vmem>>, %arg8: memref<32x16xf32, #tpu.memory_space<vmem>>, %arg9: memref<1x128xf32, #tpu.memory_space<vmem>>, %arg10: memref<1x1xf32, #tpu.memory_space<vmem>>) attributes {dimension_semantics = [#tpu.dimension_semantics<arbitrary>], iteration_bounds = array<i64: 1>, scalar_prefetch = 0 : i64, scratch_operands = 0 : i64, tpu.core_type = #tpu.core_type<tc>, window_params = [{pipeline_mode = #tpu.pipeline_mode<synchronous>, transform_indices = @transform_0, window_bounds = array<i64: 32, 10112>}, {pipeline_mode = #tpu.pipeline_mode<synchronous>, transform_indices = @transform_1, window_bounds = array<i64: 32, 128>}, {pipeline_mode = #tpu.pipeline_mode<synchronous>, transform_indices = @transform_2, window_bounds = array<i64: 1, 10112>}, {pipeline_mode = #tpu.pipeline_mode<synchronous>, transform_indices = @transform_3, window_bounds = array<i64: 32, 10112>}, {pipeline_mode = #tpu.pipeline_mode<synchronous>, transform_indices = @transform_4, window_bounds = array<i64: 1, 128>}, {pipeline_mode = #tpu.pipeline_mode<synchronous>, transform_indices = @transform_5, window_bounds = array<i64: 32, 128>}, {pipeline_mode = #tpu.pipeline_mode<synchronous>, transform_indices = @transform_6, window_bounds = array<i64: 32, 16>}, {pipeline_mode = #tpu.pipeline_mode<synchronous>, transform_indices = @transform_7, window_bounds = array<i64: 32, 16>}, {pipeline_mode = #tpu.pipeline_mode<synchronous>, transform_indices = @transform_8, window_bounds = array<i64: 1, 128>}, {pipeline_mode = #tpu.pipeline_mode<synchronous>, transform_indices = @transform_9, window_bounds = array<i64: 1, 1>}]} {
    %get3A = arith.constant 0 : index
    %get3A_0 = arith.constant 0 : index
    %get3A_1 = vector.load %arg1[%get3A, %get3A_0] : memref<32x10112xf32, #tpu.memory_space<vmem>>, vector<32x10112xf32>
    %reduce_sum3A = arith.constant dense<0.000000e+00> : vector<10112xf32>
    %reduce_sum3A_2 = vector.multi_reduction <add>, %get3A_1, %reduce_sum3A [0] : vector<32x10112xf32> to vector<10112xf32>
    %broadcast_in_dim3A = vector.shape_cast %reduce_sum3A_2 : vector<10112xf32> to vector<1x10112xf32>
    %get3A_3 = arith.constant 0 : index
    %get3A_4 = arith.constant 0 : index
    %get3A_5 = vector.load %arg2[%get3A_3, %get3A_4] : memref<32x128xf32, #tpu.memory_space<vmem>>, vector<32x128xf32>
    %reduce_sum3A_6 = arith.constant dense<0.000000e+00> : vector<128xf32>
    %reduce_sum3A_7 = vector.multi_reduction <add>, %get3A_5, %reduce_sum3A_6 [0] : vector<32x128xf32> to vector<128xf32>
    %broadcast_in_dim3A_8 = vector.shape_cast %reduce_sum3A_7 : vector<128xf32> to vector<1x128xf32>
    %get3A_9 = arith.constant 0 : index
    %get3A_10 = arith.constant 0 : index
    %get3A_11 = vector.load %arg4[%get3A_9, %get3A_10] : memref<32x10112xf32, #tpu.memory_space<vmem>>, vector<32x10112xf32>
    %reduce_sum3A_12 = arith.constant dense<0.000000e+00> : vector<10112xf32>
    %reduce_sum3A_13 = vector.multi_reduction <add>, %get3A_11, %reduce_sum3A_12 [0] : vector<32x10112xf32> to vector<10112xf32>
    %broadcast_in_dim3A_14 = vector.shape_cast %reduce_sum3A_13 : vector<10112xf32> to vector<1x10112xf32>
    %get3A_15 = arith.constant 0 : index
    %get3A_16 = arith.constant 0 : index
    %get3A_17 = vector.load %arg6[%get3A_15, %get3A_16] : memref<32x128xf32, #tpu.memory_space<vmem>>, vector<32x128xf32>
    %reduce_sum3A_18 = arith.constant dense<0.000000e+00> : vector<128xf32>
    %reduce_sum3A_19 = vector.multi_reduction <add>, %get3A_17, %reduce_sum3A_18 [0] : vector<32x128xf32> to vector<128xf32>
    %broadcast_in_dim3A_20 = vector.shape_cast %reduce_sum3A_19 : vector<128xf32> to vector<1x128xf32>
    %get3A_21 = arith.constant 0 : index
    %get3A_22 = arith.constant 0 : index
    %get3A_23 = vector.load %arg7[%get3A_21, %get3A_22] : memref<32x16xf32, #tpu.memory_space<vmem>>, vector<32x16xf32>
    %reduce_sum3A_24 = vector.shape_cast %get3A_23 : vector<32x16xf32> to vector<1x32x16xf32>
    %reduce_sum3A_25 = arith.constant dense<0.000000e+00> : vector<1xf32>
    %reduce_sum3A_26 = vector.multi_reduction <add>, %reduce_sum3A_24, %reduce_sum3A_25 [1, 2] : vector<1x32x16xf32> to vector<1xf32>
    %reduce_sum3A_27 = vector.shape_cast %reduce_sum3A_26 : vector<1xf32> to vector<1x1x1xf32>
    %reduce_sum3A_28 = vector.extract %reduce_sum3A_27[0, 0, 0] : f32 from vector<1x1x1xf32>
    %get3A_29 = arith.constant 0 : index
    %get3A_30 = arith.constant 0 : index
    %get3A_31 = vector.load %arg8[%get3A_29, %get3A_30] : memref<32x16xf32, #tpu.memory_space<vmem>>, vector<32x16xf32>
    %reduce_sum3A_32 = vector.shape_cast %get3A_31 : vector<32x16xf32> to vector<1x32x16xf32>
    %reduce_sum3A_33 = arith.constant dense<0.000000e+00> : vector<1xf32>
    %reduce_sum3A_34 = vector.multi_reduction <add>, %reduce_sum3A_32, %reduce_sum3A_33 [1, 2] : vector<1x32x16xf32> to vector<1xf32>
    %reduce_sum3A_35 = vector.shape_cast %reduce_sum3A_34 : vector<1xf32> to vector<1x1x1xf32>
    %reduce_sum3A_36 = vector.extract %reduce_sum3A_35[0, 0, 0] : f32 from vector<1x1x1xf32>
    %get3A_37 = arith.constant 0 : index
    %get3A_38 = arith.constant 0 : index
    %get3A_39 = vector.load %arg9[%get3A_37, %get3A_38] : memref<1x128xf32, #tpu.memory_space<vmem>>, vector<1x128xf32>
    %iota3A = tpu.iota {dimensions = array<i32: 1>} : vector<1x128xi32>
    %eq3A = arith.constant 0 : i32
    %eq3A_40 = vector.broadcast %eq3A : i32 to vector<1x128xi32>
    %eq3A_41 = arith.cmpi eq, %iota3A, %eq3A_40 : vector<1x128xi32>
    %jit3A = arith.constant 0.000000e+00 : f32
    %broadcast_in_dim3A_42 = vector.broadcast %jit3A : f32 to vector<1x128xf32>
    %select_n3A = arith.select %eq3A_41, %get3A_39, %broadcast_in_dim3A_42 : vector<1x128xi1>, vector<1x128xf32>
    %reduce_sum3A_43 = vector.shape_cast %select_n3A : vector<1x128xf32> to vector<1x1x128xf32>
    %reduce_sum3A_44 = arith.constant dense<0.000000e+00> : vector<1xf32>
    %reduce_sum3A_45 = vector.multi_reduction <add>, %reduce_sum3A_43, %reduce_sum3A_44 [1, 2] : vector<1x1x128xf32> to vector<1xf32>
    %reduce_sum3A_46 = vector.shape_cast %reduce_sum3A_45 : vector<1xf32> to vector<1x1x1xf32>
    %reduce_sum3A_47 = vector.extract %reduce_sum3A_46[0, 0, 0] : f32 from vector<1x1x1xf32>
    %eq3A_48 = arith.constant 1 : i32
    %eq3A_49 = vector.broadcast %eq3A_48 : i32 to vector<1x128xi32>
    %eq3A_50 = arith.cmpi eq, %iota3A, %eq3A_49 : vector<1x128xi32>
    %jit3A_51 = arith.constant 0.000000e+00 : f32
    %broadcast_in_dim3A_52 = vector.broadcast %jit3A_51 : f32 to vector<1x128xf32>
    %select_n3A_53 = arith.select %eq3A_50, %get3A_39, %broadcast_in_dim3A_52 : vector<1x128xi1>, vector<1x128xf32>
    %reduce_sum3A_54 = vector.shape_cast %select_n3A_53 : vector<1x128xf32> to vector<1x1x128xf32>
    %reduce_sum3A_55 = arith.constant dense<0.000000e+00> : vector<1xf32>
    %reduce_sum3A_56 = vector.multi_reduction <add>, %reduce_sum3A_54, %reduce_sum3A_55 [1, 2] : vector<1x1x128xf32> to vector<1xf32>
    %reduce_sum3A_57 = vector.shape_cast %reduce_sum3A_56 : vector<1xf32> to vector<1x1x1xf32>
    %reduce_sum3A_58 = vector.extract %reduce_sum3A_57[0, 0, 0] : f32 from vector<1x1x1xf32>
    %get3A_59 = arith.constant 0 : index
    %get3A_60 = arith.constant 0 : index
    %get3A_61 = vector.load %arg3[%get3A_59, %get3A_60] : memref<1x10112xf32, #tpu.memory_space<vmem>>, vector<1x10112xf32>
    %get3A_62 = arith.constant 0 : index
    %get3A_63 = arith.constant 0 : index
    %get3A_64 = vector.load %arg5[%get3A_62, %get3A_63] : memref<1x128xf32, #tpu.memory_space<vmem>>, vector<1x128xf32>
    %neg3A = arith.constant 0.000000e+00 : f32
    %neg3A_65 = arith.subf %neg3A, %reduce_sum3A_28 : f32
    %mul3A = arith.mulf %broadcast_in_dim3A_14, %get3A_61 : vector<1x10112xf32>
    %reduce_sum3A_66 = vector.shape_cast %mul3A : vector<1x10112xf32> to vector<1x1x10112xf32>
    %reduce_sum3A_67 = arith.constant dense<0.000000e+00> : vector<1xf32>
    %reduce_sum3A_68 = vector.multi_reduction <add>, %reduce_sum3A_66, %reduce_sum3A_67 [1, 2] : vector<1x1x10112xf32> to vector<1xf32>
    %reduce_sum3A_69 = vector.shape_cast %reduce_sum3A_68 : vector<1xf32> to vector<1x1x1xf32>
    %reduce_sum3A_70 = vector.extract %reduce_sum3A_69[0, 0, 0] : f32 from vector<1x1x1xf32>
    %add3A = arith.addf %neg3A_65, %reduce_sum3A_70 : f32
    %add3A_71 = arith.constant 9.99999968E-21 : f32
    %add3A_72 = vector.broadcast %add3A_71 : f32 to vector<1x10112xf32>
    %add3A_73 = arith.addf %broadcast_in_dim3A, %add3A_72 : vector<1x10112xf32>
    %log3A = math.log %add3A_73 : vector<1x10112xf32>
    %mul3A_74 = arith.mulf %broadcast_in_dim3A_14, %log3A : vector<1x10112xf32>
    %reduce_sum3A_75 = vector.shape_cast %mul3A_74 : vector<1x10112xf32> to vector<1x1x10112xf32>
    %reduce_sum3A_76 = arith.constant dense<0.000000e+00> : vector<1xf32>
    %reduce_sum3A_77 = vector.multi_reduction <add>, %reduce_sum3A_75, %reduce_sum3A_76 [1, 2] : vector<1x1x10112xf32> to vector<1xf32>
    %reduce_sum3A_78 = vector.shape_cast %reduce_sum3A_77 : vector<1xf32> to vector<1x1x1xf32>
    %reduce_sum3A_79 = vector.extract %reduce_sum3A_78[0, 0, 0] : f32 from vector<1x1x1xf32>
    %add3A_80 = arith.addf %add3A, %reduce_sum3A_79 : f32
    %div3A = arith.constant 1.000000e+04 : f32
    %div3A_81 = arith.divf %add3A_80, %div3A : f32
    %neg3A_82 = arith.constant 0.000000e+00 : f32
    %neg3A_83 = arith.subf %neg3A_82, %reduce_sum3A_36 : f32
    %mul3A_84 = arith.mulf %broadcast_in_dim3A_20, %get3A_64 : vector<1x128xf32>
    %reduce_sum3A_85 = vector.shape_cast %mul3A_84 : vector<1x128xf32> to vector<1x1x128xf32>
    %reduce_sum3A_86 = arith.constant dense<0.000000e+00> : vector<1xf32>
    %reduce_sum3A_87 = vector.multi_reduction <add>, %reduce_sum3A_85, %reduce_sum3A_86 [1, 2] : vector<1x1x128xf32> to vector<1xf32>
    %reduce_sum3A_88 = vector.shape_cast %reduce_sum3A_87 : vector<1xf32> to vector<1x1x1xf32>
    %reduce_sum3A_89 = vector.extract %reduce_sum3A_88[0, 0, 0] : f32 from vector<1x1x1xf32>
    %add3A_90 = arith.addf %neg3A_83, %reduce_sum3A_89 : f32
    %add3A_91 = arith.constant 9.99999968E-21 : f32
    %add3A_92 = vector.broadcast %add3A_91 : f32 to vector<1x128xf32>
    %add3A_93 = arith.addf %broadcast_in_dim3A_8, %add3A_92 : vector<1x128xf32>
    %log3A_94 = math.log %add3A_93 : vector<1x128xf32>
    %mul3A_95 = arith.mulf %broadcast_in_dim3A_20, %log3A_94 : vector<1x128xf32>
    %reduce_sum3A_96 = vector.shape_cast %mul3A_95 : vector<1x128xf32> to vector<1x1x128xf32>
    %reduce_sum3A_97 = arith.constant dense<0.000000e+00> : vector<1xf32>
    %reduce_sum3A_98 = vector.multi_reduction <add>, %reduce_sum3A_96, %reduce_sum3A_97 [1, 2] : vector<1x1x128xf32> to vector<1xf32>
    %reduce_sum3A_99 = vector.shape_cast %reduce_sum3A_98 : vector<1xf32> to vector<1x1x1xf32>
    %reduce_sum3A_100 = vector.extract %reduce_sum3A_99[0, 0, 0] : f32 from vector<1x1x1xf32>
    %add3A_101 = arith.addf %add3A_90, %reduce_sum3A_100 : f32
    %mul3A_102 = arith.mulf %reduce_sum3A_58, %add3A_101 : f32
    %div3A_103 = arith.constant 1.280000e+02 : f32
    %div3A_104 = arith.divf %mul3A_102, %div3A_103 : f32
    %add3A_105 = arith.addf %reduce_sum3A_47, %div3A_81 : f32
    %add3A_106 = arith.addf %add3A_105, %div3A_104 : f32
    %broadcast_in_dim3A_107 = vector.broadcast %add3A_106 : f32 to vector<1x1xf32>
    %swap3A = arith.constant 0 : index
    %swap3A_108 = arith.constant 0 : index
    %swap3A_109 = vector.load %arg10[%swap3A, %swap3A_108] : memref<1x1xf32, #tpu.memory_space<vmem>>, vector<1x1xf32>
    tpu.vector_store %arg10[%swap3A, %swap3A_108], %broadcast_in_dim3A_107 {strides = array<i32>} : memref<1x1xf32, #tpu.memory_space<vmem>>, vector<1x1xf32>,
    return
  }
  func.func @transform_0(%arg0: i32) -> (i32, i32) {
    %c0_i32 = arith.constant 0 : i32
    %c0_i32_0 = arith.constant 0 : i32
    %c0_i32_1 = arith.constant 0 : i32
    return %c0_i32, %c0_i32_0 : i32, i32
  }
  func.func @transform_1(%arg0: i32) -> (i32, i32) {
    %c0_i32 = arith.constant 0 : i32
    %c0_i32_0 = arith.constant 0 : i32
    %c0_i32_1 = arith.constant 0 : i32
    return %c0_i32, %c0_i32_0 : i32, i32
  }
  func.func @transform_2(%arg0: i32) -> (i32, i32) {
    %c0_i32 = arith.constant 0 : i32
    %c0_i32_0 = arith.constant 0 : i32
    %c0_i32_1 = arith.constant 0 : i32
    return %c0_i32, %c0_i32_0 : i32, i32
  }
  func.func @transform_3(%arg0: i32) -> (i32, i32) {
    %c0_i32 = arith.constant 0 : i32
    %c0_i32_0 = arith.constant 0 : i32
    %c0_i32_1 = arith.constant 0 : i32
    return %c0_i32, %c0_i32_0 : i32, i32
  }
  func.func @transform_4(%arg0: i32) -> (i32, i32) {
    %c0_i32 = arith.constant 0 : i32
    %c0_i32_0 = arith.constant 0 : i32
    %c0_i32_1 = arith.constant 0 : i32
    return %c0_i32, %c0_i32_0 : i32, i32
  }
  func.func @transform_5(%arg0: i32) -> (i32, i32) {
    %c0_i32 = arith.constant 0 : i32
    %c0_i32_0 = arith.constant 0 : i32
    %c0_i32_1 = arith.constant 0 : i32
    return %c0_i32, %c0_i32_0 : i32, i32
  }
  func.func @transform_6(%arg0: i32) -> (i32, i32) {
    %c0_i32 = arith.constant 0 : i32
    %c0_i32_0 = arith.constant 0 : i32
    %c0_i32_1 = arith.constant 0 : i32
    return %c0_i32, %c0_i32_0 : i32, i32
  }
  func.func @transform_7(%arg0: i32) -> (i32, i32) {
    %c0_i32 = arith.constant 0 : i32
    %c0_i32_0 = arith.constant 0 : i32
    %c0_i32_1 = arith.constant 0 : i32
    return %c0_i32, %c0_i32_0 : i32, i32
  }
  func.func @transform_8(%arg0: i32) -> (i32, i32) {
    %c0_i32 = arith.constant 0 : i32
    %c0_i32_0 = arith.constant 0 : i32
    %c0_i32_1 = arith.constant 0 : i32
    return %c0_i32, %c0_i32_0 : i32, i32
  }
  func.func @transform_9(%arg0: i32) -> (i32, i32) {
    %c0_i32 = arith.constant 0 : i32
    %c0_i32_0 = arith.constant 0 : i32
    %c0_i32_1 = arith.constant 0 : i32
    return %c0_i32, %c0_i32_0 : i32, i32
  }
}

</mosaic_0001>

<sc_bundles>
// kernel: kernel.10.cloned.1.call-start
scs
__scs_entry_jumppad:
0x0: {  	(pc) =	sbr.rel $0x88, $3  }
0x1: {  	(tag) =	ssettag $0x0;
	lr =	simm.s32 $0x1  }
0x2: {  	[smem:$0x3F95] =	sst lr;
	_ =	strace $0xD0000000  }
0x3: {  	_ = 	snop  }
0x4: {  	_ = 	snop  }
0x5: {  	_ = 	snop  }
0x6: {  	_ = 	snop  }
0x7: {  	_ = 	snop  }
__scs_overlays_trampoline_lowered:
0x8: {  	[smem:$0x3FA4] =	sst s0  }
0x9: {  	[smem:$0x3FA5] =	sst s1  }
0xa: {  	[smem:$0x3FA6] =	sst s2  }
0xb: {  	[smem:$0x3FA7] =	sst s3  }
0xc: {  	[smem:$0x3FA8] =	sst s4  }
0xd: {  	[smem:$0x3FA9] =	sst s5  }
0xe: {  	[smem:$0x3FAA] =	sst s6  }
0xf: {  	[smem:$0x3FAB] =	sst s7  }
0x10: {  	[smem:$0x3FAC] =	sst s8  }
0x11: {  	[smem:$0x3FAD] =	sst s9;
	s0 =	simm.s32 @!p0 $0x0  }
0x12: {  	s1 =	sld [smem:$0x3F93];
	s0 =	simm.s32 @p0 $0x1  }
0x13: {  	[smem:$0x3FAE] =	sst s0;
	s0 =	simm.s32 @!p1 $0x0  }
0x14: {  	s2 =	sld [smem:$0x3F92];
	s0 =	simm.s32 @p1 $0x1  }
0x15: {  	[smem:$0x3FAF] =	sst s0;
	s0 =	simm.s32 @!p2 $0x0  }
0x16: {  	s3 =	sld [smem:$0x3FDB];
	s0 =	simm.s32 @p2 $0x1  }
0x17: {  	s4 =	simm.s32 $0x1BF5;
	[smem:$0x3FB1] =	sst s0  }
0x18: {  	s0 =	sld [smem:$0x3F94];
	_ =	swait.ge [sflag:s4], $0x0  }
0x19: {  	s7 =	sld [smem:$0x3F95]  }
0x1a: {  	s8 =	sadd.s32 $0xFFFFE003, lr  }
0x1b: {  	s9 =	sadd.s32 $0xFFFFFEF7, lr;
	s5 =	simm.s32 $0xFFFFFFFF;
	p2 =	slt.u32 s8, $0xFFFFF086  }
0x1c: {  	p1 =	slt.u32 s9, $0xF7A;
	s5 =	simm.s32 @!p2 $0x0  }
0x1d: {  	s5 =	simm.s32 @p1 $0x1;
	p0 =	seq.s32 s7, s2  }
0x1e: {  	s7 =	smul.u32 @!p0 $0xF7A, s2;
	p2 =	seq.s32 @!p0 s5, $0x0  }
0x1f: {  	s9 =	smul.u32 $0xF7A, s1;
	s8 =	simm.s32 @!p0 $0x1BF5;
	p2 =	por !p2, p0  }
0x20: {  	[sflag:s8] =	ssyncset.s32 @!p0 $0xFFFFF086;
	s6 =	sadd.s32 @!p0 s3, s7;
	s7 =	simm.s32 @!p0 $0x108  }
0x21: {  	s3 =	sadd.s32 s3, s9;
	s6 =	sadd.s32 @!p0 $0x88, s6;
	s7 =	simm.s32 @p2 $0x1082  }
0x22: {  	[simem:s7], [sflag:s8] =	dma.local @!p0 [hbm:s6], $0xF7A  }
0x23: {  	s9 =	sor.u32 $0xD0000000, s2;
	s6 =	simm.s32 $0x108;
	_ =	swait.ge @!p0 [sflag:s8], $0x0  }
0x24: {  	s3 =	sadd.s32 $0x88, s3;
	s6 =	simm.s32 @!p1 $0x1082;
	[sflag:s4] =	ssyncset.s32 $0xFFFFF086  }
0x25: {  	[simem:s6], [sflag:s4] =	dma.local [hbm:s3], $0xF7A  }
0x26: {  	[smem:$0x3F95] =	sst s1;
	(tag) =	ssettag s2;
	_ =	strace s9  }
0x27: {  	s1 =	sld [smem:$0x3FA5]  }
0x28: {  	s2 =	sld [smem:$0x3FA6]  }
0x29: {  	s4 =	sld [smem:$0x3FA8]  }
0x2a: {  	p0 =	seq.s32 s5, $0x0;
	s5 =	sld [smem:$0x3FA9]  }
0x2b: {  	s6 =	sld [smem:$0x3FAA]  }
0x2c: {  	s7 =	sld [smem:$0x3FAB]  }
0x2d: {  	s3 =	simm.s32 $0x108;
	s8 =	sld [smem:$0x3FAC]  }
0x2e: {  	s3 =	simm.s32 @!p0 $0x1082;
	s9 =	sld [smem:$0x3FAD]  }
0x2f: {  	lr =	sadd.s32 s0, s3;
	s0 =	sld [smem:$0x3FA4]  }
0x30: {  	s3 =	sld [smem:$0x3FA7]  }
0x31: {  	[smem:$0x3FB0] =	sst s10  }
0x32: {  	s10 =	sld [smem:$0x3FAE];
	_ =	sdelay $0x3  }
0x33: {  	p0 =	seq.s32 s10, $0x1;
	s10 =	sld [smem:$0x3FB0];
	_ =	sdelay $0x3  }
0x34: {  	[smem:$0x3FB0] =	sst s10  }
0x35: {  	s10 =	sld [smem:$0x3FAF];
	_ =	sdelay $0x3  }
0x36: {  	p1 =	seq.s32 s10, $0x1;
	s10 =	sld [smem:$0x3FB0];
	_ =	sdelay $0x3  }
0x37: {  	[smem:$0x3FB0] =	sst s10  }
0x38: {  	s10 =	sld [smem:$0x3FB1]  }
0x39: {  	_ = 	snop;
	(pc) =	sbr.ind lr, $3  }
0x3a: {  	_ = 	snop  }
0x3b: {  	_ = 	snop  }
0x3c: {  	p2 =	seq.s32 s10, $0x1;
	s10 =	sld [smem:$0x3FB0]  }
0x3d: {  	_ =	shalt  }
0x3e: {  	_ =	shalt  }
0x3f: {  	_ =	shalt  }
0x40: {  	_ =	shalt  }
0x41: {  	_ =	shalt  }
0x42: {  	_ =	shalt  }
0x43: {  	_ =	shalt  }
0x44: {  	_ =	shalt  }
0x45: {  	_ =	shalt  }
0x46: {  	_ =	shalt  }
0x47: {  	_ =	shalt  }
0x48: {  	_ =	shalt  }
0x49: {  	_ =	shalt  }
0x4a: {  	_ =	shalt  }
0x4b: {  	_ =	shalt  }
0x4c: {  	_ =	shalt  }
0x4d: {  	_ =	shalt  }
0x4e: {  	_ =	shalt  }
0x4f: {  	_ =	shalt  }
0x50: {  	_ =	shalt  }
0x51: {  	_ =	shalt  }
0x52: {  	_ =	shalt  }
0x53: {  	_ =	shalt  }
0x54: {  	_ =	shalt  }
0x55: {  	_ =	shalt  }
0x56: {  	_ =	shalt  }
0x57: {  	_ =	shalt  }
0x58: {  	_ =	shalt  }
0x59: {  	_ =	shalt  }
0x5a: {  	_ =	shalt  }
0x5b: {  	_ =	shalt  }
0x5c: {  	_ =	shalt  }
0x5d: {  	_ =	shalt  }
0x5e: {  	_ =	shalt  }
0x5f: {  	_ =	shalt  }
0x60: {  	_ =	shalt  }
0x61: {  	_ =	shalt  }
0x62: {  	_ =	shalt  }
0x63: {  	_ =	shalt  }
0x64: {  	_ =	shalt  }
0x65: {  	_ =	shalt  }
0x66: {  	_ =	shalt  }
0x67: {  	_ =	shalt  }
0x68: {  	_ =	shalt  }
0x69: {  	_ =	shalt  }
0x6a: {  	_ =	shalt  }
0x6b: {  	_ =	shalt  }
0x6c: {  	_ =	shalt  }
0x6d: {  	_ =	shalt  }
0x6e: {  	_ =	shalt  }
0x6f: {  	_ =	shalt  }
0x70: {  	_ =	shalt  }
0x71: {  	_ =	shalt  }
0x72: {  	_ =	shalt  }
0x73: {  	_ =	shalt  }
0x74: {  	_ =	shalt  }
0x75: {  	_ =	shalt  }
0x76: {  	_ =	shalt  }
0x77: {  	_ =	shalt  }
0x78: {  	_ =	shalt  }
0x79: {  	_ =	shalt  }
0x7a: {  	_ =	shalt  }
0x7b: {  	_ =	shalt  }
0x7c: {  	_ =	shalt  }
0x7d: {  	_ =	shalt  }
0x7e: {  	_ =	shalt  }
0x7f: {  	_ =	shalt  }
0x80: {  	_ =	shalt  }
0x81: {  	_ =	shalt  }
0x82: {  	_ =	shalt  }
0x83: {  	_ =	shalt  }
0x84: {  	_ =	shalt  }
0x85: {  	_ =	shalt  }
0x86: {  	_ =	shalt  }
0x87: {  	_ =	shalt  }
.Lfunc_end0:
.L_simem_size_0:
called_computation_lowered:
.L_overlay_start_0:
0x88: {  	s2 =	sld [smem:$0x3FD9]  }
0x89: {  	s3 =	sld [smem:$0x3FFE];
	_ =	sdelay $0x1  }
0x8a: {  	s1 =	srdreg.scid  }
0x8b: {  	s0 =	sand.u32 $0x1, s1  }
0x8c: {  	s16 =	sshll.u32 s0, $0xA;
	s2 =	sadd.s32 s3, s2  }
0x8d: {  	s2 =	sadd.s32 s2, s16  }
0x8e: {  	[smem:$0x3FBC] =	sst s2  }
0x8f: {  	_ = 	snop  }
0x90: {  	(tm) =	ssettm $0x1  }
0x91: {  	s17 =	sld [smem:$0x3FFB];
	_ =	sdelay $0x3  }
0x92: {  	_ =	strace s17  }
0x93: {  	s2 =	sld [smem:$0x3FFC];
	_ =	sdelay $0x3  }
0x94: {  	_ =	strace s2  }
0x95: {  	s2 =	sld [smem:$0x3FFD];
	_ =	sdelay $0x3  }
0x96: {  	_ =	strace s2  }
0x97: {  	_ =	strace $0x8FFFFFFF  }
0x98: {  	s18 =	sld [smem:$0x3FDB];
	_ =	sdelay $0x1  }
0x99: {  	s19 =	simm.s32 $_scs_section_size  }
0x9a: {  	s4 =	simm.s32 $_size__tile_overlayer_lowered;
	s5 =	simm.s32 $_tile_overlayer_lowered  }
0x9b: {  	s22 =	simm.s32 $0x1BFF;
	s21 =	sshll.u32 s5, $0x1;
	s2 =	sadd.s32 s19, s18  }
0x9c: {  	s6 =	simm.s32 $0x0;
	s20 =	sshll.u32 s4, $0x1;
	s4 =	sadd.s32 s21, s2  }
0x9d: {  	[timem:s6], [sflag:s22] =	dma.local [hbm:s4], s20  }
0x9e: {  	_ =	swait.ge [sflag:s22], s20  }
0x9f: {  	s3 =	ssub.s32 $0x0, s20;
	[sflag:s22] =	ssyncset.done $0x0  }
0xa0: {  	[sflag:s22] =	ssyncadd.s32 s3;
	_ =	sdelay $0x1  }
0xa1: {  	s23 =	simm.s32 $0x1B8B  }
0xa2: {  	_ =	swait.ge [sflag:s23], $0x1  }
0xa3: {  	[sflag:s23] =	ssyncset.done $0x0  }
0xa4: {  	s25 =	simm.s32 $0x1B8E;
	s24 =	sld [smem:$0x3FFE];
	[sflag:s23] =	ssyncadd.s32 $0xFFFFFFFF  }
0xa5: {  	s26 =	simm.s32 $execute0_lowered;
	[smem:$0x3FD2] =	sst s25  }
0xa6: {  	s4 =	sshll.u32 s26, $0x1;
	_ =	strace $0x80000046;
	[dreg:$0x1] =	wrdreg $0xFFFFFFFF  }
0xa7: {  	s28 =	simm.s32 $_size_execute0_lowered;
	s2 =	sadd.s32 s2, s4;
	[dreg:$0x0] =	wrdreg $0x0  }
0xa8: {  	s4 =	sshll.u32 s28, $0x1;
	[dreg:$0x2] =	wrdreg s2  }
0xa9: {  	[dreg:$0x3] =	wrdreg s4  }
0xaa: {  	[dreg:$0x4] =	wrdreg $0xC0  }
0xab: {  	_ =	task [dreg:s6], $0x5FFFF  }
0xac: {  	[dreg:$0x1] =	wrdreg $0xFFFFFFFF  }
0xad: {  	[dreg:$0x0] =	wrdreg $0x60  }
0xae: {  	[dreg:$0x2] =	wrdreg s24  }
0xaf: {  	[dreg:$0x3] =	wrdreg $0x9  }
0xb0: {  	_ =	task.clear_ibuf [dreg:s6], $0x4FFFF;
	_ =	strace $0x90000046  }
0xb1: {  	s29 =	simm.s32 $0x9;
	_ =	strace $0x80000048  }
0xb2: {  	_ =	swait.ge [sflag:s29], $0x1  }
0xb3: {  	[sflag:s29] =	ssyncadd.s32 $0xFFFFFFFF  }
0xb4: {  	_ =	strace $0x90000048  }
0xb5: {  	_ =	sfence  }
0xb6: {  	s30 =	sld [smem:$0x0];
	_ =	sdelay $0x2  }
0xb7: {  	s31 =	sshll.u32 s1, $0xD;
	s1 =	sshrl.u32 s1, $0x2  }
0xb8: {  	s3 =	sand.u32 $0x4000, s31;
	s1 =	sadd.s32 s1, s30  }
0xb9: {  	s0 =	sor.u32 s3, s0;
	s1 =	sshll.u32 s1, $0x11  }
0xba: {  	s0 =	sor.u32 s1, s0  }
0xbb: {  	s0 =	sadd.s32 $0x8F2B, s0  }
0xbc: {  	[sflag:s0] =	ssyncadd.remote.s32 $0x1  }
0xbd: {  	_ =	sfence.sel $0xFFFF  }
0xbe: {  	[dreg:$0x0] =	wrdreg $0xFFFFFFFF;
	(pc) =	sbr.abs _section_cstart, $3  }
0xbf: {  	[dreg:$0x1] =	wrdreg $0xFFFFFFFF  }
0xc0: {  	_ =	task.clear_ibuf [dreg:s6], $0x2FFFF;
	_ =	strace $0x9FFFFFFF  }
0xc1: {  	(tm) =	ssettm $0x7FFFFFFF  }
tec
execute0_lowered:
.L_overlay_start_1:
0x0: {  	(tag) =	ssettag $0x1  }
0x1: {  	s1 =	srdreg.scid  }
0x2: {  	s0 =	stileid.u32;
	s5 =	rddreg [dreg:$0x0];
	s2 =	simm.s32 $0x0  }
0x3: {  	s10 =	simm.s32 $0x1400;
	s11 =	simm.s32 $0x2800;
	s12 =	simm.s32 $0x3C00  }
0x4: {  	s13 =	simm.s32 $0x6380;
	s14 =	simm.s32 $0x80;
	s15 =	simm.s32 $0x400  }
0x5: {  	s16 =	simm.s32 $0x0;
	s3 =	sand.u32 $0x1, s1;
	s28 =	sshll.u32 s0, $0x1  }
0x6: {  	s29 =	sshrl.u32 s0, $0x2;
	s1 =	rddreg [dreg:$0x1];
	s4 =	sor.u32 s3, s28  }
0x7: {  	[smem:$0x7FF] =	sst s2;
	s6 =	smul.u32 $0x13C00, s29;
	s7 =	sshll.u32 s4, $0x7  }
0x8: {  	_ =	strace $0x80000047;
	s4 =	smul.u32 $0x280, s4;
	s7 =	sand.u32 $0x380, s7  }
.Ltmp0:
0x9: {  	s3 =	ssub.s32 $0x2, s3;
	s6 =	sor.u32 s6, s7;
	(pc) =	sbr.rel .LBB2_1-.Ltmp0, $4  }
0xa: {  	s31 =	sshrl.u32 s3, $0x1;
	s30 =	sadd.s32 s4, s5;
	s6 =	sshrl.u32 s6, $0x3  }
0xb: {  	s9 =	ssub.s32 s3, s31;
	s3 =	sadd.s32 $0x5400, s30;
	s8 =	sadd.s32 s6, s5  }
0xc: {  	s4 =	sadd.s32 $0xA400, s30;
	s5 =	sadd.s32 $0xF400, s30;
	s6 =	sadd.s32 $0x14400, s8  }
0xd: {  	v0 =	vimm.f32 $-3.399999950e+38;
	v1 =	vimm.f32 $0.0e+00;
	s7 =	sadd.s32 $0x1E200, s8;
	s8 =	smax.u32 s9, $0x1;
	s9 =	simm.s32 $0x1  }
.LBB2_9:
0xe: {  	[hbm4b:s6+s14] =	stream.strided.scatter [tilespmem:s12], [sflag:$0x1], $0x2780, s15, s14, $0x38;
	[tilespmem:$0x8B00] =	vst v63  }
0xf: {  	s16 =	sadd.s32 $0x1, s16;
	_ =	swait.ge [sflag:s9], $0x2780  }
0x10: {  	p0 =	sne.s32 s16, s8;
	[sflag:s9] =	ssyncset.done $0x0  }
.Ltmp1:
0x11: {  	[sflag:s9] =	ssyncadd.s32 $0xFFFFD880;
	(pc) =	sbr.rel @!p0 .LBB2_10-.Ltmp1, $4  }
0x12: {  	[hbm4b:s7+s14] =	stream.strided.scatter [tilespmem:s13], [sflag:$0x1], $0x2780, s15, s14, $0x38;
	[tilespmem:$0x8B00] =	vst v63  }
0x13: {  	_ =	swait.ge [sflag:s9], $0x2780  }
0x14: {  	[sflag:s9] =	ssyncset.done $0x0  }
0x15: {  	[sflag:s9] =	ssyncadd.s32 $0xFFFFD880  }
.LBB2_1:
0x16: {  	[tilespmem:s2], [sflag:$0x1] =	stream.linear.gather [hbm4b:s3+s2], $0x1400, $0x38;
	[tilespmem:$0x8B00] =	vst v63  }
0x17: {  	_ =	swait.ge [sflag:s9], $0x1400  }
0x18: {  	[sflag:s9] =	ssyncset.done $0x0  }
0x19: {  	[sflag:s9] =	ssyncadd.s32 $0xFFFFEC00  }
0x1a: {  	[tilespmem:s10], [sflag:$0x1] =	stream.linear.gather [hbm4b:s4+s2], $0x1400, $0x38;
	[tilespmem:$0x8B00] =	vst v63  }
0x1b: {  	_ =	swait.ge [sflag:s9], $0x1400  }
0x1c: {  	[sflag:s9] =	ssyncset.done $0x0  }
0x1d: {  	[sflag:s9] =	ssyncadd.s32 $0xFFFFEC00  }
0x1e: {  	[tilespmem:s11], [sflag:$0x1] =	stream.linear.gather [hbm4b:s5+s2], $0x1400, $0x38;
	[tilespmem:$0x8B00] =	vst v63  }
0x1f: {  	_ =	swait.ge [sflag:s9], $0x1400  }
0x20: {  	[sflag:s9] =	ssyncset.done $0x0  }
0x21: {  	s17 =	simm.s32 $0x40;
	s18 =	simm.s32 $0x0;
	[sflag:s9] =	ssyncadd.s32 $0xFFFFEC00  }
.LBB2_2:
0x22: {  	p0 =	sne.s32 s17, $0x9DC0;
	[tilespmem:s18+$0x3C00] =	vst v0;
	s18 =	smov.u32 s17;
	s17 =	sadd.s32 $0x40, s17  }
.Ltmp2:
0x23: {  	(pc) =	sbr.rel @p0 .LBB2_2-.Ltmp2, $2  }
0x24: {  	_ =	sdelay $0x2  }
0x25: {  	s18 =	sshra.s32 s18, $0x2  }
0x26: {  	[tilespmem:s18+$0x3C00] =	vst v0;
	s17 =	simm.s32 $0x0;
	s18 =	simm.s32 $0x40;
	s19 =	simm.s32 $0x0  }
.LBB2_4:
0x27: {  	p0 =	sne.s32 s18, $0x9DC0;
	[tilespmem:s19+$0x6380] =	vst v0;
	s19 =	smov.u32 s18;
	s18 =	sadd.s32 $0x40, s18  }
.Ltmp3:
0x28: {  	(pc) =	sbr.rel @p0 .LBB2_4-.Ltmp3, $2  }
0x29: {  	_ =	sdelay $0x2  }
0x2a: {  	s19 =	sshra.s32 s19, $0x2  }
.Ltmp4:
0x2b: {  	(pc) =	sbr.rel .LBB2_6-.Ltmp4, $2  }
0x2c: {  	_ =	sdelay $0x2  }
0x2d: {  	[tilespmem:s19+$0x6380] =	vst v0  }
.LBB2_8:
0x2e: {  	s17 =	sadd.s32 $0x1, s17  }
0x2f: {  	p0 =	sne.s32 s17, $0x140  }
.Ltmp5:
0x30: {  	_ = 	snop;
	(pc) =	sbr.rel @!p0 .LBB2_9-.Ltmp5, $1  }
0x31: {  	_ =	sdelay $0x3  }
.LBB2_6:
0x32: {  	s18 =	sshll.u32 s17, $0x4  }
0x33: {  	v2 =	vld [tilespmem:s18+$0x0];
	_ =	sdelay $0x5  }
0x34: {  	v3 =	vld [tilespmem:s18+$0x1400]  }
0x35: {  	v4 =	vld [tilespmem:s18+$0x2800]  }
0x36: {  	v5 =	vld.idx.msk [tilespmem:v2+s12+$0x0], $0xffff  }
0x37: {  	v6 =	vld.idx.msk [tilespmem:v2+s13+$0x0], $0xffff;
	_ =	sdelay $0x4  }
0x38: {  	vm1 =	vgt.f32 v3, v5;
	vm0 =	vgt.f32 v4, v6  }
0x39: {  	vm2 =	vmor vm1, vm0  }
0x3a: {  	v5 =	vsel vm2, $0x3F800000, v1  }
0x3b: {  	(xrf0) =	vmax.scan.msk.f32 $0xffff, v5;
	_ =	sdelay $0x5  }
0x3c: {  	v5, _, _ =	vpop (xrf0)  }
0x3d: {  	(v2sf) =	vpush v5, $0xF;
	_ =	sdelay $0xe  }
0x3e: {  	s31 =	spop (v2sf)  }
0x3f: {  	p0 =	sgt.f32 s31, $0.0e+00  }
.Ltmp6:
0x40: {  	_ = 	snop;
	(pc) =	sbr.rel @!p0 .LBB2_8-.Ltmp6, $1  }
0x41: {  	_ =	sdelay $0x3  }
.LBB2_7:
0x42: {  	v5 =	vld.idx.msk [tilespmem:v2+s12+$0x0], $0xffff;
	_ =	sdelay $0x4  }
0x43: {  	vm2 =	vgt.f32 v3, v5  }
0x44: {  	vm1 =	vmand vm1, vm2;
	_ =	sdelay $0x5  }
0x45: {  	[tilespmem:v2+s12+$0x0] =	vst.idx.msk vm1, v3  }
0x46: {  	v5 =	vld.idx.msk [tilespmem:v2+s13+$0x0], $0xffff;
	_ =	sdelay $0x4  }
0x47: {  	vm2 =	vgt.f32 v4, v5  }
0x48: {  	vm0 =	vmand vm0, vm2;
	_ =	sdelay $0x5  }
0x49: {  	[tilespmem:v2+s13+$0x0] =	vst.idx.msk vm0, v4  }
0x4a: {  	v5 =	vld.idx.msk [tilespmem:v2+s12+$0x0], $0xffff  }
0x4b: {  	v6 =	vld.idx.msk [tilespmem:v2+s13+$0x0], $0xffff;
	_ =	sdelay $0x4  }
0x4c: {  	vm2 =	vgt.f32 v3, v5;
	vm3 =	vgt.f32 v4, v6  }
0x4d: {  	vm1 =	vmand vm1, vm2;
	vm0 =	vmand vm0, vm3  }
0x4e: {  	vm2 =	vmor vm1, vm0  }
0x4f: {  	v5 =	vsel vm2, $0x3F800000, v1  }
0x50: {  	(xrf0) =	vmax.scan.msk.f32 $0xffff, v5;
	_ =	sdelay $0x5  }
0x51: {  	v5, _, _ =	vpop (xrf0)  }
0x52: {  	(v2sf) =	vpush v5, $0xF;
	_ =	sdelay $0xe  }
0x53: {  	s18 =	spop (v2sf)  }
0x54: {  	p0 =	sgt.f32 s18, $0.0e+00  }
.Ltmp7:
0x55: {  	_ = 	snop;
	(pc) =	sbr.rel @p0 .LBB2_7-.Ltmp7, $1  }
0x56: {  	_ =	sdelay $0x3  }
.Ltmp8:
0x57: {  	_ = 	snop;
	(pc) =	sbr.rel .LBB2_8-.Ltmp8, $1  }
0x58: {  	_ =	sdelay $0x3  }
.LBB2_10:
0x59: {  	_ =	sfence.sel $0x180000  }
0x5a: {  	[bflag:$0x0] =	sbarrier.arrive $0xFFFF  }
0x5b: {  	p0 =	sne.s32 s0, $0x0;
	_ =	strace $0x90000047  }
0x5c: {  	s0 =	sadd.s32 @!p0 $0x100000, s1;
	[bflag:$0x2] =	sbarrier.arrive $0xFFFF  }
0x5d: {  	[sflag:s0] =	ssyncadd.tile.s32 @!p0 $0x1;
	_ =	shalt  }
.Lfunc_end2:
_tile_overlayer_lowered:
.L_overlay_start_2:
0x5e: {  	(tag) =	ssettag $0x2  }
0x5f: {  	s0 =	rddreg [dreg:$0x0];
	s2 =	stileid.u32  }
0x60: {  	s1 =	rddreg [dreg:$0x1];
	p0 =	sne.s32 s2, $0x0  }
0x61: {  	s3 =	rddreg [dreg:$0x2];
	[bflag:$0x3] =	sbarrier.arrive $0xFFFF;
	s2 =	simm.s32 @!p0 $0x1C01  }
0x62: {  	[timem:s3], [sflag:s2] =	dma.local @!p0 [hbm:s0], s1  }
0x63: {  	s0 =	simm.s32 @!p0 $0x1  }
0x64: {  	_ =	swait.ge @!p0 [sflag:s0], s1  }
0x65: {  	s1 =	ssub.s32 @!p0 $0x0, s1;
	[sflag:s0] =	ssyncset.done @!p0 $0x0  }
0x66: {  	[sflag:s0] =	ssyncadd.s32 @!p0 s1  }
0x67: {  	[bflag:$0x3] =	sbarrier.arrive $0xFFFF  }
0x68: {  	_ =	shalt  }

// kernel: kernel.13.cloned.1.call-start
scs
__scs_entry_jumppad:
0x0: {  	(pc) =	sbr.rel $0x88, $3  }
0x1: {  	(tag) =	ssettag $0x0;
	lr =	simm.s32 $0x1  }
0x2: {  	[smem:$0x3F95] =	sst lr;
	_ =	strace $0xD0000000  }
0x3: {  	_ = 	snop  }
0x4: {  	_ = 	snop  }
0x5: {  	_ = 	snop  }
0x6: {  	_ = 	snop  }
0x7: {  	_ = 	snop  }
__scs_overlays_trampoline_lowered:
0x8: {  	[smem:$0x3FA4] =	sst s0  }
0x9: {  	[smem:$0x3FA5] =	sst s1  }
0xa: {  	[smem:$0x3FA6] =	sst s2  }
0xb: {  	[smem:$0x3FA7] =	sst s3  }
0xc: {  	[smem:$0x3FA8] =	sst s4  }
0xd: {  	[smem:$0x3FA9] =	sst s5  }
0xe: {  	[smem:$0x3FAA] =	sst s6  }
0xf: {  	[smem:$0x3FAB] =	sst s7  }
0x10: {  	[smem:$0x3FAC] =	sst s8  }
0x11: {  	[smem:$0x3FAD] =	sst s9;
	s0 =	simm.s32 @!p0 $0x0  }
0x12: {  	s1 =	sld [smem:$0x3F93];
	s0 =	simm.s32 @p0 $0x1  }
0x13: {  	[smem:$0x3FAE] =	sst s0;
	s0 =	simm.s32 @!p1 $0x0  }
0x14: {  	s2 =	sld [smem:$0x3F92];
	s0 =	simm.s32 @p1 $0x1  }
0x15: {  	[smem:$0x3FAF] =	sst s0;
	s0 =	simm.s32 @!p2 $0x0  }
0x16: {  	s3 =	sld [smem:$0x3FDB];
	s0 =	simm.s32 @p2 $0x1  }
0x17: {  	s4 =	simm.s32 $0x1BF5;
	[smem:$0x3FB1] =	sst s0  }
0x18: {  	s0 =	sld [smem:$0x3F94];
	_ =	swait.ge [sflag:s4], $0x0  }
0x19: {  	s7 =	sld [smem:$0x3F95]  }
0x1a: {  	s8 =	sadd.s32 $0xFFFFE003, lr  }
0x1b: {  	s9 =	sadd.s32 $0xFFFFFEF7, lr;
	s5 =	simm.s32 $0xFFFFFFFF;
	p2 =	slt.u32 s8, $0xFFFFF086  }
0x1c: {  	p1 =	slt.u32 s9, $0xF7A;
	s5 =	simm.s32 @!p2 $0x0  }
0x1d: {  	s5 =	simm.s32 @p1 $0x1;
	p0 =	seq.s32 s7, s2  }
0x1e: {  	s7 =	smul.u32 @!p0 $0xF7A, s2;
	p2 =	seq.s32 @!p0 s5, $0x0  }
0x1f: {  	s9 =	smul.u32 $0xF7A, s1;
	s8 =	simm.s32 @!p0 $0x1BF5;
	p2 =	por !p2, p0  }
0x20: {  	[sflag:s8] =	ssyncset.s32 @!p0 $0xFFFFF086;
	s6 =	sadd.s32 @!p0 s3, s7;
	s7 =	simm.s32 @!p0 $0x108  }
0x21: {  	s3 =	sadd.s32 s3, s9;
	s6 =	sadd.s32 @!p0 $0x88, s6;
	s7 =	simm.s32 @p2 $0x1082  }
0x22: {  	[simem:s7], [sflag:s8] =	dma.local @!p0 [hbm:s6], $0xF7A  }
0x23: {  	s9 =	sor.u32 $0xD0000000, s2;
	s6 =	simm.s32 $0x108;
	_ =	swait.ge @!p0 [sflag:s8], $0x0  }
0x24: {  	s3 =	sadd.s32 $0x88, s3;
	s6 =	simm.s32 @!p1 $0x1082;
	[sflag:s4] =	ssyncset.s32 $0xFFFFF086  }
0x25: {  	[simem:s6], [sflag:s4] =	dma.local [hbm:s3], $0xF7A  }
0x26: {  	[smem:$0x3F95] =	sst s1;
	(tag) =	ssettag s2;
	_ =	strace s9  }
0x27: {  	s1 =	sld [smem:$0x3FA5]  }
0x28: {  	s2 =	sld [smem:$0x3FA6]  }
0x29: {  	s4 =	sld [smem:$0x3FA8]  }
0x2a: {  	p0 =	seq.s32 s5, $0x0;
	s5 =	sld [smem:$0x3FA9]  }
0x2b: {  	s6 =	sld [smem:$0x3FAA]  }
0x2c: {  	s7 =	sld [smem:$0x3FAB]  }
0x2d: {  	s3 =	simm.s32 $0x108;
	s8 =	sld [smem:$0x3FAC]  }
0x2e: {  	s3 =	simm.s32 @!p0 $0x1082;
	s9 =	sld [smem:$0x3FAD]  }
0x2f: {  	lr =	sadd.s32 s0, s3;
	s0 =	sld [smem:$0x3FA4]  }
0x30: {  	s3 =	sld [smem:$0x3FA7]  }
0x31: {  	[smem:$0x3FB0] =	sst s10  }
0x32: {  	s10 =	sld [smem:$0x3FAE];
	_ =	sdelay $0x3  }
0x33: {  	p0 =	seq.s32 s10, $0x1;
	s10 =	sld [smem:$0x3FB0];
	_ =	sdelay $0x3  }
0x34: {  	[smem:$0x3FB0] =	sst s10  }
0x35: {  	s10 =	sld [smem:$0x3FAF];
	_ =	sdelay $0x3  }
0x36: {  	p1 =	seq.s32 s10, $0x1;
	s10 =	sld [smem:$0x3FB0];
	_ =	sdelay $0x3  }
0x37: {  	[smem:$0x3FB0] =	sst s10  }
0x38: {  	s10 =	sld [smem:$0x3FB1]  }
0x39: {  	_ = 	snop;
	(pc) =	sbr.ind lr, $3  }
0x3a: {  	_ = 	snop  }
0x3b: {  	_ = 	snop  }
0x3c: {  	p2 =	seq.s32 s10, $0x1;
	s10 =	sld [smem:$0x3FB0]  }
0x3d: {  	_ =	shalt  }
0x3e: {  	_ =	shalt  }
0x3f: {  	_ =	shalt  }
0x40: {  	_ =	shalt  }
0x41: {  	_ =	shalt  }
0x42: {  	_ =	shalt  }
0x43: {  	_ =	shalt  }
0x44: {  	_ =	shalt  }
0x45: {  	_ =	shalt  }
0x46: {  	_ =	shalt  }
0x47: {  	_ =	shalt  }
0x48: {  	_ =	shalt  }
0x49: {  	_ =	shalt  }
0x4a: {  	_ =	shalt  }
0x4b: {  	_ =	shalt  }
0x4c: {  	_ =	shalt  }
0x4d: {  	_ =	shalt  }
0x4e: {  	_ =	shalt  }
0x4f: {  	_ =	shalt  }
0x50: {  	_ =	shalt  }
0x51: {  	_ =	shalt  }
0x52: {  	_ =	shalt  }
0x53: {  	_ =	shalt  }
0x54: {  	_ =	shalt  }
0x55: {  	_ =	shalt  }
0x56: {  	_ =	shalt  }
0x57: {  	_ =	shalt  }
0x58: {  	_ =	shalt  }
0x59: {  	_ =	shalt  }
0x5a: {  	_ =	shalt  }
0x5b: {  	_ =	shalt  }
0x5c: {  	_ =	shalt  }
0x5d: {  	_ =	shalt  }
0x5e: {  	_ =	shalt  }
0x5f: {  	_ =	shalt  }
0x60: {  	_ =	shalt  }
0x61: {  	_ =	shalt  }
0x62: {  	_ =	shalt  }
0x63: {  	_ =	shalt  }
0x64: {  	_ =	shalt  }
0x65: {  	_ =	shalt  }
0x66: {  	_ =	shalt  }
0x67: {  	_ =	shalt  }
0x68: {  	_ =	shalt  }
0x69: {  	_ =	shalt  }
0x6a: {  	_ =	shalt  }
0x6b: {  	_ =	shalt  }
0x6c: {  	_ =	shalt  }
0x6d: {  	_ =	shalt  }
0x6e: {  	_ =	shalt  }
0x6f: {  	_ =	shalt  }
0x70: {  	_ =	shalt  }
0x71: {  	_ =	shalt  }
0x72: {  	_ =	shalt  }
0x73: {  	_ =	shalt  }
0x74: {  	_ =	shalt  }
0x75: {  	_ =	shalt  }
0x76: {  	_ =	shalt  }
0x77: {  	_ =	shalt  }
0x78: {  	_ =	shalt  }
0x79: {  	_ =	shalt  }
0x7a: {  	_ =	shalt  }
0x7b: {  	_ =	shalt  }
0x7c: {  	_ =	shalt  }
0x7d: {  	_ =	shalt  }
0x7e: {  	_ =	shalt  }
0x7f: {  	_ =	shalt  }
0x80: {  	_ =	shalt  }
0x81: {  	_ =	shalt  }
0x82: {  	_ =	shalt  }
0x83: {  	_ =	shalt  }
0x84: {  	_ =	shalt  }
0x85: {  	_ =	shalt  }
0x86: {  	_ =	shalt  }
0x87: {  	_ =	shalt  }
.Lfunc_end0:
.L_simem_size_0:
called_computation.1_lowered:
.L_overlay_start_0:
0x88: {  	s2 =	sld [smem:$0x3FD9]  }
0x89: {  	s3 =	sld [smem:$0x3FFE];
	_ =	sdelay $0x1  }
0x8a: {  	s1 =	srdreg.scid  }
0x8b: {  	s0 =	sand.u32 $0x1, s1  }
0x8c: {  	s15 =	sshll.u32 s0, $0xA;
	s2 =	sadd.s32 s3, s2  }
0x8d: {  	s2 =	sadd.s32 s2, s15  }
0x8e: {  	[smem:$0x3FBC] =	sst s2  }
0x8f: {  	_ = 	snop  }
0x90: {  	s2 =	sld [smem:$0x3FD0];
	_ =	sdelay $0x2  }
0x91: {  	s16 =	simm.s32 $0xB;
	s4 =	simm.s32 $0x10  }
0x92: {  	[smem:s4], [sflag:s16] =	dma.local [hbm:s2], $0x1  }
0x93: {  	_ =	swait.eq [sflag:s16], $0x1  }
0x94: {  	[sflag:s16] =	ssyncset.done $0x0  }
0x95: {  	[sflag:s16] =	ssyncadd.s32 $0xFFFFFFFF  }
0x96: {  	s17 =	sld [smem:$0x11];
	(tm) =	ssettm $0x1  }
0x97: {  	s18 =	sld [smem:$0x3FFB];
	_ =	sdelay $0x3  }
0x98: {  	_ =	strace s18  }
0x99: {  	s2 =	sld [smem:$0x3FFC];
	_ =	sdelay $0x3  }
0x9a: {  	_ =	strace s2  }
0x9b: {  	s2 =	sld [smem:$0x3FFD];
	_ =	sdelay $0x3  }
0x9c: {  	_ =	strace s2  }
0x9d: {  	_ =	strace $0x8FFFFFFF  }
0x9e: {  	s19 =	sld [smem:$0x3FDB];
	_ =	sdelay $0x1  }
0x9f: {  	s20 =	simm.s32 $_scs_section_size  }
0xa0: {  	s5 =	simm.s32 $_size__tile_overlayer_lowered;
	s6 =	simm.s32 $_tile_overlayer_lowered  }
0xa1: {  	s7 =	simm.s32 $0x1BFF;
	s21 =	sshll.u32 s6, $0x1;
	s4 =	sadd.s32 s20, s19  }
0xa2: {  	s22 =	simm.s32 $0x0;
	s5 =	sshll.u32 s5, $0x1;
	s6 =	sadd.s32 s21, s4  }
0xa3: {  	[timem:s22], [sflag:s7] =	dma.local [hbm:s6], s5  }
0xa4: {  	_ =	swait.ge [sflag:s7], s5  }
0xa5: {  	s5 =	ssub.s32 $0x0, s5;
	[sflag:s7] =	ssyncset.done $0x0  }
0xa6: {  	[sflag:s7] =	ssyncadd.s32 s5;
	_ =	sdelay $0x1  }
0xa7: {  	s23 =	simm.s32 $0x1B8B  }
0xa8: {  	_ =	swait.ge [sflag:s23], $0x1  }
0xa9: {  	[sflag:s23] =	ssyncset.done $0x0  }
0xaa: {  	[sflag:s23] =	ssyncadd.s32 $0xFFFFFFFF  }
0xab: {  	s5 =	sld [smem:$0x0]  }
0xac: {  	s6 =	sand.u32 $0xFFFFFFFE, s1  }
0xad: {  	p0 =	sne.s32 s1, s6  }
0xae: {  	s6 =	sshll.u32 @p0 s6, $0xE  }
0xaf: {  	s6 =	sadd.s32 @p0 $0x11B8D, s6;
	s7 =	sshll.u32 @p0 s5, $0x11  }
0xb0: {  	s6 =	sor.u32 @p0 s7, s6  }
0xb1: {  	[sflag:s6] =	ssyncadd.remote.s32 @p0 $0x1;
	_ =	sdelay $0x1  }
0xb2: {  	s6 =	simm.s32 @p0 $0x1B8D  }
0xb3: {  	_ =	swait.eq @p0 [sflag:s6], $0x1  }
0xb4: {  	[sflag:s6] =	ssyncadd.s32 @p0 $0xFFFFFFFF  }
0xb5: {  	s7 =	sshll.u32 @!p0 s1, $0xE  }
0xb6: {  	s7 =	sor.u32 @!p0 $0x4000, s7;
	s6 =	simm.s32 @!p0 $0x1B8D  }
0xb7: {  	s5 =	sshll.u32 @!p0 s5, $0x11;
	s7 =	sadd.s32 @!p0 $0x11B8D, s7;
	_ =	swait.eq @!p0 [sflag:s6], $0x1  }
0xb8: {  	s5 =	sor.u32 @!p0 s5, s7;
	[sflag:s6] =	ssyncadd.s32 @!p0 $0xFFFFFFFF  }
0xb9: {  	s25 =	simm.s32 $0x1B8E;
	s24 =	sld [smem:$0x3FFE];
	[sflag:s5] =	ssyncadd.remote.s32 @!p0 $0x1  }
0xba: {  	s26 =	simm.s32 $execute0_lowered;
	[smem:$0x3FD2] =	sst s25  }
0xbb: {  	s6 =	sshll.u32 s26, $0x1;
	_ =	strace $0x80000049;
	[dreg:$0x1] =	wrdreg $0xFFFFFFFF  }
0xbc: {  	s28 =	simm.s32 $_size_execute0_lowered;
	s4 =	sadd.s32 s4, s6;
	[dreg:$0x0] =	wrdreg $0x0  }
0xbd: {  	s6 =	sshll.u32 s28, $0x1;
	[dreg:$0x2] =	wrdreg s4  }
0xbe: {  	[dreg:$0x3] =	wrdreg s6  }
0xbf: {  	[dreg:$0x4] =	wrdreg $0xC0  }
0xc0: {  	_ =	task [dreg:s22], $0x5FFFF  }
0xc1: {  	[dreg:$0x1] =	wrdreg $0xFFFFFFFF  }
0xc2: {  	[dreg:$0x0] =	wrdreg $0x60  }
0xc3: {  	[dreg:$0x2] =	wrdreg s24  }
0xc4: {  	[dreg:$0x3] =	wrdreg s17  }
0xc5: {  	[dreg:$0x4] =	wrdreg $0xA  }
0xc6: {  	_ =	task.clear_ibuf [dreg:s22], $0x5FFFF;
	_ =	strace $0x90000049  }
0xc7: {  	s29 =	simm.s32 $0xA;
	_ =	strace $0x8000004B  }
0xc8: {  	_ =	swait.ge [sflag:s29], $0x1  }
0xc9: {  	[sflag:s29] =	ssyncadd.s32 $0xFFFFFFFF  }
0xca: {  	_ =	strace $0x9000004B  }
0xcb: {  	_ =	sfence  }
0xcc: {  	s30 =	sld [smem:$0x0];
	_ =	sdelay $0x2  }
0xcd: {  	s31 =	sshll.u32 s1, $0xD;
	s1 =	sshrl.u32 s1, $0x2  }
0xce: {  	s4 =	sand.u32 $0x4000, s31;
	s1 =	sadd.s32 s1, s30  }
0xcf: {  	s0 =	sor.u32 s4, s0;
	s1 =	sshll.u32 s1, $0x11  }
0xd0: {  	s0 =	sor.u32 s1, s0  }
0xd1: {  	s0 =	sadd.s32 $0x8F2B, s0  }
0xd2: {  	[sflag:s0] =	ssyncadd.remote.s32 $0x1  }
0xd3: {  	_ =	sfence.sel $0xFFFF  }
0xd4: {  	[dreg:$0x0] =	wrdreg $0xFFFFFFFF;
	(pc) =	sbr.abs _section_cstart, $3  }
0xd5: {  	[dreg:$0x1] =	wrdreg $0xFFFFFFFF  }
0xd6: {  	_ =	task.clear_ibuf [dreg:s22], $0x2FFFF;
	_ =	strace $0x9FFFFFFF  }
0xd7: {  	(tm) =	ssettm $0x7FFFFFFF  }
tec
execute0_lowered:
.L_overlay_start_1:
0x0: {  	(tag) =	ssettag $0x1  }
0x1: {  	s1 =	srdreg.scid;
	s4 =	rddreg [dreg:$0x0]  }
0x2: {  	s0 =	stileid.u32;
	s6 =	rddreg [dreg:$0x1];
	s2 =	simm.s32 $0x0  }
0x3: {  	s10 =	simm.s32 $0x1380;
	s11 =	simm.s32 $0x2700;
	s12 =	simm.s32 $0x3A80  }
0x4: {  	s13 =	simm.s32 $0x6200;
	s14 =	simm.s32 $0x80;
	s15 =	simm.s32 $0x400  }
0x5: {  	s16 =	simm.s32 $0x0;
	s3 =	sand.u32 $0x1, s1;
	s1 =	rddreg [dreg:$0x2]  }
0x6: {  	s28 =	sshll.u32 s0, $0x1;
	s29 =	sshrl.u32 s0, $0x2;
	[smem:$0x7FF] =	sst s2  }
0x7: {  	s5 =	sor.u32 s3, s28;
	s7 =	smul.u32 $0x13C00, s29;
	_ =	strace $0x8000004A  }
0x8: {  	s3 =	ssub.s32 $0x2, s3;
	s8 =	sshll.u32 s5, $0x7;
	s5 =	smul.u32 $0x262, s5  }
.Ltmp0:
0x9: {  	s31 =	sshrl.u32 s3, $0x1;
	s8 =	sand.u32 $0x380, s8;
	(pc) =	sbr.rel .LBB2_1-.Ltmp0, $4  }
0xa: {  	s9 =	ssub.s32 s3, s31;
	s7 =	sor.u32 s7, s8;
	s5 =	sadd.s32 s5, s4  }
0xb: {  	s8 =	smax.u32 s9, $0x1;
	s9 =	simm.s32 $0x1;
	s7 =	sshrl.u32 s7, $0x3  }
0xc: {  	s3 =	sadd.s32 $0x28000, s5;
	s30 =	sadd.s32 s7, s4;
	s4 =	sadd.s32 $0x2CE00, s5  }
0xd: {  	v0 =	vimm.f32 $-3.399999950e+38;
	v1 =	vimm.f32 $0.0e+00;
	s5 =	sadd.s32 $0x31C00, s5;
	s6 =	sadd.s32 s6, s7;
	s7 =	sadd.s32 $0x36A00, s30  }
.LBB2_9:
0xe: {  	[hbm4b:s6+s14] =	stream.strided.scatter [tilespmem:s12], [sflag:$0x1], $0x2780, s15, s14, $0x38;
	[tilespmem:$0x8980] =	vst v63  }
0xf: {  	s16 =	sadd.s32 $0x1, s16;
	_ =	swait.ge [sflag:s9], $0x2780  }
0x10: {  	p0 =	sne.s32 s16, s8;
	[sflag:s9] =	ssyncset.done $0x0  }
.Ltmp1:
0x11: {  	[sflag:s9] =	ssyncadd.s32 $0xFFFFD880;
	(pc) =	sbr.rel @!p0 .LBB2_10-.Ltmp1, $4  }
0x12: {  	[hbm4b:s7+s14] =	stream.strided.scatter [tilespmem:s13], [sflag:$0x1], $0x2780, s15, s14, $0x38;
	[tilespmem:$0x8980] =	vst v63  }
0x13: {  	_ =	swait.ge [sflag:s9], $0x2780  }
0x14: {  	[sflag:s9] =	ssyncset.done $0x0  }
0x15: {  	[sflag:s9] =	ssyncadd.s32 $0xFFFFD880  }
.LBB2_1:
0x16: {  	[tilespmem:s2], [sflag:$0x1] =	stream.linear.gather [hbm4b:s3+s2], $0x1310, $0x38;
	[tilespmem:$0x8980] =	vst v63  }
0x17: {  	_ =	swait.ge [sflag:s9], $0x1310  }
0x18: {  	[sflag:s9] =	ssyncset.done $0x0  }
0x19: {  	[sflag:s9] =	ssyncadd.s32 $0xFFFFECF0  }
0x1a: {  	[tilespmem:s10], [sflag:$0x1] =	stream.linear.gather [hbm4b:s4+s2], $0x1310, $0x38;
	[tilespmem:$0x8980] =	vst v63  }
0x1b: {  	_ =	swait.ge [sflag:s9], $0x1310  }
0x1c: {  	[sflag:s9] =	ssyncset.done $0x0  }
0x1d: {  	[sflag:s9] =	ssyncadd.s32 $0xFFFFECF0  }
0x1e: {  	[tilespmem:s11], [sflag:$0x1] =	stream.linear.gather [hbm4b:s5+s2], $0x1310, $0x38;
	[tilespmem:$0x8980] =	vst v63  }
0x1f: {  	_ =	swait.ge [sflag:s9], $0x1310  }
0x20: {  	[sflag:s9] =	ssyncset.done $0x0  }
0x21: {  	s17 =	simm.s32 $0x40;
	s18 =	simm.s32 $0x0;
	[sflag:s9] =	ssyncadd.s32 $0xFFFFECF0  }
.LBB2_2:
0x22: {  	p0 =	sne.s32 s17, $0x9DC0;
	[tilespmem:s18+$0x3A80] =	vst v0;
	s18 =	smov.u32 s17;
	s17 =	sadd.s32 $0x40, s17  }
.Ltmp2:
0x23: {  	(pc) =	sbr.rel @p0 .LBB2_2-.Ltmp2, $2  }
0x24: {  	_ =	sdelay $0x2  }
0x25: {  	s18 =	sshra.s32 s18, $0x2  }
0x26: {  	[tilespmem:s18+$0x3A80] =	vst v0;
	s17 =	simm.s32 $0x0;
	s18 =	simm.s32 $0x40;
	s19 =	simm.s32 $0x0  }
.LBB2_4:
0x27: {  	p0 =	sne.s32 s18, $0x9DC0;
	[tilespmem:s19+$0x6200] =	vst v0;
	s19 =	smov.u32 s18;
	s18 =	sadd.s32 $0x40, s18  }
.Ltmp3:
0x28: {  	(pc) =	sbr.rel @p0 .LBB2_4-.Ltmp3, $2  }
0x29: {  	_ =	sdelay $0x2  }
0x2a: {  	s19 =	sshra.s32 s19, $0x2  }
.Ltmp4:
0x2b: {  	(pc) =	sbr.rel .LBB2_6-.Ltmp4, $2  }
0x2c: {  	_ =	sdelay $0x2  }
0x2d: {  	[tilespmem:s19+$0x6200] =	vst v0  }
.LBB2_8:
0x2e: {  	s17 =	sadd.s32 $0x1, s17  }
0x2f: {  	p0 =	sne.s32 s17, $0x131  }
.Ltmp5:
0x30: {  	_ = 	snop;
	(pc) =	sbr.rel @!p0 .LBB2_9-.Ltmp5, $1  }
0x31: {  	_ =	sdelay $0x3  }
.LBB2_6:
0x32: {  	s18 =	sshll.u32 s17, $0x4  }
0x33: {  	v2 =	vld [tilespmem:s18+$0x0];
	_ =	sdelay $0x5  }
0x34: {  	v3 =	vld [tilespmem:s18+$0x1380]  }
0x35: {  	v4 =	vld [tilespmem:s18+$0x2700]  }
0x36: {  	v5 =	vld.idx.msk [tilespmem:v2+s12+$0x0], $0xffff  }
0x37: {  	v6 =	vld.idx.msk [tilespmem:v2+s13+$0x0], $0xffff;
	_ =	sdelay $0x4  }
0x38: {  	vm1 =	vgt.f32 v3, v5;
	vm0 =	vgt.f32 v4, v6  }
0x39: {  	vm2 =	vmor vm1, vm0  }
0x3a: {  	v5 =	vsel vm2, $0x3F800000, v1  }
0x3b: {  	(xrf0) =	vmax.scan.msk.f32 $0xffff, v5;
	_ =	sdelay $0x5  }
0x3c: {  	v5, _, _ =	vpop (xrf0)  }
0x3d: {  	(v2sf) =	vpush v5, $0xF;
	_ =	sdelay $0xe  }
0x3e: {  	s31 =	spop (v2sf)  }
0x3f: {  	p0 =	sgt.f32 s31, $0.0e+00  }
.Ltmp6:
0x40: {  	_ = 	snop;
	(pc) =	sbr.rel @!p0 .LBB2_8-.Ltmp6, $1  }
0x41: {  	_ =	sdelay $0x3  }
.LBB2_7:
0x42: {  	v5 =	vld.idx.msk [tilespmem:v2+s12+$0x0], $0xffff;
	_ =	sdelay $0x4  }
0x43: {  	vm2 =	vgt.f32 v3, v5  }
0x44: {  	vm1 =	vmand vm1, vm2;
	_ =	sdelay $0x5  }
0x45: {  	[tilespmem:v2+s12+$0x0] =	vst.idx.msk vm1, v3  }
0x46: {  	v5 =	vld.idx.msk [tilespmem:v2+s13+$0x0], $0xffff;
	_ =	sdelay $0x4  }
0x47: {  	vm2 =	vgt.f32 v4, v5  }
0x48: {  	vm0 =	vmand vm0, vm2;
	_ =	sdelay $0x5  }
0x49: {  	[tilespmem:v2+s13+$0x0] =	vst.idx.msk vm0, v4  }
0x4a: {  	v5 =	vld.idx.msk [tilespmem:v2+s12+$0x0], $0xffff  }
0x4b: {  	v6 =	vld.idx.msk [tilespmem:v2+s13+$0x0], $0xffff;
	_ =	sdelay $0x4  }
0x4c: {  	vm2 =	vgt.f32 v3, v5;
	vm3 =	vgt.f32 v4, v6  }
0x4d: {  	vm1 =	vmand vm1, vm2;
	vm0 =	vmand vm0, vm3  }
0x4e: {  	vm2 =	vmor vm1, vm0  }
0x4f: {  	v5 =	vsel vm2, $0x3F800000, v1  }
0x50: {  	(xrf0) =	vmax.scan.msk.f32 $0xffff, v5;
	_ =	sdelay $0x5  }
0x51: {  	v5, _, _ =	vpop (xrf0)  }
0x52: {  	(v2sf) =	vpush v5, $0xF;
	_ =	sdelay $0xe  }
0x53: {  	s18 =	spop (v2sf)  }
0x54: {  	p0 =	sgt.f32 s18, $0.0e+00  }
.Ltmp7:
0x55: {  	_ = 	snop;
	(pc) =	sbr.rel @p0 .LBB2_7-.Ltmp7, $1  }
0x56: {  	_ =	sdelay $0x3  }
.Ltmp8:
0x57: {  	_ = 	snop;
	(pc) =	sbr.rel .LBB2_8-.Ltmp8, $1  }
0x58: {  	_ =	sdelay $0x3  }
.LBB2_10:
0x59: {  	_ =	sfence.sel $0x180000  }
0x5a: {  	[bflag:$0x0] =	sbarrier.arrive $0xFFFF  }
0x5b: {  	p0 =	sne.s32 s0, $0x0;
	_ =	strace $0x9000004A  }
0x5c: {  	s0 =	sadd.s32 @!p0 $0x100000, s1;
	[bflag:$0x2] =	sbarrier.arrive $0xFFFF  }
0x5d: {  	[sflag:s0] =	ssyncadd.tile.s32 @!p0 $0x1;
	_ =	shalt  }
.Lfunc_end2:
_tile_overlayer_lowered:
.L_overlay_start_2:
0x5e: {  	(tag) =	ssettag $0x2  }
0x5f: {  	s0 =	rddreg [dreg:$0x0];
	s2 =	stileid.u32  }
0x60: {  	s1 =	rddreg [dreg:$0x1];
	p0 =	sne.s32 s2, $0x0  }
0x61: {  	s3 =	rddreg [dreg:$0x2];
	[bflag:$0x3] =	sbarrier.arrive $0xFFFF;
	s2 =	simm.s32 @!p0 $0x1C01  }
0x62: {  	[timem:s3], [sflag:s2] =	dma.local @!p0 [hbm:s0], s1  }
0x63: {  	s0 =	simm.s32 @!p0 $0x1  }
0x64: {  	_ =	swait.ge @!p0 [sflag:s0], s1  }
0x65: {  	s1 =	ssub.s32 @!p0 $0x0, s1;
	[sflag:s0] =	ssyncset.done @!p0 $0x0  }
0x66: {  	[sflag:s0] =	ssyncadd.s32 @!p0 s1  }
0x67: {  	[bflag:$0x3] =	sbarrier.arrive $0xFFFF  }
0x68: {  	_ =	shalt  }

// kernel: kernel.16.cloned.1.call-start
scs
__scs_entry_jumppad:
0x0: {  	(pc) =	sbr.rel $0x88, $3  }
0x1: {  	(tag) =	ssettag $0x0;
	lr =	simm.s32 $0x1  }
0x2: {  	[smem:$0x3F95] =	sst lr;
	_ =	strace $0xD0000000  }
0x3: {  	_ = 	snop  }
0x4: {  	_ = 	snop  }
0x5: {  	_ = 	snop  }
0x6: {  	_ = 	snop  }
0x7: {  	_ = 	snop  }
__scs_overlays_trampoline_lowered:
0x8: {  	[smem:$0x3FA4] =	sst s0  }
0x9: {  	[smem:$0x3FA5] =	sst s1  }
0xa: {  	[smem:$0x3FA6] =	sst s2  }
0xb: {  	[smem:$0x3FA7] =	sst s3  }
0xc: {  	[smem:$0x3FA8] =	sst s4  }
0xd: {  	[smem:$0x3FA9] =	sst s5  }
0xe: {  	[smem:$0x3FAA] =	sst s6  }
0xf: {  	[smem:$0x3FAB] =	sst s7  }
0x10: {  	[smem:$0x3FAC] =	sst s8  }
0x11: {  	[smem:$0x3FAD] =	sst s9;
	s0 =	simm.s32 @!p0 $0x0  }
0x12: {  	s1 =	sld [smem:$0x3F93];
	s0 =	simm.s32 @p0 $0x1  }
0x13: {  	[smem:$0x3FAE] =	sst s0;
	s0 =	simm.s32 @!p1 $0x0  }
0x14: {  	s2 =	sld [smem:$0x3F92];
	s0 =	simm.s32 @p1 $0x1  }
0x15: {  	[smem:$0x3FAF] =	sst s0;
	s0 =	simm.s32 @!p2 $0x0  }
0x16: {  	s3 =	sld [smem:$0x3FDB];
	s0 =	simm.s32 @p2 $0x1  }
0x17: {  	s4 =	simm.s32 $0x1BF5;
	[smem:$0x3FB1] =	sst s0  }
0x18: {  	s0 =	sld [smem:$0x3F94];
	_ =	swait.ge [sflag:s4], $0x0  }
0x19: {  	s7 =	sld [smem:$0x3F95]  }
0x1a: {  	s8 =	sadd.s32 $0xFFFFE003, lr  }
0x1b: {  	s9 =	sadd.s32 $0xFFFFFEF7, lr;
	s5 =	simm.s32 $0xFFFFFFFF;
	p2 =	slt.u32 s8, $0xFFFFF086  }
0x1c: {  	p1 =	slt.u32 s9, $0xF7A;
	s5 =	simm.s32 @!p2 $0x0  }
0x1d: {  	s5 =	simm.s32 @p1 $0x1;
	p0 =	seq.s32 s7, s2  }
0x1e: {  	s7 =	smul.u32 @!p0 $0xF7A, s2;
	p2 =	seq.s32 @!p0 s5, $0x0  }
0x1f: {  	s9 =	smul.u32 $0xF7A, s1;
	s8 =	simm.s32 @!p0 $0x1BF5;
	p2 =	por !p2, p0  }
0x20: {  	[sflag:s8] =	ssyncset.s32 @!p0 $0xFFFFF086;
	s6 =	sadd.s32 @!p0 s3, s7;
	s7 =	simm.s32 @!p0 $0x108  }
0x21: {  	s3 =	sadd.s32 s3, s9;
	s6 =	sadd.s32 @!p0 $0x88, s6;
	s7 =	simm.s32 @p2 $0x1082  }
0x22: {  	[simem:s7], [sflag:s8] =	dma.local @!p0 [hbm:s6], $0xF7A  }
0x23: {  	s9 =	sor.u32 $0xD0000000, s2;
	s6 =	simm.s32 $0x108;
	_ =	swait.ge @!p0 [sflag:s8], $0x0  }
0x24: {  	s3 =	sadd.s32 $0x88, s3;
	s6 =	simm.s32 @!p1 $0x1082;
	[sflag:s4] =	ssyncset.s32 $0xFFFFF086  }
0x25: {  	[simem:s6], [sflag:s4] =	dma.local [hbm:s3], $0xF7A  }
0x26: {  	[smem:$0x3F95] =	sst s1;
	(tag) =	ssettag s2;
	_ =	strace s9  }
0x27: {  	s1 =	sld [smem:$0x3FA5]  }
0x28: {  	s2 =	sld [smem:$0x3FA6]  }
0x29: {  	s4 =	sld [smem:$0x3FA8]  }
0x2a: {  	p0 =	seq.s32 s5, $0x0;
	s5 =	sld [smem:$0x3FA9]  }
0x2b: {  	s6 =	sld [smem:$0x3FAA]  }
0x2c: {  	s7 =	sld [smem:$0x3FAB]  }
0x2d: {  	s3 =	simm.s32 $0x108;
	s8 =	sld [smem:$0x3FAC]  }
0x2e: {  	s3 =	simm.s32 @!p0 $0x1082;
	s9 =	sld [smem:$0x3FAD]  }
0x2f: {  	lr =	sadd.s32 s0, s3;
	s0 =	sld [smem:$0x3FA4]  }
0x30: {  	s3 =	sld [smem:$0x3FA7]  }
0x31: {  	[smem:$0x3FB0] =	sst s10  }
0x32: {  	s10 =	sld [smem:$0x3FAE];
	_ =	sdelay $0x3  }
0x33: {  	p0 =	seq.s32 s10, $0x1;
	s10 =	sld [smem:$0x3FB0];
	_ =	sdelay $0x3  }
0x34: {  	[smem:$0x3FB0] =	sst s10  }
0x35: {  	s10 =	sld [smem:$0x3FAF];
	_ =	sdelay $0x3  }
0x36: {  	p1 =	seq.s32 s10, $0x1;
	s10 =	sld [smem:$0x3FB0];
	_ =	sdelay $0x3  }
0x37: {  	[smem:$0x3FB0] =	sst s10  }
0x38: {  	s10 =	sld [smem:$0x3FB1]  }
0x39: {  	_ = 	snop;
	(pc) =	sbr.ind lr, $3  }
0x3a: {  	_ = 	snop  }
0x3b: {  	_ = 	snop  }
0x3c: {  	p2 =	seq.s32 s10, $0x1;
	s10 =	sld [smem:$0x3FB0]  }
0x3d: {  	_ =	shalt  }
0x3e: {  	_ =	shalt  }
0x3f: {  	_ =	shalt  }
0x40: {  	_ =	shalt  }
0x41: {  	_ =	shalt  }
0x42: {  	_ =	shalt  }
0x43: {  	_ =	shalt  }
0x44: {  	_ =	shalt  }
0x45: {  	_ =	shalt  }
0x46: {  	_ =	shalt  }
0x47: {  	_ =	shalt  }
0x48: {  	_ =	shalt  }
0x49: {  	_ =	shalt  }
0x4a: {  	_ =	shalt  }
0x4b: {  	_ =	shalt  }
0x4c: {  	_ =	shalt  }
0x4d: {  	_ =	shalt  }
0x4e: {  	_ =	shalt  }
0x4f: {  	_ =	shalt  }
0x50: {  	_ =	shalt  }
0x51: {  	_ =	shalt  }
0x52: {  	_ =	shalt  }
0x53: {  	_ =	shalt  }
0x54: {  	_ =	shalt  }
0x55: {  	_ =	shalt  }
0x56: {  	_ =	shalt  }
0x57: {  	_ =	shalt  }
0x58: {  	_ =	shalt  }
0x59: {  	_ =	shalt  }
0x5a: {  	_ =	shalt  }
0x5b: {  	_ =	shalt  }
0x5c: {  	_ =	shalt  }
0x5d: {  	_ =	shalt  }
0x5e: {  	_ =	shalt  }
0x5f: {  	_ =	shalt  }
0x60: {  	_ =	shalt  }
0x61: {  	_ =	shalt  }
0x62: {  	_ =	shalt  }
0x63: {  	_ =	shalt  }
0x64: {  	_ =	shalt  }
0x65: {  	_ =	shalt  }
0x66: {  	_ =	shalt  }
0x67: {  	_ =	shalt  }
0x68: {  	_ =	shalt  }
0x69: {  	_ =	shalt  }
0x6a: {  	_ =	shalt  }
0x6b: {  	_ =	shalt  }
0x6c: {  	_ =	shalt  }
0x6d: {  	_ =	shalt  }
0x6e: {  	_ =	shalt  }
0x6f: {  	_ =	shalt  }
0x70: {  	_ =	shalt  }
0x71: {  	_ =	shalt  }
0x72: {  	_ =	shalt  }
0x73: {  	_ =	shalt  }
0x74: {  	_ =	shalt  }
0x75: {  	_ =	shalt  }
0x76: {  	_ =	shalt  }
0x77: {  	_ =	shalt  }
0x78: {  	_ =	shalt  }
0x79: {  	_ =	shalt  }
0x7a: {  	_ =	shalt  }
0x7b: {  	_ =	shalt  }
0x7c: {  	_ =	shalt  }
0x7d: {  	_ =	shalt  }
0x7e: {  	_ =	shalt  }
0x7f: {  	_ =	shalt  }
0x80: {  	_ =	shalt  }
0x81: {  	_ =	shalt  }
0x82: {  	_ =	shalt  }
0x83: {  	_ =	shalt  }
0x84: {  	_ =	shalt  }
0x85: {  	_ =	shalt  }
0x86: {  	_ =	shalt  }
0x87: {  	_ =	shalt  }
.Lfunc_end0:
.L_simem_size_0:
called_computation.2_lowered:
.L_overlay_start_0:
0x88: {  	s2 =	sld [smem:$0x3FD9]  }
0x89: {  	s3 =	sld [smem:$0x3FFE];
	_ =	sdelay $0x1  }
0x8a: {  	s1 =	srdreg.scid  }
0x8b: {  	s0 =	sand.u32 $0x1, s1  }
0x8c: {  	s14 =	sshll.u32 s0, $0xA;
	s2 =	sadd.s32 s3, s2  }
0x8d: {  	s2 =	sadd.s32 s2, s14  }
0x8e: {  	[smem:$0x3FBC] =	sst s2  }
0x8f: {  	_ = 	snop  }
0x90: {  	s2 =	sld [smem:$0x3FD0];
	_ =	sdelay $0x2  }
0x91: {  	s4 =	simm.s32 $0xB;
	s5 =	simm.s32 $0x10;
	s15 =	sld [smem:$0x3FC1]  }
0x92: {  	[smem:s5], [sflag:s4] =	dma.local [hbm:s2], $0x1  }
0x93: {  	_ =	swait.eq [sflag:s4], $0x1  }
0x94: {  	[sflag:s4] =	ssyncset.done $0x0  }
0x95: {  	[sflag:s4] =	ssyncadd.s32 $0xFFFFFFFF  }
0x96: {  	s16 =	sld [smem:$0x11];
	(tm) =	ssettm $0x1  }
0x97: {  	s17 =	sld [smem:$0x3FFB];
	_ =	sdelay $0x3  }
0x98: {  	_ =	strace s17  }
0x99: {  	s4 =	sld [smem:$0x3FFC];
	_ =	sdelay $0x3  }
0x9a: {  	_ =	strace s4  }
0x9b: {  	s4 =	sld [smem:$0x3FFD];
	_ =	sdelay $0x3  }
0x9c: {  	_ =	strace s4  }
0x9d: {  	_ =	strace $0x8FFFFFFF  }
0x9e: {  	s18 =	sld [smem:$0x3FDB];
	_ =	sdelay $0x1  }
0x9f: {  	s19 =	simm.s32 $_scs_section_size  }
0xa0: {  	s6 =	simm.s32 $_size__tile_overlayer_lowered;
	s7 =	simm.s32 $_tile_overlayer_lowered  }
0xa1: {  	s22 =	simm.s32 $0x1BFF;
	s21 =	sshll.u32 s7, $0x1;
	s4 =	sadd.s32 s19, s18  }
0xa2: {  	s8 =	simm.s32 $0x0;
	s20 =	sshll.u32 s6, $0x1;
	s6 =	sadd.s32 s21, s4  }
0xa3: {  	[timem:s8], [sflag:s22] =	dma.local [hbm:s6], s20  }
0xa4: {  	_ =	swait.ge [sflag:s22], s20  }
0xa5: {  	s5 =	ssub.s32 $0x0, s20;
	[sflag:s22] =	ssyncset.done $0x0  }
0xa6: {  	[sflag:s22] =	ssyncadd.s32 s5;
	_ =	sdelay $0x1  }
0xa7: {  	s23 =	simm.s32 $0x1B8B  }
0xa8: {  	_ =	swait.ge [sflag:s23], $0x1  }
0xa9: {  	[sflag:s23] =	ssyncset.done $0x0  }
0xaa: {  	s25 =	simm.s32 $0x1B8E;
	s24 =	sld [smem:$0x3FFE];
	[sflag:s23] =	ssyncadd.s32 $0xFFFFFFFF  }
0xab: {  	s26 =	simm.s32 $execute0_lowered;
	[smem:$0x3FD2] =	sst s25  }
0xac: {  	s6 =	sshll.u32 s26, $0x1;
	_ =	strace $0x8000004C;
	[dreg:$0x1] =	wrdreg $0xFFFFFFFF  }
0xad: {  	s28 =	simm.s32 $_size_execute0_lowered;
	s4 =	sadd.s32 s4, s6;
	[dreg:$0x0] =	wrdreg $0x0  }
0xae: {  	s6 =	sshll.u32 s28, $0x1;
	[dreg:$0x2] =	wrdreg s4  }
0xaf: {  	[dreg:$0x3] =	wrdreg s6  }
0xb0: {  	[dreg:$0x4] =	wrdreg $0xC0  }
0xb1: {  	_ =	task [dreg:s8], $0x5FFFF  }
0xb2: {  	[dreg:$0x1] =	wrdreg $0xFFFFFFFF  }
0xb3: {  	[dreg:$0x0] =	wrdreg $0x60  }
0xb4: {  	[dreg:$0x2] =	wrdreg s24  }
0xb5: {  	[dreg:$0x3] =	wrdreg s15  }
0xb6: {  	[dreg:$0x4] =	wrdreg s16  }
0xb7: {  	[dreg:$0x5] =	wrdreg $0x9  }
0xb8: {  	_ =	task.clear_ibuf [dreg:s8], $0x6FFFF;
	_ =	strace $0x9000004C  }
0xb9: {  	s29 =	simm.s32 $0x9;
	_ =	strace $0x8000004E  }
0xba: {  	_ =	swait.ge [sflag:s29], $0x1  }
0xbb: {  	[sflag:s29] =	ssyncadd.s32 $0xFFFFFFFF  }
0xbc: {  	_ =	strace $0x9000004E  }
0xbd: {  	_ =	sfence  }
0xbe: {  	s30 =	sld [smem:$0x0];
	_ =	sdelay $0x2  }
0xbf: {  	s31 =	sshll.u32 s1, $0xD;
	s1 =	sshrl.u32 s1, $0x2  }
0xc0: {  	s3 =	sand.u32 $0x4000, s31;
	s1 =	sadd.s32 s1, s30  }
0xc1: {  	s0 =	sor.u32 s3, s0;
	s1 =	sshll.u32 s1, $0x11  }
0xc2: {  	s0 =	sor.u32 s1, s0  }
0xc3: {  	s0 =	sadd.s32 $0x8F2B, s0  }
0xc4: {  	[sflag:s0] =	ssyncadd.remote.s32 $0x1  }
0xc5: {  	_ =	sfence.sel $0xFFFF  }
0xc6: {  	[dreg:$0x0] =	wrdreg $0xFFFFFFFF;
	(pc) =	sbr.abs _section_cstart, $3  }
0xc7: {  	[dreg:$0x1] =	wrdreg $0xFFFFFFFF  }
0xc8: {  	_ =	task.clear_ibuf [dreg:s8], $0x2FFFF;
	_ =	strace $0x9FFFFFFF  }
0xc9: {  	(tm) =	ssettm $0x7FFFFFFF  }
tec
execute0_lowered:
.L_overlay_start_1:
0x0: {  	(tag) =	ssettag $0x1  }
0x1: {  	s0 =	rddreg [dreg:$0x0]  }
0x2: {  	s1 =	rddreg [dreg:$0x2];
	s3 =	simm.s32 $0x0  }
0x3: {  	s2 =	srdreg.scid;
	s6 =	stileid.u32;
	s21 =	simm.s32 $0x1  }
0x4: {  	s28 =	simm.s32 $0xED00;
	s29 =	simm.s32 $0x11480;
	s31 =	simm.s32 $0x16400  }
0x5: {  	s30 =	simm.s32 $0x1B480;
	s22 =	simm.s32 $0x0;
	[smem:$0x7FF] =	sst s3  }
0x6: {  	s2 =	sand.u32 $0x1, s2;
	s4 =	sshll.u32 s6, $0x1;
	s5 =	sadd.s32 $0x5400, s0  }
0x7: {  	s23 =	sadd.s32 $0x5A00, s0;
	s7 =	sshrl.u32 s6, $0x2;
	s6 =	sadd.s32 $0x5C00, s0  }
0x8: {  	_ =	strace $0x8000004D;
	[dreg:$0x4] =	wrdreg s5;
	s4 =	sor.u32 s2, s4  }
0x9: {  	[dreg:$0x5] =	wrdreg s23;
	s8 =	smul.u32 $0x13C00, s7;
	s2 =	ssub.s32 $0x2, s2  }
0xa: {  	s24 =	smul.u32 $0x4E2, s4;
	s4 =	sshll.u32 s4, $0x7;
	s26 =	sshrl.u32 s2, $0x1  }
0xb: {  	s7 =	sshll.u32 s7, $0xA;
	s4 =	sand.u32 $0x380, s4;
	s2 =	ssub.s32 s2, s26  }
0xc: {  	s26 =	simm.s32 $0xC580;
	s13 =	sadd.s32 s24, s0;
	s8 =	sor.u32 s8, s4  }
0xd: {  	s4 =	sor.u32 s7, s4;
	s12 =	sadd.s32 s1, s24;
	s20 =	smax.u32 s2, $0x1  }
0xe: {  	s2 =	simm.s32 $0x18B80;
	s1 =	simm.s32 $0x1B380;
	s24 =	simm.s32 $0x80  }
0xf: {  	s25 =	sshrl.u32 s8, $0x3;
	s4 =	sshrl.u32 s4, $0x3;
	s7 =	sadd.s32 $0x54400, s13  }
0x10: {  	s8 =	sadd.s32 $0x5E200, s13;
	s9 =	sadd.s32 $0x68000, s13;
	s10 =	sadd.s32 $0x4A600, s13  }
0x11: {  	s11 =	sadd.s32 $0x40800, s13;
	s13 =	sadd.s32 $0x5E00, s13;
	s16 =	sadd.s32 s25, s0  }
0x12: {  	s0 =	sadd.s32 s4, s0;
	s25 =	simm.s32 $0x400;
	s14 =	sadd.s32 $0xFC00, s16  }
0x13: {  	s15 =	sadd.s32 $0x23800, s0;
	s16 =	sadd.s32 $0x19A00, s16;
	s17 =	sadd.s32 $0x23A00, s0  }
0x14: {  	v0 =	vimm.f32 $0.0e+00;
	v1 =	vimm.s32 $0x0;
	s18 =	sadd.s32 $0x23C00, s0;
	s19 =	sadd.s32 $0x23E00, s0;
	s0 =	simm.s32 $0x18C00  }
.LBB2_1:
0x15: {  	[tilespmem:s3], [sflag:$0x1] =	stream.linear.gather [hbm4b:s7+s3], $0x2710, $0x38;
	[tilespmem:$0x1B500] =	vst v63  }
0x16: {  	_ =	swait.ge [sflag:s21], $0x2710  }
0x17: {  	[sflag:s21] =	ssyncset.done $0x0  }
0x18: {  	s4 =	simm.s32 $0x2780;
	[sflag:s21] =	ssyncadd.s32 $0xFFFFD8F0  }
0x19: {  	[tilespmem:s4], [sflag:$0x1] =	stream.linear.gather [hbm4b:s8+s3], $0x2710, $0x38;
	[tilespmem:$0x1B500] =	vst v63  }
0x1a: {  	_ =	swait.ge [sflag:s21], $0x2710  }
0x1b: {  	[sflag:s21] =	ssyncset.done $0x0  }
0x1c: {  	s23 =	simm.s32 $0x4F00;
	[sflag:s21] =	ssyncadd.s32 $0xFFFFD8F0  }
0x1d: {  	[tilespmem:s23], [sflag:$0x1] =	stream.linear.gather [hbm4b:s9+s3], $0x2710, $0x38;
	[tilespmem:$0x1B500] =	vst v63  }
0x1e: {  	_ =	swait.ge [sflag:s21], $0x2710  }
0x1f: {  	[sflag:s21] =	ssyncset.done $0x0  }
0x20: {  	s5 =	simm.s32 $0x7680;
	[sflag:s21] =	ssyncadd.s32 $0xFFFFD8F0  }
0x21: {  	[tilespmem:s5], [sflag:$0x1] =	stream.linear.gather [hbm4b:s10+s3], $0x2710, $0x38;
	[tilespmem:$0x1B500] =	vst v63  }
0x22: {  	_ =	swait.ge [sflag:s21], $0x2710  }
0x23: {  	[sflag:s21] =	ssyncset.done $0x0  }
0x24: {  	s23 =	simm.s32 $0x9E00;
	[sflag:s21] =	ssyncadd.s32 $0xFFFFD8F0  }
0x25: {  	[tilespmem:s23], [sflag:$0x1] =	stream.linear.gather [hbm4b:s11+s3], $0x2710, $0x38;
	[tilespmem:$0x1B500] =	vst v63  }
0x26: {  	_ =	swait.ge [sflag:s21], $0x2710  }
0x27: {  	[sflag:s21] =	ssyncset.done $0x0  }
0x28: {  	[sflag:s21] =	ssyncadd.s32 $0xFFFFD8F0  }
0x29: {  	s5 =	rddreg [dreg:$0x1]  }
0x2a: {  	[tilespmem:s26], [sflag:$0x1] =	stream.linear.gather [hbm4b:s5+s3], $0x2780, $0x38;
	[tilespmem:$0x1B500] =	vst v63  }
0x2b: {  	_ =	swait.ge [sflag:s21], $0x2780  }
0x2c: {  	[sflag:s21] =	ssyncset.done $0x0  }
0x2d: {  	s23 =	rddreg [dreg:$0x4];
	[sflag:s21] =	ssyncadd.s32 $0xFFFFD880  }
0x2e: {  	[tilespmem:s28], [sflag:$0x1] =	stream.linear.gather [hbm4b:s23+s3], $0x2780, $0x38;
	[tilespmem:$0x1B500] =	vst v63  }
0x2f: {  	_ =	swait.ge [sflag:s21], $0x2780  }
0x30: {  	[sflag:s21] =	ssyncset.done $0x0  }
0x31: {  	s5 =	rddreg [dreg:$0x5];
	[sflag:s21] =	ssyncadd.s32 $0xFFFFD880  }
0x32: {  	[tilespmem:s29], [sflag:$0x1] =	stream.linear.gather [hbm4b:s5+s3], $0x80, $0x38;
	[tilespmem:$0x1B500] =	vst v63  }
0x33: {  	_ =	swait.ge [sflag:s21], $0x80  }
0x34: {  	[sflag:s21] =	ssyncset.done $0x0  }
0x35: {  	s23 =	simm.s32 $0x1B400;
	[sflag:s21] =	ssyncadd.s32 $0xFFFFFF80  }
0x36: {  	[tilespmem:s23], [sflag:$0x1] =	stream.linear.gather [hbm4b:s6+s3], $0x80, $0x38;
	[tilespmem:$0x1B500] =	vst v63  }
0x37: {  	_ =	swait.ge [sflag:s21], $0x80  }
0x38: {  	[sflag:s21] =	ssyncset.done $0x0  }
0x39: {  	s4 =	simm.s32 $0x40;
	s5 =	simm.s32 $0x0;
	[sflag:s21] =	ssyncadd.s32 $0xFFFFFF80  }
.LBB2_2:
0x3a: {  	p0 =	sne.s32 s4, $0x9DC0;
	[tilespmem:s5+$0x16400] =	vst v0;
	s5 =	smov.u32 s4;
	s4 =	sadd.s32 $0x40, s4  }
.Ltmp0:
0x3b: {  	(pc) =	sbr.rel @p0 .LBB2_2-.Ltmp0, $2  }
0x3c: {  	_ =	sdelay $0x2  }
0x3d: {  	s5 =	sshra.s32 s5, $0x2  }
0x3e: {  	[tilespmem:s5+$0x16400] =	vst v0  }
0x3f: {  	[tilespmem:$0x18B80] =	vst v0  }
0x40: {  	[tilespmem:$0x18B90] =	vst v0  }
0x41: {  	[tilespmem:$0x18BA0] =	vst v0  }
0x42: {  	[tilespmem:$0x18BB0] =	vst v0  }
0x43: {  	[tilespmem:$0x18BC0] =	vst v0  }
0x44: {  	[tilespmem:$0x18BD0] =	vst v0  }
0x45: {  	[tilespmem:$0x18BE0] =	vst v0  }
0x46: {  	s4 =	simm.s32 $0x40;
	s5 =	simm.s32 $0x0;
	[tilespmem:$0x18BF0] =	vst v0  }
.LBB2_4:
0x47: {  	p0 =	sne.s32 s4, $0x9DC0;
	[tilespmem:s5+$0x18C00] =	vst v0;
	s5 =	smov.u32 s4;
	s4 =	sadd.s32 $0x40, s4  }
.Ltmp1:
0x48: {  	(pc) =	sbr.rel @p0 .LBB2_4-.Ltmp1, $2  }
0x49: {  	_ =	sdelay $0x2  }
0x4a: {  	s5 =	sshra.s32 s5, $0x2  }
0x4b: {  	[tilespmem:s5+$0x18C00] =	vst v0;
	v2 =	vimm.f32 $0.0e+00  }
0x4c: {  	[tilespmem:$0x1B380] =	vst v2  }
0x4d: {  	[tilespmem:$0x1B390] =	vst v2  }
0x4e: {  	[tilespmem:$0x1B3A0] =	vst v2  }
0x4f: {  	[tilespmem:$0x1B3B0] =	vst v2  }
0x50: {  	[tilespmem:$0x1B3C0] =	vst v2  }
0x51: {  	[tilespmem:$0x1B3D0] =	vst v2  }
0x52: {  	[tilespmem:$0x1B3E0] =	vst v2  }
0x53: {  	s4 =	simm.s32 $0x0;
	[tilespmem:$0x1B3F0] =	vst v2  }
0x54: {  	v3 =	vld [tilespmem:s4+$0x0];
	_ =	sdelay $0x6  }
0x55: {  	v6 =	vld [tilespmem:s4+$0x2780]  }
0x56: {  	v4 =	vld.idx.msk [tilespmem:v3+s28+$0x0], $0xffff;
	_ =	sdelay $0x4  }
0x57: {  	v5 =	vsub.f32 v6, v4;
	_ =	sdelay $0x1  }
0x58: {  	v5 =	vmul.f32 $1.442695020e+00, v5;
	_ =	sdelay $0x1  }
0x59: {  	(erf) = vpow2.f32 v5;
	v5 =	vld [tilespmem:$0x1B400]  }
0x5a: {  	v7 =	vld [tilespmem:s4+$0x7680];
	_ =	sdelay $0x2  }
0x5b: {  	vm1 =	vge.f32 v6, v4  }
0x5c: {  	v4 =	vsel vm1, $0x3F800000, v1;
	vm0 =	veq.s32 v5, $0x0  }
0x5d: {  	v4 =	vsel vm0, v4, v7;
	_ =	sdelay $0x2  }
0x5e: {  	[tilespmem:s4+$0x11500] =	vst v4;
	v4 =	vpop (erf)  }
0x5f: {  	[tilespmem:v3+s31+$0x0] =	vst.idx.add.f32.msk $0xffff, v4  }
0x60: {  	[tilespmem:v3+s0+$0x0] =	vst.idx.add.f32.msk $0xffff, v7  }
0x61: {  	v4 =	vld.idx.msk [tilespmem:v3+s26+$0x0], $0xffff;
	_ =	sdelay $0x6  }
0x62: {  	v8 =	vld [tilespmem:s4+$0x4F00]  }
0x63: {  	v3 =	vld.idx.msk [tilespmem:v4+s29+$0x0], $0xffff;
	_ =	sdelay $0x4  }
0x64: {  	v5 =	vsub.f32 v8, v3;
	_ =	sdelay $0x1  }
0x65: {  	v5 =	vmul.f32 $1.442695020e+00, v5;
	_ =	sdelay $0x1  }
0x66: {  	(erf) = vpow2.f32 v5;
	_ =	sdelay $0x2  }
0x67: {  	v5 =	vld [tilespmem:s4+$0x9E00];
	_ =	sdelay $0x2  }
0x68: {  	vm1 =	vge.f32 v8, v3  }
0x69: {  	v3 =	vsel vm1, $0x3F800000, v1  }
0x6a: {  	v6 =	vmul.f32 v7, v6;
	v3 =	vsel vm0, v3, v5;
	v7 =	vmul.f32 v5, v8  }
0x6b: {  	[tilespmem:s4+$0x13C80] =	vst v3;
	v63 =	vpop (erf)  }
0x6c: {  	s23 =	simm.s32 $0x40;
	s4 =	simm.s32 $0x80;
	v3 =	vadd.f32 v6, v2;
	v2 =	vadd.f32 v7, v2;
	[tilespmem:v4+s2+$0x0] =	vst.idx.add.f32.msk $0xffff, v63  }
.LBB2_6:
0x6d: {  	p0 =	sne.s32 s4, $0x9C00  }
0x6e: {  	s5 =	sshra.s32 s23, $0x2;
	[tilespmem:v4+s1+$0x0] =	vst.idx.add.f32.msk $0xffff, v5;
	s23 =	smov.u32 s4;
	s4 =	sadd.s32 $0x40, s4  }
0x6f: {  	v4 =	vld [tilespmem:s5+$0x0];
	_ =	sdelay $0x7  }
0x70: {  	v5 =	vld.idx.msk [tilespmem:v4+s28+$0x0], $0xffff  }
0x71: {  	v6 =	vld [tilespmem:s5+$0x2780];
	_ =	sdelay $0x1  }
0x72: {  	v7 =	vld [tilespmem:s5+$0x7680];
	_ =	sdelay $0x2  }
0x73: {  	vm1 =	vge.f32 v6, v5;
	v5 =	vsub.f32 v6, v5  }
0x74: {  	v8 =	vsel vm1, $0x3F800000, v1  }
0x75: {  	v8 =	vsel vm0, v8, v7;
	v5 =	vmul.f32 $1.442695020e+00, v5;
	v6 =	vmul.f32 v7, v6;
	_ =	sdelay $0x1  }
0x76: {  	v3 =	vadd.f32 v6, v3;
	(erf) = vpow2.f32 v5;
	_ =	sdelay $0x8  }
0x77: {  	[tilespmem:s5+$0x11500] =	vst v8;
	v5 =	vpop (erf)  }
0x78: {  	[tilespmem:v4+s31+$0x0] =	vst.idx.add.f32.msk $0xffff, v5  }
0x79: {  	[tilespmem:v4+s0+$0x0] =	vst.idx.add.f32.msk $0xffff, v7  }
0x7a: {  	v4 =	vld.idx.msk [tilespmem:v4+s26+$0x0], $0xffff;
	_ =	sdelay $0x7  }
0x7b: {  	v6 =	vld.idx.msk [tilespmem:v4+s29+$0x0], $0xffff  }
0x7c: {  	v7 =	vld [tilespmem:s5+$0x4F00];
	_ =	sdelay $0x1  }
0x7d: {  	v5 =	vld [tilespmem:s5+$0x9E00];
	_ =	sdelay $0x2  }
0x7e: {  	vm1 =	vge.f32 v7, v6;
	v6 =	vsub.f32 v7, v6  }
0x7f: {  	v8 =	vsel vm1, $0x3F800000, v1  }
0x80: {  	v8 =	vsel vm0, v8, v5;
	v6 =	vmul.f32 $1.442695020e+00, v6;
	v7 =	vmul.f32 v5, v7  }
0x81: {  	[tilespmem:s5+$0x13C80] =	vst v8  }
0x82: {  	v2 =	vadd.f32 v7, v2;
	(erf) = vpow2.f32 v6;
	_ =	sdelay $0x5  }
.Ltmp2:
0x83: {  	(pc) =	sbr.rel @p0 .LBB2_6-.Ltmp2, $3  }
0x84: {  	_ =	sdelay $0x1  }
0x85: {  	v6 =	vpop (erf)  }
0x86: {  	[tilespmem:v4+s2+$0x0] =	vst.idx.add.f32.msk $0xffff, v6  }
0x87: {  	_ =	sdelay $0x3  }
0x88: {  	s4 =	sshra.s32 s23, $0x2;
	[tilespmem:v4+s1+$0x0] =	vst.idx.add.f32.msk $0xffff, v5  }
0x89: {  	v4 =	vld [tilespmem:s4+$0x0];
	_ =	sdelay $0x6  }
0x8a: {  	v6 =	vld [tilespmem:s4+$0x2780]  }
0x8b: {  	v5 =	vld.idx.msk [tilespmem:v4+s28+$0x0], $0xffff;
	_ =	sdelay $0x4  }
0x8c: {  	v7 =	vsub.f32 v6, v5;
	_ =	sdelay $0x1  }
0x8d: {  	v7 =	vmul.f32 $1.442695020e+00, v7;
	_ =	sdelay $0x1  }
0x8e: {  	(erf) = vpow2.f32 v7;
	_ =	sdelay $0x2  }
0x8f: {  	v59 =	vld [tilespmem:s4+$0x7680];
	_ =	sdelay $0x2  }
0x90: {  	vm1 =	vge.f32 v6, v5  }
0x91: {  	v5 =	vsel vm1, $0x3F800000, v1  }
0x92: {  	v5 =	vsel vm0, v5, v59  }
0x93: {  	[tilespmem:s4+$0x11500] =	vst v5;
	v60 =	vpop (erf)  }
0x94: {  	[tilespmem:v4+s31+$0x0] =	vst.idx.add.f32.msk $0xffff, v60  }
0x95: {  	[tilespmem:v4+s0+$0x0] =	vst.idx.add.f32.msk $0xffff, v59  }
0x96: {  	v4 =	vld.idx.msk [tilespmem:v4+s26+$0x0], $0xffff;
	_ =	sdelay $0x6  }
0x97: {  	v8 =	vld [tilespmem:s4+$0x4F00]  }
0x98: {  	v5 =	vld.idx.msk [tilespmem:v4+s29+$0x0], $0xffff;
	_ =	sdelay $0x4  }
0x99: {  	v9 =	vsub.f32 v8, v5;
	_ =	sdelay $0x1  }
0x9a: {  	v9 =	vmul.f32 $1.442695020e+00, v9;
	_ =	sdelay $0x1  }
0x9b: {  	(erf) = vpow2.f32 v9;
	_ =	sdelay $0x2  }
0x9c: {  	v61 =	vld [tilespmem:s4+$0x9E00];
	_ =	sdelay $0x2  }
0x9d: {  	vm15 =	vge.f32 v8, v5  }
0x9e: {  	v5 =	vsel vm15, $0x3F800000, v1  }
0x9f: {  	v5 =	vsel vm0, v5, v61  }
0xa0: {  	[tilespmem:s4+$0x13C80] =	vst v5;
	v62 =	vpop (erf)  }
0xa1: {  	[tilespmem:v4+s2+$0x0] =	vst.idx.add.f32.msk $0xffff, v62  }
0xa2: {  	s5 =	simm.s32 $0x11500;
	[tilespmem:v4+s1+$0x0] =	vst.idx.add.f32.msk $0xffff, v61  }
0xa3: {  	[hbm4b:s12+s3] =	stream.linear.scatter [tilespmem:s5], [sflag:$0x1], $0x2710, $0x38;
	[tilespmem:$0x1B500] =	vst v63  }
0xa4: {  	_ =	swait.ge [sflag:s21], $0x2710  }
0xa5: {  	[sflag:s21] =	ssyncset.done $0x0  }
0xa6: {  	s23 =	simm.s32 $0x13C80;
	[sflag:s21] =	ssyncadd.s32 $0xFFFFD8F0  }
0xa7: {  	[hbm4b:s13+s3] =	stream.linear.scatter [tilespmem:s23], [sflag:$0x1], $0x2710, $0x38;
	[tilespmem:$0x1B500] =	vst v63  }
0xa8: {  	_ =	swait.ge [sflag:s21], $0x2710  }
0xa9: {  	[sflag:s21] =	ssyncset.done $0x0  }
0xaa: {  	[sflag:s21] =	ssyncadd.s32 $0xFFFFD8F0  }
0xab: {  	[hbm4b:s14+s24] =	stream.strided.scatter [tilespmem:s31], [sflag:$0x1], $0x2780, s25, s24, $0x38;
	[tilespmem:$0x1B500] =	vst v63  }
0xac: {  	_ =	swait.ge [sflag:s21], $0x2780  }
0xad: {  	[sflag:s21] =	ssyncset.done $0x0  }
0xae: {  	[sflag:s21] =	ssyncadd.s32 $0xFFFFD880  }
0xaf: {  	[hbm4b:s15+s3] =	stream.linear.scatter [tilespmem:s2], [sflag:$0x1], $0x80, $0x38;
	[tilespmem:$0x1B500] =	vst v63  }
0xb0: {  	_ =	swait.ge [sflag:s21], $0x80  }
0xb1: {  	[sflag:s21] =	ssyncset.done $0x0  }
0xb2: {  	[sflag:s21] =	ssyncadd.s32 $0xFFFFFF80  }
0xb3: {  	[hbm4b:s16+s24] =	stream.strided.scatter [tilespmem:s0], [sflag:$0x1], $0x2780, s25, s24, $0x38;
	[tilespmem:$0x1B500] =	vst v63  }
0xb4: {  	_ =	swait.ge [sflag:s21], $0x2780  }
0xb5: {  	[sflag:s21] =	ssyncset.done $0x0  }
0xb6: {  	[sflag:s21] =	ssyncadd.s32 $0xFFFFD880  }
0xb7: {  	v63 =	vmul.f32 v59, v6;
	[hbm4b:s17+s3] =	stream.linear.scatter [tilespmem:s1], [sflag:$0x1], $0x80, $0x38;
	[tilespmem:$0x1B500] =	vst v63  }
0xb8: {  	_ =	swait.ge [sflag:s21], $0x80  }
0xb9: {  	v3 =	vadd.f32 v63, v3;
	[sflag:s21] =	ssyncset.done $0x0  }
0xba: {  	[sflag:s21] =	ssyncadd.s32 $0xFFFFFF80  }
0xbb: {  	[tilespmem:$0x1B480] =	vst v3  }
0xbc: {  	v3 =	vmul.f32 v61, v8;
	[hbm4b:s18+s3] =	stream.linear.scatter [tilespmem:s30], [sflag:$0x1], $0x80, $0x38;
	[tilespmem:$0x1B500] =	vst v63  }
0xbd: {  	_ =	swait.ge [sflag:s21], $0x80  }
0xbe: {  	s22 =	sadd.s32 $0x1, s22;
	v2 =	vadd.f32 v3, v2;
	[sflag:s21] =	ssyncset.done $0x0  }
0xbf: {  	p0 =	sne.s32 s22, s20;
	[sflag:s21] =	ssyncadd.s32 $0xFFFFFF80  }
.Ltmp3:
0xc0: {  	[tilespmem:$0x1B480] =	vst v2;
	(pc) =	sbr.rel @p0 .LBB2_1-.Ltmp3, $4  }
0xc1: {  	[hbm4b:s19+s3] =	stream.linear.scatter [tilespmem:s30], [sflag:$0x1], $0x80, $0x38;
	[tilespmem:$0x1B500] =	vst v63  }
0xc2: {  	_ =	swait.ge [sflag:s21], $0x80  }
0xc3: {  	[sflag:s21] =	ssyncset.done $0x0  }
0xc4: {  	[sflag:s21] =	ssyncadd.s32 $0xFFFFFF80  }
0xc5: {  	_ =	sfence.sel $0x180000  }
0xc6: {  	[bflag:$0x0] =	sbarrier.arrive $0xFFFF  }
0xc7: {  	_ =	strace $0x9000004D  }
0xc8: {  	s0 =	stileid.u32;
	[bflag:$0x2] =	sbarrier.arrive $0xFFFF  }
0xc9: {  	p0 =	sne.s32 s0, $0x0;
	s0 =	rddreg [dreg:$0x3]  }
0xca: {  	s0 =	sadd.s32 @!p0 $0x100000, s0  }
0xcb: {  	[sflag:s0] =	ssyncadd.tile.s32 @!p0 $0x1;
	_ =	shalt  }
.Lfunc_end2:
_tile_overlayer_lowered:
.L_overlay_start_2:
0xcc: {  	(tag) =	ssettag $0x2  }
0xcd: {  	s0 =	rddreg [dreg:$0x0];
	s2 =	stileid.u32  }
0xce: {  	s1 =	rddreg [dreg:$0x1];
	p0 =	sne.s32 s2, $0x0  }
0xcf: {  	s3 =	rddreg [dreg:$0x2];
	[bflag:$0x3] =	sbarrier.arrive $0xFFFF;
	s2 =	simm.s32 @!p0 $0x1C01  }
0xd0: {  	[timem:s3], [sflag:s2] =	dma.local @!p0 [hbm:s0], s1  }
0xd1: {  	s0 =	simm.s32 @!p0 $0x1  }
0xd2: {  	_ =	swait.ge @!p0 [sflag:s0], s1  }
0xd3: {  	s1 =	ssub.s32 @!p0 $0x0, s1;
	[sflag:s0] =	ssyncset.done @!p0 $0x0  }
0xd4: {  	[sflag:s0] =	ssyncadd.s32 @!p0 s1  }
0xd5: {  	[bflag:$0x3] =	sbarrier.arrive $0xFFFF  }
0xd6: {  	_ =	shalt  }

</sc_bundles>
